<compile_context>
chip_gen: v7x
topology: tpu7x:2x2x1
jax: 0.10.2.dev20260603
libtpu: 0.0.44.dev20260713+nightly
codegen_flags: <defaults>
</compile_context>

<pallas_src>
import functools

import jax
import jax.numpy as jnp
from jax import lax
from jax.experimental import pallas as pl
from jax.experimental.pallas import tpu as pltpu
from jax.experimental.pallas import tpu_sc as plsc

_NUM_CORES = 2
_NUM_SUBCORES = 16
_NW = _NUM_CORES * _NUM_SUBCORES
_LANES = 16

_CHUNK = 128
_SUP_G = 5
_SUP = _SUP_G * _CHUNK

_C = 2


def _sc_gather_paired(embed, idx_c, pair):
    m = idx_c.shape[0]
    F = embed.shape[1]
    per_w = m // _NW
    n_sup = per_w // _SUP
    assert n_sup * _SUP == per_w
    n_blocks = per_w // (2 * pair)
    mesh = plsc.VectorSubcoreMesh(core_axis_name="c", subcore_axis_name="s")

    @functools.partial(
        pl.kernel,
        mesh=mesh,
        out_type=jax.ShapeDtypeStruct((m, F), jnp.float32),
        compiler_params=pltpu.CompilerParams(
            use_tc_tiling_on_sc=False, needs_layout_passes=False),
        scratch_types=[
            pltpu.VMEM((per_w,), jnp.int32),
            pltpu.VMEM((per_w,), jnp.int32),
            pltpu.VMEM((2, _SUP, F), jnp.float32),
            pltpu.SemaphoreType.DMA,
            pltpu.SemaphoreType.DMA,
            pltpu.SemaphoreType.DMA,
            pltpu.SemaphoreType.DMA,
        ],
    )
    def gather_kernel(table_hbm, idx_hbm, out_hbm, idx_v, int_v, rows_v,
                      gs0, gs1, ws0, ws1):
        wid = lax.axis_index("s") * _NUM_CORES + lax.axis_index("c")
        base = wid * per_w
        pltpu.sync_copy(idx_hbm.at[pl.ds(base, per_w)], idx_v)

        lane_pos = 2 * lax.iota(jnp.int32, _LANES)

        def ilv_body(i, carry):
            t = i // (pair // _LANES)
            k = i % (pair // _LANES)
            lo_off = t * 2 * pair + k * _LANES
            lo = jnp.maximum(idx_v[pl.ds(lo_off, _LANES)], 1)
            hi = jnp.maximum(idx_v[pl.ds(lo_off + pair, _LANES)], 1)
            pos = lane_pos + (t * 2 * pair + 2 * k * _LANES)
            plsc.store_scatter(int_v, [pos], lo)
            plsc.store_scatter(int_v, [pos + 1], hi)
            return carry

        lax.fori_loop(0, n_blocks * (pair // _LANES), ilv_body, 0, unroll=2)

        def do_super(s, slot, gsem, wsem):
            row0 = s * _SUP

            @pl.when(s >= 2)
            def _():
                pltpu.make_async_copy(
                    rows_v.at[slot], out_hbm.at[pl.ds(base, _SUP)], wsem
                ).wait()

            descs = [
                pltpu.async_copy(
                    table_hbm.at[int_v.at[pl.ds(row0 + j * _CHUNK, _CHUNK)]],
                    rows_v.at[slot, pl.ds(j * _CHUNK, _CHUNK)],
                    gsem,
                )
                for j in range(_SUP_G)
            ]
            for d in descs:
                d.wait()

            pltpu.async_copy(
                rows_v.at[slot], out_hbm.at[pl.ds(base + row0, _SUP)], wsem
            )

        def body(p, carry):
            do_super(2 * p, 0, gs0, ws0)
            do_super(2 * p + 1, 1, gs1, ws1)
            return carry

        lax.fori_loop(0, n_sup // 2, body, 0)
        if n_sup % 2:
            do_super(n_sup - 1, 0, gs0, ws0)
        pltpu.make_async_copy(rows_v.at[0], out_hbm.at[pl.ds(base, _SUP)], ws0).wait()
        pltpu.make_async_copy(rows_v.at[1], out_hbm.at[pl.ds(base, _SUP)], ws1).wait()

    return gather_kernel(embed, idx_c)


def _tc_film_chunk(e2_c, x2, w_pack, bg, bb, out_prev, c, pair):
    h_c, F2 = e2_c.shape
    M, D = x2.shape
    pb = 4
    blk2 = pb * pair
    blk = 2 * blk2
    nb_c = h_c // blk2
    off = c * nb_c

    def body(e_ref, x_ref, w_ref, bg_ref, bb_ref, *rest):
        o_ref = rest[-1]
        one_bg = 1.0 + bg_ref[...]
        for t in range(pb):
            e_bf = e_ref[t * pair:(t + 1) * pair].astype(jnp.bfloat16)
            g = jnp.dot(e_bf, w_ref[...], preferred_element_type=jnp.float32)
            xlo = x_ref[2 * t * pair:(2 * t + 1) * pair]
            xhi = x_ref[(2 * t + 1) * pair:(2 * t + 2) * pair]
            o_ref[2 * t * pair:(2 * t + 1) * pair] = (
                g[:, :D] + one_bg) * xlo + (g[:, 2 * D:3 * D] + bb_ref[...])
            o_ref[(2 * t + 1) * pair:(2 * t + 2) * pair] = (
                g[:, D:2 * D] + one_bg) * xhi + (g[:, 3 * D:] + bb_ref[...])

    in_specs = [
        pl.BlockSpec((blk2, F2), lambda i: (i, 0)),
        pl.BlockSpec((blk, D), lambda i, _o=off: (i + _o, 0)),
        pl.BlockSpec((F2, 4 * D), lambda i: (0, 0)),
        pl.BlockSpec((1, D), lambda i: (0, 0)),
        pl.BlockSpec((1, D), lambda i: (0, 0)),
    ]
    args = [e2_c, x2, w_pack, bg, bb]
    aliases = {}
    if out_prev is not None:
        in_specs.append(pl.BlockSpec(memory_space=pl.ANY))
        args.append(out_prev)
        aliases = {5: 0}
    return pl.pallas_call(
        body,
        grid=(nb_c,),
        in_specs=in_specs,
        out_specs=pl.BlockSpec((blk, D), lambda i, _o=off: (i + _o, 0)),
        out_shape=jax.ShapeDtypeStruct((M, D), jnp.float32),
        input_output_aliases=aliases,
    )(*args)


def kernel(x, mods, embed, W_gamma, b_gamma, W_beta, b_beta):
    B, N, D = x.shape
    F = embed.shape[1]
    M = B * N
    m_c = M // _C
    pair = m_c // _NW // 2
    idx = mods.reshape(M).astype(jnp.int32)
    x2 = x.reshape(M, D)
    zf = jnp.zeros((F, D), jnp.float32)
    w_pack = jnp.block([
        [W_gamma.T, zf, W_beta.T, zf],
        [zf, W_gamma.T, zf, W_beta.T],
    ]).astype(jnp.bfloat16)
    bg = b_gamma.reshape(1, D)
    bb = b_beta.reshape(1, D)

    e2s = []
    for c in range(_C):
        e_c = _sc_gather_paired(embed, lax.slice(idx, (c * m_c,), ((c + 1) * m_c,)), pair)
        e2s.append(e_c.reshape(m_c // 2, 2 * F))

    out = _tc_film_chunk(e2s[0], x2, w_pack, bg, bb, None, 0, pair)
    for c in range(1, _C):
        out = _tc_film_chunk(e2s[c], x2, w_pack, bg, bb, out, c, pair)
    return out.reshape(B, N, D)

# --- scband reference (transcript-rebuilt; emitter-appended) ---
"""Pipeline reference for scband-fi-lm-25744033972252 (READ-ONLY COPY).

The authoritative reference and input builder live on the scoring server;
editing this copy changes nothing except your own understanding.
"""

import jax, jax.numpy as jnp
import numpy as np

B, N, D, F, K = 1024, 200, 128, 64, 100000

def setup_inputs(seed: int = 0) -> dict:
    key = jax.random.key(seed)
    k1, k2, k3, k4, k5 = jax.random.split(key, 5)
    x = jax.random.normal(k1, (B, N, D), dtype=jnp.float32)
    mods = jax.random.randint(k2, (B, N), 0, K)
    # learned params sized per init_kwargs: emb_sz = num_modules + 1 (mods_start_from_one=True)
    embed = jax.random.normal(k3, (K + 1, F), dtype=jnp.float32) * 0.02
    W_gamma = jax.random.normal(k4, (D, F), dtype=jnp.float32) * 0.02
    b_gamma = jnp.zeros((D,), dtype=jnp.float32)
    W_beta = jax.random.normal(k5, (D, F), dtype=jnp.float32) * 0.02
    b_beta = jnp.zeros((D,), dtype=jnp.float32)
    return {"x": x, "mods": mods, "embed": embed, "W_gamma": W_gamma, "b_gamma": b_gamma, "W_beta": W_beta, "b_beta": b_beta}

def reference(x, mods, embed, W_gamma, b_gamma, W_beta, b_beta):
    # mods_start_from_one=True -> clamp_min(1)
    m = jnp.maximum(mods, 1)
    e = jnp.take(embed, m, axis=0)          # embedding gather: (B, N, F)
    gamma = 1.0 + e @ W_gamma.T + b_gamma   # (B, N, D)
    beta = e @ W_beta.T + b_beta            # (B, N, D)
    return gamma * x + beta

if __name__ == "__main__":
    import jax
    _d = setup_inputs()
    print(jax.jit(kernel)(*tuple(_d.values())))

</pallas_src>

<mosaic_0001>
#map = affine_map<(d0, d1) -> (0, 0)>
#map1 = affine_map<(d0, d1) -> (0)>
module attributes {stable_mosaic.version = 14 : i64} {
  func.func @gather_kernel(%arg0: i32, %arg1: i32, %arg2: memref<100001x64xf32, #tpu.memory_space<hbm>>, %arg3: memref<102400xi32, #tpu.memory_space<hbm>>, %arg4: memref<102400x64xf32, #tpu.memory_space<hbm>>, %arg5: memref<3200xi32, #tpu.memory_space<vmem>>, %arg6: memref<3200xi32, #tpu.memory_space<vmem>>, %arg7: memref<2x640x64xf32, #tpu.memory_space<vmem>>, %arg8: memref<!tpu.dma_semaphore, #tpu.memory_space<semaphore_mem>>, %arg9: memref<!tpu.dma_semaphore, #tpu.memory_space<semaphore_mem>>, %arg10: memref<!tpu.dma_semaphore, #tpu.memory_space<semaphore_mem>>, %arg11: memref<!tpu.dma_semaphore, #tpu.memory_space<semaphore_mem>>) attributes {dimension_semantics = [#tpu.dimension_semantics<core_parallel>, #tpu.dimension_semantics<subcore_parallel>], iteration_bounds = array<i64: 2, 16>, scalar_prefetch = 0 : i64, scratch_operands = 7 : i64, tpu.core_type = #tpu.core_type<sc_vector_subcore>, window_params = [{transform_indices = #map}, {transform_indices = #map1}, {transform_indices = #map}]} {
    %mul3A = arith.constant 2 : i32
    %mul3A_0 = arith.muli %arg1, %mul3A : i32
    %add3A = arith.addi %mul3A_0, %arg0 : i32
    %mul3A_1 = arith.constant 3200 : i32
    %mul3A_2 = arith.muli %add3A, %mul3A_1 : i32
    "tpu.region"() ({
      %run_scoped3A = tpu.sem_alloc : memref<!tpu.dma_semaphore, #tpu.memory_space<semaphore_mem>>
      %dma_start3A_169 = tpu.memref_slice %arg3[%mul3A_2] : memref<102400xi32, #tpu.memory_space<hbm>> -> memref<3200xi32, #tpu.memory_space<hbm>>
      %dma_start3A_170 = tpu.memref_slice %arg3[%mul3A_2] : memref<102400xi32, #tpu.memory_space<hbm>> -> memref<3200xi32, #tpu.memory_space<hbm>>
      tpu.enqueue_dma source(%dma_start3A_170 : memref<3200xi32, #tpu.memory_space<hbm>>) target(%arg5 : memref<3200xi32, #tpu.memory_space<vmem>>) target_semaphore(%run_scoped3A : memref<!tpu.dma_semaphore, #tpu.memory_space<semaphore_mem>>)
      %dma_wait3A_171 = tpu.memref_slice %arg3[%mul3A_2] : memref<102400xi32, #tpu.memory_space<hbm>> -> memref<3200xi32, #tpu.memory_space<hbm>>
      %dma_wait3A_172 = tpu.memref_slice %arg3[%mul3A_2] : memref<102400xi32, #tpu.memory_space<hbm>> -> memref<3200xi32, #tpu.memory_space<hbm>>
      tpu.wait_dma2 semaphore(%run_scoped3A : memref<!tpu.dma_semaphore, #tpu.memory_space<semaphore_mem>>) src(%dma_wait3A_172 : memref<3200xi32, #tpu.memory_space<hbm>>) dst(%arg5 : memref<3200xi32, #tpu.memory_space<vmem>>)
      tpu.yield
    }) : () -> ()
    %iota3A = tpu.iota {dimensions = array<i32: 0>} : vector<16xi32>
    %mul3A_3 = arith.constant 2 : i32
    %mul3A_4 = vector.broadcast %mul3A_3 : i32 to vector<16xi32>
    %mul3A_5 = arith.muli %mul3A_4, %iota3A : vector<16xi32>
    %scan3A = arith.constant 0 : i32
    %scan3A_6 = arith.constant 0 : i32
    %scan3A_7 = arith.constant 100 : i32
    %scan3A_8 = arith.addi %scan3A_6, %scan3A_7 : i32
    %scan3A_9 = arith.constant 2 : i32
    scf.for %scan3A_169 = %scan3A_6 to %scan3A_8 step %scan3A_9  : i32 {
      %jit3A = arith.constant 100 : i32
      %div3A = arith.divsi %scan3A_169, %jit3A : i32
      %sign3A = arith.constant 0 : i32
      %sign3A_170 = arith.cmpi sgt, %scan3A_169, %sign3A : i32
      %sign3A_171 = arith.extui %sign3A_170 : i1 to i32
      %sign3A_172 = arith.constant 0 : i32
      %sign3A_173 = arith.cmpi slt, %scan3A_169, %sign3A_172 : i32
      %sign3A_174 = arith.extui %sign3A_173 : i1 to i32
      %sign3A_175 = arith.subi %sign3A_171, %sign3A_174 : i32
      %sign3A_176 = arith.constant 0 : i32
      %sign3A_177 = arith.cmpi sgt, %jit3A, %sign3A_176 : i32
      %sign3A_178 = arith.extui %sign3A_177 : i1 to i32
      %sign3A_179 = arith.constant 0 : i32
      %sign3A_180 = arith.cmpi slt, %jit3A, %sign3A_179 : i32
      %sign3A_181 = arith.extui %sign3A_180 : i1 to i32
      %sign3A_182 = arith.subi %sign3A_178, %sign3A_181 : i32
      %ne3A = arith.cmpi ne, %sign3A_175, %sign3A_182 : i32
      %rem3A = arith.remsi %scan3A_169, %jit3A : i32
      %ne3A_183 = arith.constant 0 : i32
      %ne3A_184 = arith.cmpi ne, %rem3A, %ne3A_183 : i32
      %and3A = arith.andi %ne3A, %ne3A_184 : i1
      %sub3A = arith.constant 1 : i32
      %sub3A_185 = arith.subi %div3A, %sub3A : i32
      %select_n3A = arith.select %and3A, %sub3A_185, %div3A : i32
      %jit3A_186 = arith.constant 100 : i32
      %eq3A = arith.constant 0 : i32
      %eq3A_187 = arith.cmpi eq, %jit3A_186, %eq3A : i32
      %jit3A_188 = arith.constant 1 : i32
      %select_n3A_189 = arith.select %eq3A_187, %jit3A_188, %jit3A_186 : i32
      %rem3A_190 = arith.remsi %scan3A_169, %select_n3A_189 : i32
      %ne3A_191 = arith.constant 0 : i32
      %ne3A_192 = arith.cmpi ne, %rem3A_190, %ne3A_191 : i32
      %lt3A = arith.constant 0 : i32
      %lt3A_193 = arith.cmpi slt, %rem3A_190, %lt3A : i32
      %lt3A_194 = arith.constant 0 : i32
      %lt3A_195 = arith.cmpi slt, %select_n3A_189, %lt3A_194 : i32
      %ne3A_196 = arith.xori %lt3A_193, %lt3A_195 : i1
      %and3A_197 = arith.andi %ne3A_196, %ne3A_192 : i1
      %add3A_198 = arith.addi %rem3A_190, %select_n3A_189 : i32
      %select_n3A_199 = arith.select %and3A_197, %add3A_198, %rem3A_190 : i32
      %mul3A_200 = arith.constant 2 : i32
      %mul3A_201 = arith.muli %select_n3A, %mul3A_200 : i32
      %mul3A_202 = arith.constant 1600 : i32
      %mul3A_203 = arith.muli %mul3A_201, %mul3A_202 : i32
      %mul3A_204 = arith.constant 16 : i32
      %mul3A_205 = arith.muli %select_n3A_199, %mul3A_204 : i32
      %add3A_206 = arith.addi %mul3A_203, %mul3A_205 : i32
      %get3A = arith.index_cast %add3A_206 : i32 to index
      %get3A_207 = tpu.vector_load %arg5[%get3A] {strides = array<i32>} : memref<3200xi32, #tpu.memory_space<vmem>>, vector<16xi32>,
      %max3A = arith.constant 1 : i32
      %max3A_208 = vector.broadcast %max3A : i32 to vector<16xi32>
      %max3A_209 = arith.maxsi %get3A_207, %max3A_208 : vector<16xi32>
      %add3A_210 = arith.constant 1600 : i32
      %add3A_211 = arith.addi %add3A_206, %add3A_210 : i32
      %get3A_212 = arith.index_cast %add3A_211 : i32 to index
      %get3A_213 = tpu.vector_load %arg5[%get3A_212] {strides = array<i32>} : memref<3200xi32, #tpu.memory_space<vmem>>, vector<16xi32>,
      %max3A_214 = arith.constant 1 : i32
      %max3A_215 = vector.broadcast %max3A_214 : i32 to vector<16xi32>
      %max3A_216 = arith.maxsi %get3A_213, %max3A_215 : vector<16xi32>
      %mul3A_217 = arith.constant 2 : i32
      %mul3A_218 = arith.muli %select_n3A, %mul3A_217 : i32
      %mul3A_219 = arith.constant 1600 : i32
      %mul3A_220 = arith.muli %mul3A_218, %mul3A_219 : i32
      %mul3A_221 = arith.constant 2 : i32
      %mul3A_222 = arith.muli %mul3A_221, %select_n3A_199 : i32
      %mul3A_223 = arith.constant 16 : i32
      %mul3A_224 = arith.muli %mul3A_222, %mul3A_223 : i32
      %add3A_225 = arith.addi %mul3A_220, %mul3A_224 : i32
      %add3A_226 = vector.broadcast %add3A_225 : i32 to vector<16xi32>
      %add3A_227 = arith.addi %mul3A_5, %add3A_226 : vector<16xi32>
      tpu.vector_store_idx %arg6[%add3A_227], %max3A_209 : memref<3200xi32, #tpu.memory_space<vmem>>[vector<16xi32>], vector<16xi32>,
      %add3A_228 = arith.constant 1 : i32
      %add3A_229 = vector.broadcast %add3A_228 : i32 to vector<16xi32>
      %add3A_230 = arith.addi %add3A_227, %add3A_229 : vector<16xi32>
      tpu.vector_store_idx %arg6[%add3A_230], %max3A_216 : memref<3200xi32, #tpu.memory_space<vmem>>[vector<16xi32>], vector<16xi32>,
      %scan3A_231 = arith.constant 1 : i32
      %scan3A_232 = arith.addi %scan3A_169, %scan3A_231 : i32
      %jit3A_233 = arith.constant 100 : i32
      %div3A_234 = arith.divsi %scan3A_232, %jit3A_233 : i32
      %sign3A_235 = arith.constant 0 : i32
      %sign3A_236 = arith.cmpi sgt, %scan3A_232, %sign3A_235 : i32
      %sign3A_237 = arith.extui %sign3A_236 : i1 to i32
      %sign3A_238 = arith.constant 0 : i32
      %sign3A_239 = arith.cmpi slt, %scan3A_232, %sign3A_238 : i32
      %sign3A_240 = arith.extui %sign3A_239 : i1 to i32
      %sign3A_241 = arith.subi %sign3A_237, %sign3A_240 : i32
      %sign3A_242 = arith.constant 0 : i32
      %sign3A_243 = arith.cmpi sgt, %jit3A_233, %sign3A_242 : i32
      %sign3A_244 = arith.extui %sign3A_243 : i1 to i32
      %sign3A_245 = arith.constant 0 : i32
      %sign3A_246 = arith.cmpi slt, %jit3A_233, %sign3A_245 : i32
      %sign3A_247 = arith.extui %sign3A_246 : i1 to i32
      %sign3A_248 = arith.subi %sign3A_244, %sign3A_247 : i32
      %ne3A_249 = arith.cmpi ne, %sign3A_241, %sign3A_248 : i32
      %rem3A_250 = arith.remsi %scan3A_232, %jit3A_233 : i32
      %ne3A_251 = arith.constant 0 : i32
      %ne3A_252 = arith.cmpi ne, %rem3A_250, %ne3A_251 : i32
      %and3A_253 = arith.andi %ne3A_249, %ne3A_252 : i1
      %sub3A_254 = arith.constant 1 : i32
      %sub3A_255 = arith.subi %div3A_234, %sub3A_254 : i32
      %select_n3A_256 = arith.select %and3A_253, %sub3A_255, %div3A_234 : i32
      %jit3A_257 = arith.constant 100 : i32
      %eq3A_258 = arith.constant 0 : i32
      %eq3A_259 = arith.cmpi eq, %jit3A_257, %eq3A_258 : i32
      %jit3A_260 = arith.constant 1 : i32
      %select_n3A_261 = arith.select %eq3A_259, %jit3A_260, %jit3A_257 : i32
      %rem3A_262 = arith.remsi %scan3A_232, %select_n3A_261 : i32
      %ne3A_263 = arith.constant 0 : i32
      %ne3A_264 = arith.cmpi ne, %rem3A_262, %ne3A_263 : i32
      %lt3A_265 = arith.constant 0 : i32
      %lt3A_266 = arith.cmpi slt, %rem3A_262, %lt3A_265 : i32
      %lt3A_267 = arith.constant 0 : i32
      %lt3A_268 = arith.cmpi slt, %select_n3A_261, %lt3A_267 : i32
      %ne3A_269 = arith.xori %lt3A_266, %lt3A_268 : i1
      %and3A_270 = arith.andi %ne3A_269, %ne3A_264 : i1
      %add3A_271 = arith.addi %rem3A_262, %select_n3A_261 : i32
      %select_n3A_272 = arith.select %and3A_270, %add3A_271, %rem3A_262 : i32
      %mul3A_273 = arith.constant 2 : i32
      %mul3A_274 = arith.muli %select_n3A_256, %mul3A_273 : i32
      %mul3A_275 = arith.constant 1600 : i32
      %mul3A_276 = arith.muli %mul3A_274, %mul3A_275 : i32
      %mul3A_277 = arith.constant 16 : i32
      %mul3A_278 = arith.muli %select_n3A_272, %mul3A_277 : i32
      %add3A_279 = arith.addi %mul3A_276, %mul3A_278 : i32
      %get3A_280 = arith.index_cast %add3A_279 : i32 to index
      %get3A_281 = tpu.vector_load %arg5[%get3A_280] {strides = array<i32>} : memref<3200xi32, #tpu.memory_space<vmem>>, vector<16xi32>,
      %max3A_282 = arith.constant 1 : i32
      %max3A_283 = vector.broadcast %max3A_282 : i32 to vector<16xi32>
      %max3A_284 = arith.maxsi %get3A_281, %max3A_283 : vector<16xi32>
      %add3A_285 = arith.constant 1600 : i32
      %add3A_286 = arith.addi %add3A_279, %add3A_285 : i32
      %get3A_287 = arith.index_cast %add3A_286 : i32 to index
      %get3A_288 = tpu.vector_load %arg5[%get3A_287] {strides = array<i32>} : memref<3200xi32, #tpu.memory_space<vmem>>, vector<16xi32>,
      %max3A_289 = arith.constant 1 : i32
      %max3A_290 = vector.broadcast %max3A_289 : i32 to vector<16xi32>
      %max3A_291 = arith.maxsi %get3A_288, %max3A_290 : vector<16xi32>
      %mul3A_292 = arith.constant 2 : i32
      %mul3A_293 = arith.muli %select_n3A_256, %mul3A_292 : i32
      %mul3A_294 = arith.constant 1600 : i32
      %mul3A_295 = arith.muli %mul3A_293, %mul3A_294 : i32
      %mul3A_296 = arith.constant 2 : i32
      %mul3A_297 = arith.muli %mul3A_296, %select_n3A_272 : i32
      %mul3A_298 = arith.constant 16 : i32
      %mul3A_299 = arith.muli %mul3A_297, %mul3A_298 : i32
      %add3A_300 = arith.addi %mul3A_295, %mul3A_299 : i32
      %add3A_301 = vector.broadcast %add3A_300 : i32 to vector<16xi32>
      %add3A_302 = arith.addi %mul3A_5, %add3A_301 : vector<16xi32>
      tpu.vector_store_idx %arg6[%add3A_302], %max3A_284 : memref<3200xi32, #tpu.memory_space<vmem>>[vector<16xi32>], vector<16xi32>,
      %add3A_303 = arith.constant 1 : i32
      %add3A_304 = vector.broadcast %add3A_303 : i32 to vector<16xi32>
      %add3A_305 = arith.addi %add3A_302, %add3A_304 : vector<16xi32>
      tpu.vector_store_idx %arg6[%add3A_305], %max3A_291 : memref<3200xi32, #tpu.memory_space<vmem>>[vector<16xi32>], vector<16xi32>,
    }
    %scan3A_10 = arith.constant 100 : i32
    %scan3A_11 = arith.constant 0 : i32
    %scan3A_12 = arith.constant 0 : i32
    %scan3A_13 = arith.constant 2 : i32
    %scan3A_14 = arith.addi %scan3A_12, %scan3A_13 : i32
    %scan3A_15 = arith.constant 1 : i32
    scf.for %scan3A_169 = %scan3A_12 to %scan3A_14 step %scan3A_15  : i32 {
      %mul3A_170 = arith.constant 2 : i32
      %mul3A_171 = arith.muli %mul3A_170, %scan3A_169 : i32
      %mul3A_172 = arith.constant 640 : i32
      %mul3A_173 = arith.muli %mul3A_171, %mul3A_172 : i32
      %ge3A = arith.constant 2 : i32
      %ge3A_174 = arith.cmpi sge, %mul3A_171, %ge3A : i32
      %convert_element_type3A = arith.extui %ge3A_174 : i1 to i32
      %cond3A = arith.constant 0 : i32
      %cond3A_175 = arith.cmpi ne, %convert_element_type3A, %cond3A : i32
      scf.if %cond3A_175 {
        %dma_wait3A_415 = arith.constant 0 : i32
        %dma_wait3A_416 = arith.constant 0 : i32
        %dma_wait3A_417 = arith.constant 0 : i32
        %dma_wait3A_418 = tpu.memref_slice %arg7[%dma_wait3A_415, %dma_wait3A_416, %dma_wait3A_417] : memref<2x640x64xf32, #tpu.memory_space<vmem>> -> memref<1x640x64xf32, #tpu.memory_space<vmem>>
        %dma_wait3A_419 = tpu.memref_squeeze %dma_wait3A_418 : memref<1x640x64xf32, #tpu.memory_space<vmem>> -> memref<640x64xf32, #tpu.memory_space<vmem>>
        %dma_wait3A_420 = arith.constant 0 : i32
        %dma_wait3A_421 = tpu.memref_slice %arg4[%mul3A_2, %dma_wait3A_420] : memref<102400x64xf32, #tpu.memory_space<hbm>> -> memref<640x64xf32, #tpu.memory_space<hbm>>
        %dma_wait3A_422 = arith.constant 0 : i32
        %dma_wait3A_423 = tpu.memref_slice %arg4[%mul3A_2, %dma_wait3A_422] : memref<102400x64xf32, #tpu.memory_space<hbm>> -> memref<640x64xf32, #tpu.memory_space<hbm>>
        %dma_wait3A_424 = arith.constant 0 : i32
        %dma_wait3A_425 = arith.constant 0 : i32
        %dma_wait3A_426 = tpu.memref_slice %arg7[%dma_wait3A_415, %dma_wait3A_424, %dma_wait3A_425] : memref<2x640x64xf32, #tpu.memory_space<vmem>> -> memref<1x640x64xf32, #tpu.memory_space<vmem>>
        %dma_wait3A_427 = tpu.memref_squeeze %dma_wait3A_426 : memref<1x640x64xf32, #tpu.memory_space<vmem>> -> memref<640x64xf32, #tpu.memory_space<vmem>>
        tpu.wait_dma2 semaphore(%arg10 : memref<!tpu.dma_semaphore, #tpu.memory_space<semaphore_mem>>) src(%dma_wait3A_427 : memref<640x64xf32, #tpu.memory_space<vmem>>) dst(%dma_wait3A_423 : memref<640x64xf32, #tpu.memory_space<hbm>>)
      } else {
      }
      %add3A_176 = arith.constant 0 : i32
      %add3A_177 = arith.addi %mul3A_173, %add3A_176 : i32
      %dma_start3A_178 = arith.constant 0 : i32
      %dma_start3A_179 = arith.constant 0 : i32
      %dma_start3A_180 = arith.constant 0 : i32
      %dma_start3A_181 = tpu.memref_slice %arg7[%dma_start3A_178, %dma_start3A_179, %dma_start3A_180] : memref<2x640x64xf32, #tpu.memory_space<vmem>> -> memref<1x128x64xf32, #tpu.memory_space<vmem>>
      %dma_start3A_182 = tpu.memref_squeeze %dma_start3A_181 : memref<1x128x64xf32, #tpu.memory_space<vmem>> -> memref<128x64xf32, #tpu.memory_space<vmem>>
      %dma_start3A_183 = tpu.memref_slice %arg6[%add3A_177] : memref<3200xi32, #tpu.memory_space<vmem>> -> memref<128xi32, #tpu.memory_space<vmem>>
      %dma_start3A_184 = arith.constant 0 : i32
      %dma_start3A_185 = arith.constant 0 : i32
      %dma_start3A_186 = tpu.memref_slice %arg2[%dma_start3A_184, %dma_start3A_185] : memref<100001x64xf32, #tpu.memory_space<hbm>> -> memref<100001x64xf32, #tpu.memory_space<hbm>>
      tpu.enqueue_indirect_dma source(%dma_start3A_186 : memref<100001x64xf32, #tpu.memory_space<hbm>>) target(%dma_start3A_182 : memref<128x64xf32, #tpu.memory_space<vmem>>) offsets(%dma_start3A_183 : memref<128xi32, #tpu.memory_space<vmem>>) semaphore(%arg8 : memref<!tpu.dma_semaphore, #tpu.memory_space<semaphore_mem>>)
      %add3A_187 = arith.constant 128 : i32
      %add3A_188 = arith.addi %mul3A_173, %add3A_187 : i32
      %dma_start3A_189 = arith.constant 0 : i32
      %dma_start3A_190 = arith.constant 128 : i32
      %dma_start3A_191 = arith.constant 0 : i32
      %dma_start3A_192 = tpu.memref_slice %arg7[%dma_start3A_189, %dma_start3A_190, %dma_start3A_191] : memref<2x640x64xf32, #tpu.memory_space<vmem>> -> memref<1x128x64xf32, #tpu.memory_space<vmem>>
      %dma_start3A_193 = tpu.memref_squeeze %dma_start3A_192 : memref<1x128x64xf32, #tpu.memory_space<vmem>> -> memref<128x64xf32, #tpu.memory_space<vmem>>
      %dma_start3A_194 = tpu.memref_slice %arg6[%add3A_188] : memref<3200xi32, #tpu.memory_space<vmem>> -> memref<128xi32, #tpu.memory_space<vmem>>
      %dma_start3A_195 = arith.constant 0 : i32
      %dma_start3A_196 = arith.constant 0 : i32
      %dma_start3A_197 = tpu.memref_slice %arg2[%dma_start3A_195, %dma_start3A_196] : memref<100001x64xf32, #tpu.memory_space<hbm>> -> memref<100001x64xf32, #tpu.memory_space<hbm>>
      tpu.enqueue_indirect_dma source(%dma_start3A_197 : memref<100001x64xf32, #tpu.memory_space<hbm>>) target(%dma_start3A_193 : memref<128x64xf32, #tpu.memory_space<vmem>>) offsets(%dma_start3A_194 : memref<128xi32, #tpu.memory_space<vmem>>) semaphore(%arg8 : memref<!tpu.dma_semaphore, #tpu.memory_space<semaphore_mem>>)
      %add3A_198 = arith.constant 256 : i32
      %add3A_199 = arith.addi %mul3A_173, %add3A_198 : i32
      %dma_start3A_200 = arith.constant 0 : i32
      %dma_start3A_201 = arith.constant 256 : i32
      %dma_start3A_202 = arith.constant 0 : i32
      %dma_start3A_203 = tpu.memref_slice %arg7[%dma_start3A_200, %dma_start3A_201, %dma_start3A_202] : memref<2x640x64xf32, #tpu.memory_space<vmem>> -> memref<1x128x64xf32, #tpu.memory_space<vmem>>
      %dma_start3A_204 = tpu.memref_squeeze %dma_start3A_203 : memref<1x128x64xf32, #tpu.memory_space<vmem>> -> memref<128x64xf32, #tpu.memory_space<vmem>>
      %dma_start3A_205 = tpu.memref_slice %arg6[%add3A_199] : memref<3200xi32, #tpu.memory_space<vmem>> -> memref<128xi32, #tpu.memory_space<vmem>>
      %dma_start3A_206 = arith.constant 0 : i32
      %dma_start3A_207 = arith.constant 0 : i32
      %dma_start3A_208 = tpu.memref_slice %arg2[%dma_start3A_206, %dma_start3A_207] : memref<100001x64xf32, #tpu.memory_space<hbm>> -> memref<100001x64xf32, #tpu.memory_space<hbm>>
      tpu.enqueue_indirect_dma source(%dma_start3A_208 : memref<100001x64xf32, #tpu.memory_space<hbm>>) target(%dma_start3A_204 : memref<128x64xf32, #tpu.memory_space<vmem>>) offsets(%dma_start3A_205 : memref<128xi32, #tpu.memory_space<vmem>>) semaphore(%arg8 : memref<!tpu.dma_semaphore, #tpu.memory_space<semaphore_mem>>)
      %add3A_209 = arith.constant 384 : i32
      %add3A_210 = arith.addi %mul3A_173, %add3A_209 : i32
      %dma_start3A_211 = arith.constant 0 : i32
      %dma_start3A_212 = arith.constant 384 : i32
      %dma_start3A_213 = arith.constant 0 : i32
      %dma_start3A_214 = tpu.memref_slice %arg7[%dma_start3A_211, %dma_start3A_212, %dma_start3A_213] : memref<2x640x64xf32, #tpu.memory_space<vmem>> -> memref<1x128x64xf32, #tpu.memory_space<vmem>>
      %dma_start3A_215 = tpu.memref_squeeze %dma_start3A_214 : memref<1x128x64xf32, #tpu.memory_space<vmem>> -> memref<128x64xf32, #tpu.memory_space<vmem>>
      %dma_start3A_216 = tpu.memref_slice %arg6[%add3A_210] : memref<3200xi32, #tpu.memory_space<vmem>> -> memref<128xi32, #tpu.memory_space<vmem>>
      %dma_start3A_217 = arith.constant 0 : i32
      %dma_start3A_218 = arith.constant 0 : i32
      %dma_start3A_219 = tpu.memref_slice %arg2[%dma_start3A_217, %dma_start3A_218] : memref<100001x64xf32, #tpu.memory_space<hbm>> -> memref<100001x64xf32, #tpu.memory_space<hbm>>
      tpu.enqueue_indirect_dma source(%dma_start3A_219 : memref<100001x64xf32, #tpu.memory_space<hbm>>) target(%dma_start3A_215 : memref<128x64xf32, #tpu.memory_space<vmem>>) offsets(%dma_start3A_216 : memref<128xi32, #tpu.memory_space<vmem>>) semaphore(%arg8 : memref<!tpu.dma_semaphore, #tpu.memory_space<semaphore_mem>>)
      %add3A_220 = arith.constant 512 : i32
      %add3A_221 = arith.addi %mul3A_173, %add3A_220 : i32
      %dma_start3A_222 = arith.constant 0 : i32
      %dma_start3A_223 = arith.constant 512 : i32
      %dma_start3A_224 = arith.constant 0 : i32
      %dma_start3A_225 = tpu.memref_slice %arg7[%dma_start3A_222, %dma_start3A_223, %dma_start3A_224] : memref<2x640x64xf32, #tpu.memory_space<vmem>> -> memref<1x128x64xf32, #tpu.memory_space<vmem>>
      %dma_start3A_226 = tpu.memref_squeeze %dma_start3A_225 : memref<1x128x64xf32, #tpu.memory_space<vmem>> -> memref<128x64xf32, #tpu.memory_space<vmem>>
      %dma_start3A_227 = tpu.memref_slice %arg6[%add3A_221] : memref<3200xi32, #tpu.memory_space<vmem>> -> memref<128xi32, #tpu.memory_space<vmem>>
      %dma_start3A_228 = arith.constant 0 : i32
      %dma_start3A_229 = arith.constant 0 : i32
      %dma_start3A_230 = tpu.memref_slice %arg2[%dma_start3A_228, %dma_start3A_229] : memref<100001x64xf32, #tpu.memory_space<hbm>> -> memref<100001x64xf32, #tpu.memory_space<hbm>>
      tpu.enqueue_indirect_dma source(%dma_start3A_230 : memref<100001x64xf32, #tpu.memory_space<hbm>>) target(%dma_start3A_226 : memref<128x64xf32, #tpu.memory_space<vmem>>) offsets(%dma_start3A_227 : memref<128xi32, #tpu.memory_space<vmem>>) semaphore(%arg8 : memref<!tpu.dma_semaphore, #tpu.memory_space<semaphore_mem>>)
      %dma_wait3A_231 = arith.constant 0 : i32
      %dma_wait3A_232 = arith.constant 0 : i32
      %dma_wait3A_233 = arith.constant 0 : i32
      %dma_wait3A_234 = tpu.memref_slice %arg7[%dma_wait3A_231, %dma_wait3A_232, %dma_wait3A_233] : memref<2x640x64xf32, #tpu.memory_space<vmem>> -> memref<1x128x64xf32, #tpu.memory_space<vmem>>
      %dma_wait3A_235 = tpu.memref_squeeze %dma_wait3A_234 : memref<1x128x64xf32, #tpu.memory_space<vmem>> -> memref<128x64xf32, #tpu.memory_space<vmem>>
      %dma_wait3A_236 = tpu.memref_slice %arg6[%add3A_177] : memref<3200xi32, #tpu.memory_space<vmem>> -> memref<128xi32, #tpu.memory_space<vmem>>
      %dma_wait3A_237 = arith.constant 0 : i32
      %dma_wait3A_238 = arith.constant 0 : i32
      %dma_wait3A_239 = tpu.memref_slice %arg2[%dma_wait3A_237, %dma_wait3A_238] : memref<100001x64xf32, #tpu.memory_space<hbm>> -> memref<100001x64xf32, #tpu.memory_space<hbm>>
      tpu.wait_indirect_dma semaphore(%arg8 : memref<!tpu.dma_semaphore, #tpu.memory_space<semaphore_mem>>) src(%dma_wait3A_239 : memref<100001x64xf32, #tpu.memory_space<hbm>>) dst(%dma_wait3A_235 : memref<128x64xf32, #tpu.memory_space<vmem>>)
      %dma_wait3A_240 = arith.constant 0 : i32
      %dma_wait3A_241 = arith.constant 128 : i32
      %dma_wait3A_242 = arith.constant 0 : i32
      %dma_wait3A_243 = tpu.memref_slice %arg7[%dma_wait3A_240, %dma_wait3A_241, %dma_wait3A_242] : memref<2x640x64xf32, #tpu.memory_space<vmem>> -> memref<1x128x64xf32, #tpu.memory_space<vmem>>
      %dma_wait3A_244 = tpu.memref_squeeze %dma_wait3A_243 : memref<1x128x64xf32, #tpu.memory_space<vmem>> -> memref<128x64xf32, #tpu.memory_space<vmem>>
      %dma_wait3A_245 = tpu.memref_slice %arg6[%add3A_188] : memref<3200xi32, #tpu.memory_space<vmem>> -> memref<128xi32, #tpu.memory_space<vmem>>
      %dma_wait3A_246 = arith.constant 0 : i32
      %dma_wait3A_247 = arith.constant 0 : i32
      %dma_wait3A_248 = tpu.memref_slice %arg2[%dma_wait3A_246, %dma_wait3A_247] : memref<100001x64xf32, #tpu.memory_space<hbm>> -> memref<100001x64xf32, #tpu.memory_space<hbm>>
      tpu.wait_indirect_dma semaphore(%arg8 : memref<!tpu.dma_semaphore, #tpu.memory_space<semaphore_mem>>) src(%dma_wait3A_248 : memref<100001x64xf32, #tpu.memory_space<hbm>>) dst(%dma_wait3A_244 : memref<128x64xf32, #tpu.memory_space<vmem>>)
      %dma_wait3A_249 = arith.constant 0 : i32
      %dma_wait3A_250 = arith.constant 256 : i32
      %dma_wait3A_251 = arith.constant 0 : i32
      %dma_wait3A_252 = tpu.memref_slice %arg7[%dma_wait3A_249, %dma_wait3A_250, %dma_wait3A_251] : memref<2x640x64xf32, #tpu.memory_space<vmem>> -> memref<1x128x64xf32, #tpu.memory_space<vmem>>
      %dma_wait3A_253 = tpu.memref_squeeze %dma_wait3A_252 : memref<1x128x64xf32, #tpu.memory_space<vmem>> -> memref<128x64xf32, #tpu.memory_space<vmem>>
      %dma_wait3A_254 = tpu.memref_slice %arg6[%add3A_199] : memref<3200xi32, #tpu.memory_space<vmem>> -> memref<128xi32, #tpu.memory_space<vmem>>
      %dma_wait3A_255 = arith.constant 0 : i32
      %dma_wait3A_256 = arith.constant 0 : i32
      %dma_wait3A_257 = tpu.memref_slice %arg2[%dma_wait3A_255, %dma_wait3A_256] : memref<100001x64xf32, #tpu.memory_space<hbm>> -> memref<100001x64xf32, #tpu.memory_space<hbm>>
      tpu.wait_indirect_dma semaphore(%arg8 : memref<!tpu.dma_semaphore, #tpu.memory_space<semaphore_mem>>) src(%dma_wait3A_257 : memref<100001x64xf32, #tpu.memory_space<hbm>>) dst(%dma_wait3A_253 : memref<128x64xf32, #tpu.memory_space<vmem>>)
      %dma_wait3A_258 = arith.constant 0 : i32
      %dma_wait3A_259 = arith.constant 384 : i32
      %dma_wait3A_260 = arith.constant 0 : i32
      %dma_wait3A_261 = tpu.memref_slice %arg7[%dma_wait3A_258, %dma_wait3A_259, %dma_wait3A_260] : memref<2x640x64xf32, #tpu.memory_space<vmem>> -> memref<1x128x64xf32, #tpu.memory_space<vmem>>
      %dma_wait3A_262 = tpu.memref_squeeze %dma_wait3A_261 : memref<1x128x64xf32, #tpu.memory_space<vmem>> -> memref<128x64xf32, #tpu.memory_space<vmem>>
      %dma_wait3A_263 = tpu.memref_slice %arg6[%add3A_210] : memref<3200xi32, #tpu.memory_space<vmem>> -> memref<128xi32, #tpu.memory_space<vmem>>
      %dma_wait3A_264 = arith.constant 0 : i32
      %dma_wait3A_265 = arith.constant 0 : i32
      %dma_wait3A_266 = tpu.memref_slice %arg2[%dma_wait3A_264, %dma_wait3A_265] : memref<100001x64xf32, #tpu.memory_space<hbm>> -> memref<100001x64xf32, #tpu.memory_space<hbm>>
      tpu.wait_indirect_dma semaphore(%arg8 : memref<!tpu.dma_semaphore, #tpu.memory_space<semaphore_mem>>) src(%dma_wait3A_266 : memref<100001x64xf32, #tpu.memory_space<hbm>>) dst(%dma_wait3A_262 : memref<128x64xf32, #tpu.memory_space<vmem>>)
      %dma_wait3A_267 = arith.constant 0 : i32
      %dma_wait3A_268 = arith.constant 512 : i32
      %dma_wait3A_269 = arith.constant 0 : i32
      %dma_wait3A_270 = tpu.memref_slice %arg7[%dma_wait3A_267, %dma_wait3A_268, %dma_wait3A_269] : memref<2x640x64xf32, #tpu.memory_space<vmem>> -> memref<1x128x64xf32, #tpu.memory_space<vmem>>
      %dma_wait3A_271 = tpu.memref_squeeze %dma_wait3A_270 : memref<1x128x64xf32, #tpu.memory_space<vmem>> -> memref<128x64xf32, #tpu.memory_space<vmem>>
      %dma_wait3A_272 = tpu.memref_slice %arg6[%add3A_221] : memref<3200xi32, #tpu.memory_space<vmem>> -> memref<128xi32, #tpu.memory_space<vmem>>
      %dma_wait3A_273 = arith.constant 0 : i32
      %dma_wait3A_274 = arith.constant 0 : i32
      %dma_wait3A_275 = tpu.memref_slice %arg2[%dma_wait3A_273, %dma_wait3A_274] : memref<100001x64xf32, #tpu.memory_space<hbm>> -> memref<100001x64xf32, #tpu.memory_space<hbm>>
      tpu.wait_indirect_dma semaphore(%arg8 : memref<!tpu.dma_semaphore, #tpu.memory_space<semaphore_mem>>) src(%dma_wait3A_275 : memref<100001x64xf32, #tpu.memory_space<hbm>>) dst(%dma_wait3A_271 : memref<128x64xf32, #tpu.memory_space<vmem>>)
      %add3A_276 = arith.addi %mul3A_2, %mul3A_173 : i32
      %dma_start3A_277 = arith.constant 0 : i32
      %dma_start3A_278 = arith.constant 0 : i32
      %dma_start3A_279 = arith.constant 0 : i32
      %dma_start3A_280 = tpu.memref_slice %arg7[%dma_start3A_277, %dma_start3A_278, %dma_start3A_279] : memref<2x640x64xf32, #tpu.memory_space<vmem>> -> memref<1x640x64xf32, #tpu.memory_space<vmem>>
      %dma_start3A_281 = tpu.memref_squeeze %dma_start3A_280 : memref<1x640x64xf32, #tpu.memory_space<vmem>> -> memref<640x64xf32, #tpu.memory_space<vmem>>
      %dma_start3A_282 = arith.constant 0 : i32
      %dma_start3A_283 = tpu.memref_slice %arg4[%add3A_276, %dma_start3A_282] : memref<102400x64xf32, #tpu.memory_space<hbm>> -> memref<640x64xf32, #tpu.memory_space<hbm>>
      %dma_start3A_284 = arith.constant 0 : i32
      %dma_start3A_285 = tpu.memref_slice %arg4[%add3A_276, %dma_start3A_284] : memref<102400x64xf32, #tpu.memory_space<hbm>> -> memref<640x64xf32, #tpu.memory_space<hbm>>
      %dma_start3A_286 = arith.constant 0 : i32
      %dma_start3A_287 = arith.constant 0 : i32
      %dma_start3A_288 = tpu.memref_slice %arg7[%dma_start3A_277, %dma_start3A_286, %dma_start3A_287] : memref<2x640x64xf32, #tpu.memory_space<vmem>> -> memref<1x640x64xf32, #tpu.memory_space<vmem>>
      %dma_start3A_289 = tpu.memref_squeeze %dma_start3A_288 : memref<1x640x64xf32, #tpu.memory_space<vmem>> -> memref<640x64xf32, #tpu.memory_space<vmem>>
      tpu.enqueue_dma source(%dma_start3A_289 : memref<640x64xf32, #tpu.memory_space<vmem>>) target(%dma_start3A_285 : memref<640x64xf32, #tpu.memory_space<hbm>>) target_semaphore(%arg10 : memref<!tpu.dma_semaphore, #tpu.memory_space<semaphore_mem>>)
      %mul3A_290 = arith.constant 2 : i32
      %mul3A_291 = arith.muli %mul3A_290, %scan3A_169 : i32
      %add3A_292 = arith.constant 1 : i32
      %add3A_293 = arith.addi %mul3A_291, %add3A_292 : i32
      %mul3A_294 = arith.constant 640 : i32
      %mul3A_295 = arith.muli %add3A_293, %mul3A_294 : i32
      %ge3A_296 = arith.constant 2 : i32
      %ge3A_297 = arith.cmpi sge, %add3A_293, %ge3A_296 : i32
      %convert_element_type3A_298 = arith.extui %ge3A_297 : i1 to i32
      %cond3A_299 = arith.constant 0 : i32
      %cond3A_300 = arith.cmpi ne, %convert_element_type3A_298, %cond3A_299 : i32
      scf.if %cond3A_300 {
        %dma_wait3A_415 = arith.constant 1 : i32
        %dma_wait3A_416 = arith.constant 0 : i32
        %dma_wait3A_417 = arith.constant 0 : i32
        %dma_wait3A_418 = tpu.memref_slice %arg7[%dma_wait3A_415, %dma_wait3A_416, %dma_wait3A_417] : memref<2x640x64xf32, #tpu.memory_space<vmem>> -> memref<1x640x64xf32, #tpu.memory_space<vmem>>
        %dma_wait3A_419 = tpu.memref_squeeze %dma_wait3A_418 : memref<1x640x64xf32, #tpu.memory_space<vmem>> -> memref<640x64xf32, #tpu.memory_space<vmem>>
        %dma_wait3A_420 = arith.constant 0 : i32
        %dma_wait3A_421 = tpu.memref_slice %arg4[%mul3A_2, %dma_wait3A_420] : memref<102400x64xf32, #tpu.memory_space<hbm>> -> memref<640x64xf32, #tpu.memory_space<hbm>>
        %dma_wait3A_422 = arith.constant 0 : i32
        %dma_wait3A_423 = tpu.memref_slice %arg4[%mul3A_2, %dma_wait3A_422] : memref<102400x64xf32, #tpu.memory_space<hbm>> -> memref<640x64xf32, #tpu.memory_space<hbm>>
        %dma_wait3A_424 = arith.constant 0 : i32
        %dma_wait3A_425 = arith.constant 0 : i32
        %dma_wait3A_426 = tpu.memref_slice %arg7[%dma_wait3A_415, %dma_wait3A_424, %dma_wait3A_425] : memref<2x640x64xf32, #tpu.memory_space<vmem>> -> memref<1x640x64xf32, #tpu.memory_space<vmem>>
        %dma_wait3A_427 = tpu.memref_squeeze %dma_wait3A_426 : memref<1x640x64xf32, #tpu.memory_space<vmem>> -> memref<640x64xf32, #tpu.memory_space<vmem>>
        tpu.wait_dma2 semaphore(%arg11 : memref<!tpu.dma_semaphore, #tpu.memory_space<semaphore_mem>>) src(%dma_wait3A_427 : memref<640x64xf32, #tpu.memory_space<vmem>>) dst(%dma_wait3A_423 : memref<640x64xf32, #tpu.memory_space<hbm>>)
      } else {
      }
      %add3A_301 = arith.constant 0 : i32
      %add3A_302 = arith.addi %mul3A_295, %add3A_301 : i32
      %dma_start3A_303 = arith.constant 1 : i32
      %dma_start3A_304 = arith.constant 0 : i32
      %dma_start3A_305 = arith.constant 0 : i32
      %dma_start3A_306 = tpu.memref_slice %arg7[%dma_start3A_303, %dma_start3A_304, %dma_start3A_305] : memref<2x640x64xf32, #tpu.memory_space<vmem>> -> memref<1x128x64xf32, #tpu.memory_space<vmem>>
      %dma_start3A_307 = tpu.memref_squeeze %dma_start3A_306 : memref<1x128x64xf32, #tpu.memory_space<vmem>> -> memref<128x64xf32, #tpu.memory_space<vmem>>
      %dma_start3A_308 = tpu.memref_slice %arg6[%add3A_302] : memref<3200xi32, #tpu.memory_space<vmem>> -> memref<128xi32, #tpu.memory_space<vmem>>
      %dma_start3A_309 = arith.constant 0 : i32
      %dma_start3A_310 = arith.constant 0 : i32
      %dma_start3A_311 = tpu.memref_slice %arg2[%dma_start3A_309, %dma_start3A_310] : memref<100001x64xf32, #tpu.memory_space<hbm>> -> memref<100001x64xf32, #tpu.memory_space<hbm>>
      tpu.enqueue_indirect_dma source(%dma_start3A_311 : memref<100001x64xf32, #tpu.memory_space<hbm>>) target(%dma_start3A_307 : memref<128x64xf32, #tpu.memory_space<vmem>>) offsets(%dma_start3A_308 : memref<128xi32, #tpu.memory_space<vmem>>) semaphore(%arg9 : memref<!tpu.dma_semaphore, #tpu.memory_space<semaphore_mem>>)
      %add3A_312 = arith.constant 128 : i32
      %add3A_313 = arith.addi %mul3A_295, %add3A_312 : i32
      %dma_start3A_314 = arith.constant 1 : i32
      %dma_start3A_315 = arith.constant 128 : i32
      %dma_start3A_316 = arith.constant 0 : i32
      %dma_start3A_317 = tpu.memref_slice %arg7[%dma_start3A_314, %dma_start3A_315, %dma_start3A_316] : memref<2x640x64xf32, #tpu.memory_space<vmem>> -> memref<1x128x64xf32, #tpu.memory_space<vmem>>
      %dma_start3A_318 = tpu.memref_squeeze %dma_start3A_317 : memref<1x128x64xf32, #tpu.memory_space<vmem>> -> memref<128x64xf32, #tpu.memory_space<vmem>>
      %dma_start3A_319 = tpu.memref_slice %arg6[%add3A_313] : memref<3200xi32, #tpu.memory_space<vmem>> -> memref<128xi32, #tpu.memory_space<vmem>>
      %dma_start3A_320 = arith.constant 0 : i32
      %dma_start3A_321 = arith.constant 0 : i32
      %dma_start3A_322 = tpu.memref_slice %arg2[%dma_start3A_320, %dma_start3A_321] : memref<100001x64xf32, #tpu.memory_space<hbm>> -> memref<100001x64xf32, #tpu.memory_space<hbm>>
      tpu.enqueue_indirect_dma source(%dma_start3A_322 : memref<100001x64xf32, #tpu.memory_space<hbm>>) target(%dma_start3A_318 : memref<128x64xf32, #tpu.memory_space<vmem>>) offsets(%dma_start3A_319 : memref<128xi32, #tpu.memory_space<vmem>>) semaphore(%arg9 : memref<!tpu.dma_semaphore, #tpu.memory_space<semaphore_mem>>)
      %add3A_323 = arith.constant 256 : i32
      %add3A_324 = arith.addi %mul3A_295, %add3A_323 : i32
      %dma_start3A_325 = arith.constant 1 : i32
      %dma_start3A_326 = arith.constant 256 : i32
      %dma_start3A_327 = arith.constant 0 : i32
      %dma_start3A_328 = tpu.memref_slice %arg7[%dma_start3A_325, %dma_start3A_326, %dma_start3A_327] : memref<2x640x64xf32, #tpu.memory_space<vmem>> -> memref<1x128x64xf32, #tpu.memory_space<vmem>>
      %dma_start3A_329 = tpu.memref_squeeze %dma_start3A_328 : memref<1x128x64xf32, #tpu.memory_space<vmem>> -> memref<128x64xf32, #tpu.memory_space<vmem>>
      %dma_start3A_330 = tpu.memref_slice %arg6[%add3A_324] : memref<3200xi32, #tpu.memory_space<vmem>> -> memref<128xi32, #tpu.memory_space<vmem>>
      %dma_start3A_331 = arith.constant 0 : i32
      %dma_start3A_332 = arith.constant 0 : i32
      %dma_start3A_333 = tpu.memref_slice %arg2[%dma_start3A_331, %dma_start3A_332] : memref<100001x64xf32, #tpu.memory_space<hbm>> -> memref<100001x64xf32, #tpu.memory_space<hbm>>
      tpu.enqueue_indirect_dma source(%dma_start3A_333 : memref<100001x64xf32, #tpu.memory_space<hbm>>) target(%dma_start3A_329 : memref<128x64xf32, #tpu.memory_space<vmem>>) offsets(%dma_start3A_330 : memref<128xi32, #tpu.memory_space<vmem>>) semaphore(%arg9 : memref<!tpu.dma_semaphore, #tpu.memory_space<semaphore_mem>>)
      %add3A_334 = arith.constant 384 : i32
      %add3A_335 = arith.addi %mul3A_295, %add3A_334 : i32
      %dma_start3A_336 = arith.constant 1 : i32
      %dma_start3A_337 = arith.constant 384 : i32
      %dma_start3A_338 = arith.constant 0 : i32
      %dma_start3A_339 = tpu.memref_slice %arg7[%dma_start3A_336, %dma_start3A_337, %dma_start3A_338] : memref<2x640x64xf32, #tpu.memory_space<vmem>> -> memref<1x128x64xf32, #tpu.memory_space<vmem>>
      %dma_start3A_340 = tpu.memref_squeeze %dma_start3A_339 : memref<1x128x64xf32, #tpu.memory_space<vmem>> -> memref<128x64xf32, #tpu.memory_space<vmem>>
      %dma_start3A_341 = tpu.memref_slice %arg6[%add3A_335] : memref<3200xi32, #tpu.memory_space<vmem>> -> memref<128xi32, #tpu.memory_space<vmem>>
      %dma_start3A_342 = arith.constant 0 : i32
      %dma_start3A_343 = arith.constant 0 : i32
      %dma_start3A_344 = tpu.memref_slice %arg2[%dma_start3A_342, %dma_start3A_343] : memref<100001x64xf32, #tpu.memory_space<hbm>> -> memref<100001x64xf32, #tpu.memory_space<hbm>>
      tpu.enqueue_indirect_dma source(%dma_start3A_344 : memref<100001x64xf32, #tpu.memory_space<hbm>>) target(%dma_start3A_340 : memref<128x64xf32, #tpu.memory_space<vmem>>) offsets(%dma_start3A_341 : memref<128xi32, #tpu.memory_space<vmem>>) semaphore(%arg9 : memref<!tpu.dma_semaphore, #tpu.memory_space<semaphore_mem>>)
      %add3A_345 = arith.constant 512 : i32
      %add3A_346 = arith.addi %mul3A_295, %add3A_345 : i32
      %dma_start3A_347 = arith.constant 1 : i32
      %dma_start3A_348 = arith.constant 512 : i32
      %dma_start3A_349 = arith.constant 0 : i32
      %dma_start3A_350 = tpu.memref_slice %arg7[%dma_start3A_347, %dma_start3A_348, %dma_start3A_349] : memref<2x640x64xf32, #tpu.memory_space<vmem>> -> memref<1x128x64xf32, #tpu.memory_space<vmem>>
      %dma_start3A_351 = tpu.memref_squeeze %dma_start3A_350 : memref<1x128x64xf32, #tpu.memory_space<vmem>> -> memref<128x64xf32, #tpu.memory_space<vmem>>
      %dma_start3A_352 = tpu.memref_slice %arg6[%add3A_346] : memref<3200xi32, #tpu.memory_space<vmem>> -> memref<128xi32, #tpu.memory_space<vmem>>
      %dma_start3A_353 = arith.constant 0 : i32
      %dma_start3A_354 = arith.constant 0 : i32
      %dma_start3A_355 = tpu.memref_slice %arg2[%dma_start3A_353, %dma_start3A_354] : memref<100001x64xf32, #tpu.memory_space<hbm>> -> memref<100001x64xf32, #tpu.memory_space<hbm>>
      tpu.enqueue_indirect_dma source(%dma_start3A_355 : memref<100001x64xf32, #tpu.memory_space<hbm>>) target(%dma_start3A_351 : memref<128x64xf32, #tpu.memory_space<vmem>>) offsets(%dma_start3A_352 : memref<128xi32, #tpu.memory_space<vmem>>) semaphore(%arg9 : memref<!tpu.dma_semaphore, #tpu.memory_space<semaphore_mem>>)
      %dma_wait3A_356 = arith.constant 1 : i32
      %dma_wait3A_357 = arith.constant 0 : i32
      %dma_wait3A_358 = arith.constant 0 : i32
      %dma_wait3A_359 = tpu.memref_slice %arg7[%dma_wait3A_356, %dma_wait3A_357, %dma_wait3A_358] : memref<2x640x64xf32, #tpu.memory_space<vmem>> -> memref<1x128x64xf32, #tpu.memory_space<vmem>>
      %dma_wait3A_360 = tpu.memref_squeeze %dma_wait3A_359 : memref<1x128x64xf32, #tpu.memory_space<vmem>> -> memref<128x64xf32, #tpu.memory_space<vmem>>
      %dma_wait3A_361 = tpu.memref_slice %arg6[%add3A_302] : memref<3200xi32, #tpu.memory_space<vmem>> -> memref<128xi32, #tpu.memory_space<vmem>>
      %dma_wait3A_362 = arith.constant 0 : i32
      %dma_wait3A_363 = arith.constant 0 : i32
      %dma_wait3A_364 = tpu.memref_slice %arg2[%dma_wait3A_362, %dma_wait3A_363] : memref<100001x64xf32, #tpu.memory_space<hbm>> -> memref<100001x64xf32, #tpu.memory_space<hbm>>
      tpu.wait_indirect_dma semaphore(%arg9 : memref<!tpu.dma_semaphore, #tpu.memory_space<semaphore_mem>>) src(%dma_wait3A_364 : memref<100001x64xf32, #tpu.memory_space<hbm>>) dst(%dma_wait3A_360 : memref<128x64xf32, #tpu.memory_space<vmem>>)
      %dma_wait3A_365 = arith.constant 1 : i32
      %dma_wait3A_366 = arith.constant 128 : i32
      %dma_wait3A_367 = arith.constant 0 : i32
      %dma_wait3A_368 = tpu.memref_slice %arg7[%dma_wait3A_365, %dma_wait3A_366, %dma_wait3A_367] : memref<2x640x64xf32, #tpu.memory_space<vmem>> -> memref<1x128x64xf32, #tpu.memory_space<vmem>>
      %dma_wait3A_369 = tpu.memref_squeeze %dma_wait3A_368 : memref<1x128x64xf32, #tpu.memory_space<vmem>> -> memref<128x64xf32, #tpu.memory_space<vmem>>
      %dma_wait3A_370 = tpu.memref_slice %arg6[%add3A_313] : memref<3200xi32, #tpu.memory_space<vmem>> -> memref<128xi32, #tpu.memory_space<vmem>>
      %dma_wait3A_371 = arith.constant 0 : i32
      %dma_wait3A_372 = arith.constant 0 : i32
      %dma_wait3A_373 = tpu.memref_slice %arg2[%dma_wait3A_371, %dma_wait3A_372] : memref<100001x64xf32, #tpu.memory_space<hbm>> -> memref<100001x64xf32, #tpu.memory_space<hbm>>
      tpu.wait_indirect_dma semaphore(%arg9 : memref<!tpu.dma_semaphore, #tpu.memory_space<semaphore_mem>>) src(%dma_wait3A_373 : memref<100001x64xf32, #tpu.memory_space<hbm>>) dst(%dma_wait3A_369 : memref<128x64xf32, #tpu.memory_space<vmem>>)
      %dma_wait3A_374 = arith.constant 1 : i32
      %dma_wait3A_375 = arith.constant 256 : i32
      %dma_wait3A_376 = arith.constant 0 : i32
      %dma_wait3A_377 = tpu.memref_slice %arg7[%dma_wait3A_374, %dma_wait3A_375, %dma_wait3A_376] : memref<2x640x64xf32, #tpu.memory_space<vmem>> -> memref<1x128x64xf32, #tpu.memory_space<vmem>>
      %dma_wait3A_378 = tpu.memref_squeeze %dma_wait3A_377 : memref<1x128x64xf32, #tpu.memory_space<vmem>> -> memref<128x64xf32, #tpu.memory_space<vmem>>
      %dma_wait3A_379 = tpu.memref_slice %arg6[%add3A_324] : memref<3200xi32, #tpu.memory_space<vmem>> -> memref<128xi32, #tpu.memory_space<vmem>>
      %dma_wait3A_380 = arith.constant 0 : i32
      %dma_wait3A_381 = arith.constant 0 : i32
      %dma_wait3A_382 = tpu.memref_slice %arg2[%dma_wait3A_380, %dma_wait3A_381] : memref<100001x64xf32, #tpu.memory_space<hbm>> -> memref<100001x64xf32, #tpu.memory_space<hbm>>
      tpu.wait_indirect_dma semaphore(%arg9 : memref<!tpu.dma_semaphore, #tpu.memory_space<semaphore_mem>>) src(%dma_wait3A_382 : memref<100001x64xf32, #tpu.memory_space<hbm>>) dst(%dma_wait3A_378 : memref<128x64xf32, #tpu.memory_space<vmem>>)
      %dma_wait3A_383 = arith.constant 1 : i32
      %dma_wait3A_384 = arith.constant 384 : i32
      %dma_wait3A_385 = arith.constant 0 : i32
      %dma_wait3A_386 = tpu.memref_slice %arg7[%dma_wait3A_383, %dma_wait3A_384, %dma_wait3A_385] : memref<2x640x64xf32, #tpu.memory_space<vmem>> -> memref<1x128x64xf32, #tpu.memory_space<vmem>>
      %dma_wait3A_387 = tpu.memref_squeeze %dma_wait3A_386 : memref<1x128x64xf32, #tpu.memory_space<vmem>> -> memref<128x64xf32, #tpu.memory_space<vmem>>
      %dma_wait3A_388 = tpu.memref_slice %arg6[%add3A_335] : memref<3200xi32, #tpu.memory_space<vmem>> -> memref<128xi32, #tpu.memory_space<vmem>>
      %dma_wait3A_389 = arith.constant 0 : i32
      %dma_wait3A_390 = arith.constant 0 : i32
      %dma_wait3A_391 = tpu.memref_slice %arg2[%dma_wait3A_389, %dma_wait3A_390] : memref<100001x64xf32, #tpu.memory_space<hbm>> -> memref<100001x64xf32, #tpu.memory_space<hbm>>
      tpu.wait_indirect_dma semaphore(%arg9 : memref<!tpu.dma_semaphore, #tpu.memory_space<semaphore_mem>>) src(%dma_wait3A_391 : memref<100001x64xf32, #tpu.memory_space<hbm>>) dst(%dma_wait3A_387 : memref<128x64xf32, #tpu.memory_space<vmem>>)
      %dma_wait3A_392 = arith.constant 1 : i32
      %dma_wait3A_393 = arith.constant 512 : i32
      %dma_wait3A_394 = arith.constant 0 : i32
      %dma_wait3A_395 = tpu.memref_slice %arg7[%dma_wait3A_392, %dma_wait3A_393, %dma_wait3A_394] : memref<2x640x64xf32, #tpu.memory_space<vmem>> -> memref<1x128x64xf32, #tpu.memory_space<vmem>>
      %dma_wait3A_396 = tpu.memref_squeeze %dma_wait3A_395 : memref<1x128x64xf32, #tpu.memory_space<vmem>> -> memref<128x64xf32, #tpu.memory_space<vmem>>
      %dma_wait3A_397 = tpu.memref_slice %arg6[%add3A_346] : memref<3200xi32, #tpu.memory_space<vmem>> -> memref<128xi32, #tpu.memory_space<vmem>>
      %dma_wait3A_398 = arith.constant 0 : i32
      %dma_wait3A_399 = arith.constant 0 : i32
      %dma_wait3A_400 = tpu.memref_slice %arg2[%dma_wait3A_398, %dma_wait3A_399] : memref<100001x64xf32, #tpu.memory_space<hbm>> -> memref<100001x64xf32, #tpu.memory_space<hbm>>
      tpu.wait_indirect_dma semaphore(%arg9 : memref<!tpu.dma_semaphore, #tpu.memory_space<semaphore_mem>>) src(%dma_wait3A_400 : memref<100001x64xf32, #tpu.memory_space<hbm>>) dst(%dma_wait3A_396 : memref<128x64xf32, #tpu.memory_space<vmem>>)
      %add3A_401 = arith.addi %mul3A_2, %mul3A_295 : i32
      %dma_start3A_402 = arith.constant 1 : i32
      %dma_start3A_403 = arith.constant 0 : i32
      %dma_start3A_404 = arith.constant 0 : i32
      %dma_start3A_405 = tpu.memref_slice %arg7[%dma_start3A_402, %dma_start3A_403, %dma_start3A_404] : memref<2x640x64xf32, #tpu.memory_space<vmem>> -> memref<1x640x64xf32, #tpu.memory_space<vmem>>
      %dma_start3A_406 = tpu.memref_squeeze %dma_start3A_405 : memref<1x640x64xf32, #tpu.memory_space<vmem>> -> memref<640x64xf32, #tpu.memory_space<vmem>>
      %dma_start3A_407 = arith.constant 0 : i32
      %dma_start3A_408 = tpu.memref_slice %arg4[%add3A_401, %dma_start3A_407] : memref<102400x64xf32, #tpu.memory_space<hbm>> -> memref<640x64xf32, #tpu.memory_space<hbm>>
      %dma_start3A_409 = arith.constant 0 : i32
      %dma_start3A_410 = tpu.memref_slice %arg4[%add3A_401, %dma_start3A_409] : memref<102400x64xf32, #tpu.memory_space<hbm>> -> memref<640x64xf32, #tpu.memory_space<hbm>>
      %dma_start3A_411 = arith.constant 0 : i32
      %dma_start3A_412 = arith.constant 0 : i32
      %dma_start3A_413 = tpu.memref_slice %arg7[%dma_start3A_402, %dma_start3A_411, %dma_start3A_412] : memref<2x640x64xf32, #tpu.memory_space<vmem>> -> memref<1x640x64xf32, #tpu.memory_space<vmem>>
      %dma_start3A_414 = tpu.memref_squeeze %dma_start3A_413 : memref<1x640x64xf32, #tpu.memory_space<vmem>> -> memref<640x64xf32, #tpu.memory_space<vmem>>
      tpu.enqueue_dma source(%dma_start3A_414 : memref<640x64xf32, #tpu.memory_space<vmem>>) target(%dma_start3A_410 : memref<640x64xf32, #tpu.memory_space<hbm>>) target_semaphore(%arg11 : memref<!tpu.dma_semaphore, #tpu.memory_space<semaphore_mem>>)
    }
    %scan3A_16 = arith.constant 2 : i32
    %dma_wait3A = arith.constant 0 : i32
    %dma_wait3A_17 = arith.constant 0 : i32
    %dma_wait3A_18 = arith.constant 0 : i32
    %dma_wait3A_19 = tpu.memref_slice %arg7[%dma_wait3A, %dma_wait3A_17, %dma_wait3A_18] : memref<2x640x64xf32, #tpu.memory_space<vmem>> -> memref<1x640x64xf32, #tpu.memory_space<vmem>>
    %dma_wait3A_20 = tpu.memref_squeeze %dma_wait3A_19 : memref<1x640x64xf32, #tpu.memory_space<vmem>> -> memref<640x64xf32, #tpu.memory_space<vmem>>
    %dma_wait3A_21 = arith.constant 0 : i32
    %dma_wait3A_22 = tpu.memref_slice %arg4[%mul3A_2, %dma_wait3A_21] : memref<102400x64xf32, #tpu.memory_space<hbm>> -> memref<640x64xf32, #tpu.memory_space<hbm>>
    %dma_wait3A_23 = arith.constant 0 : i32
    %dma_wait3A_24 = tpu.memref_slice %arg4[%mul3A_2, %dma_wait3A_23] : memref<102400x64xf32, #tpu.memory_space<hbm>> -> memref<640x64xf32, #tpu.memory_space<hbm>>
    %dma_wait3A_25 = arith.constant 0 : i32
    %dma_wait3A_26 = arith.constant 0 : i32
    %dma_wait3A_27 = tpu.memref_slice %arg7[%dma_wait3A, %dma_wait3A_25, %dma_wait3A_26] : memref<2x640x64xf32, #tpu.memory_space<vmem>> -> memref<1x640x64xf32, #tpu.memory_space<vmem>>
    %dma_wait3A_28 = tpu.memref_squeeze %dma_wait3A_27 : memref<1x640x64xf32, #tpu.memory_space<vmem>> -> memref<640x64xf32, #tpu.memory_space<vmem>>
    tpu.wait_dma2 semaphore(%arg10 : memref<!tpu.dma_semaphore, #tpu.memory_space<semaphore_mem>>) src(%dma_wait3A_28 : memref<640x64xf32, #tpu.memory_space<vmem>>) dst(%dma_wait3A_24 : memref<640x64xf32, #tpu.memory_space<hbm>>)
    %dma_start3A = arith.constant 0 : i32
    %dma_start3A_29 = arith.constant 0 : i32
    %dma_start3A_30 = arith.constant 0 : i32
    %dma_start3A_31 = tpu.memref_slice %arg7[%dma_start3A, %dma_start3A_29, %dma_start3A_30] : memref<2x640x64xf32, #tpu.memory_space<vmem>> -> memref<1x128x64xf32, #tpu.memory_space<vmem>>
    %dma_start3A_32 = tpu.memref_squeeze %dma_start3A_31 : memref<1x128x64xf32, #tpu.memory_space<vmem>> -> memref<128x64xf32, #tpu.memory_space<vmem>>
    %dma_start3A_33 = arith.constant 2560 : i32
    %dma_start3A_34 = tpu.memref_slice %arg6[%dma_start3A_33] : memref<3200xi32, #tpu.memory_space<vmem>> -> memref<128xi32, #tpu.memory_space<vmem>>
    %dma_start3A_35 = arith.constant 0 : i32
    %dma_start3A_36 = arith.constant 0 : i32
    %dma_start3A_37 = tpu.memref_slice %arg2[%dma_start3A_35, %dma_start3A_36] : memref<100001x64xf32, #tpu.memory_space<hbm>> -> memref<100001x64xf32, #tpu.memory_space<hbm>>
    tpu.enqueue_indirect_dma source(%dma_start3A_37 : memref<100001x64xf32, #tpu.memory_space<hbm>>) target(%dma_start3A_32 : memref<128x64xf32, #tpu.memory_space<vmem>>) offsets(%dma_start3A_34 : memref<128xi32, #tpu.memory_space<vmem>>) semaphore(%arg8 : memref<!tpu.dma_semaphore, #tpu.memory_space<semaphore_mem>>)
    %dma_start3A_38 = arith.constant 0 : i32
    %dma_start3A_39 = arith.constant 128 : i32
    %dma_start3A_40 = arith.constant 0 : i32
    %dma_start3A_41 = tpu.memref_slice %arg7[%dma_start3A_38, %dma_start3A_39, %dma_start3A_40] : memref<2x640x64xf32, #tpu.memory_space<vmem>> -> memref<1x128x64xf32, #tpu.memory_space<vmem>>
    %dma_start3A_42 = tpu.memref_squeeze %dma_start3A_41 : memref<1x128x64xf32, #tpu.memory_space<vmem>> -> memref<128x64xf32, #tpu.memory_space<vmem>>
    %dma_start3A_43 = arith.constant 2688 : i32
    %dma_start3A_44 = tpu.memref_slice %arg6[%dma_start3A_43] : memref<3200xi32, #tpu.memory_space<vmem>> -> memref<128xi32, #tpu.memory_space<vmem>>
    %dma_start3A_45 = arith.constant 0 : i32
    %dma_start3A_46 = arith.constant 0 : i32
    %dma_start3A_47 = tpu.memref_slice %arg2[%dma_start3A_45, %dma_start3A_46] : memref<100001x64xf32, #tpu.memory_space<hbm>> -> memref<100001x64xf32, #tpu.memory_space<hbm>>
    tpu.enqueue_indirect_dma source(%dma_start3A_47 : memref<100001x64xf32, #tpu.memory_space<hbm>>) target(%dma_start3A_42 : memref<128x64xf32, #tpu.memory_space<vmem>>) offsets(%dma_start3A_44 : memref<128xi32, #tpu.memory_space<vmem>>) semaphore(%arg8 : memref<!tpu.dma_semaphore, #tpu.memory_space<semaphore_mem>>)
    %dma_start3A_48 = arith.constant 0 : i32
    %dma_start3A_49 = arith.constant 256 : i32
    %dma_start3A_50 = arith.constant 0 : i32
    %dma_start3A_51 = tpu.memref_slice %arg7[%dma_start3A_48, %dma_start3A_49, %dma_start3A_50] : memref<2x640x64xf32, #tpu.memory_space<vmem>> -> memref<1x128x64xf32, #tpu.memory_space<vmem>>
    %dma_start3A_52 = tpu.memref_squeeze %dma_start3A_51 : memref<1x128x64xf32, #tpu.memory_space<vmem>> -> memref<128x64xf32, #tpu.memory_space<vmem>>
    %dma_start3A_53 = arith.constant 2816 : i32
    %dma_start3A_54 = tpu.memref_slice %arg6[%dma_start3A_53] : memref<3200xi32, #tpu.memory_space<vmem>> -> memref<128xi32, #tpu.memory_space<vmem>>
    %dma_start3A_55 = arith.constant 0 : i32
    %dma_start3A_56 = arith.constant 0 : i32
    %dma_start3A_57 = tpu.memref_slice %arg2[%dma_start3A_55, %dma_start3A_56] : memref<100001x64xf32, #tpu.memory_space<hbm>> -> memref<100001x64xf32, #tpu.memory_space<hbm>>
    tpu.enqueue_indirect_dma source(%dma_start3A_57 : memref<100001x64xf32, #tpu.memory_space<hbm>>) target(%dma_start3A_52 : memref<128x64xf32, #tpu.memory_space<vmem>>) offsets(%dma_start3A_54 : memref<128xi32, #tpu.memory_space<vmem>>) semaphore(%arg8 : memref<!tpu.dma_semaphore, #tpu.memory_space<semaphore_mem>>)
    %dma_start3A_58 = arith.constant 0 : i32
    %dma_start3A_59 = arith.constant 384 : i32
    %dma_start3A_60 = arith.constant 0 : i32
    %dma_start3A_61 = tpu.memref_slice %arg7[%dma_start3A_58, %dma_start3A_59, %dma_start3A_60] : memref<2x640x64xf32, #tpu.memory_space<vmem>> -> memref<1x128x64xf32, #tpu.memory_space<vmem>>
    %dma_start3A_62 = tpu.memref_squeeze %dma_start3A_61 : memref<1x128x64xf32, #tpu.memory_space<vmem>> -> memref<128x64xf32, #tpu.memory_space<vmem>>
    %dma_start3A_63 = arith.constant 2944 : i32
    %dma_start3A_64 = tpu.memref_slice %arg6[%dma_start3A_63] : memref<3200xi32, #tpu.memory_space<vmem>> -> memref<128xi32, #tpu.memory_space<vmem>>
    %dma_start3A_65 = arith.constant 0 : i32
    %dma_start3A_66 = arith.constant 0 : i32
    %dma_start3A_67 = tpu.memref_slice %arg2[%dma_start3A_65, %dma_start3A_66] : memref<100001x64xf32, #tpu.memory_space<hbm>> -> memref<100001x64xf32, #tpu.memory_space<hbm>>
    tpu.enqueue_indirect_dma source(%dma_start3A_67 : memref<100001x64xf32, #tpu.memory_space<hbm>>) target(%dma_start3A_62 : memref<128x64xf32, #tpu.memory_space<vmem>>) offsets(%dma_start3A_64 : memref<128xi32, #tpu.memory_space<vmem>>) semaphore(%arg8 : memref<!tpu.dma_semaphore, #tpu.memory_space<semaphore_mem>>)
    %dma_start3A_68 = arith.constant 0 : i32
    %dma_start3A_69 = arith.constant 512 : i32
    %dma_start3A_70 = arith.constant 0 : i32
    %dma_start3A_71 = tpu.memref_slice %arg7[%dma_start3A_68, %dma_start3A_69, %dma_start3A_70] : memref<2x640x64xf32, #tpu.memory_space<vmem>> -> memref<1x128x64xf32, #tpu.memory_space<vmem>>
    %dma_start3A_72 = tpu.memref_squeeze %dma_start3A_71 : memref<1x128x64xf32, #tpu.memory_space<vmem>> -> memref<128x64xf32, #tpu.memory_space<vmem>>
    %dma_start3A_73 = arith.constant 3072 : i32
    %dma_start3A_74 = tpu.memref_slice %arg6[%dma_start3A_73] : memref<3200xi32, #tpu.memory_space<vmem>> -> memref<128xi32, #tpu.memory_space<vmem>>
    %dma_start3A_75 = arith.constant 0 : i32
    %dma_start3A_76 = arith.constant 0 : i32
    %dma_start3A_77 = tpu.memref_slice %arg2[%dma_start3A_75, %dma_start3A_76] : memref<100001x64xf32, #tpu.memory_space<hbm>> -> memref<100001x64xf32, #tpu.memory_space<hbm>>
    tpu.enqueue_indirect_dma source(%dma_start3A_77 : memref<100001x64xf32, #tpu.memory_space<hbm>>) target(%dma_start3A_72 : memref<128x64xf32, #tpu.memory_space<vmem>>) offsets(%dma_start3A_74 : memref<128xi32, #tpu.memory_space<vmem>>) semaphore(%arg8 : memref<!tpu.dma_semaphore, #tpu.memory_space<semaphore_mem>>)
    %dma_wait3A_78 = arith.constant 0 : i32
    %dma_wait3A_79 = arith.constant 0 : i32
    %dma_wait3A_80 = arith.constant 0 : i32
    %dma_wait3A_81 = tpu.memref_slice %arg7[%dma_wait3A_78, %dma_wait3A_79, %dma_wait3A_80] : memref<2x640x64xf32, #tpu.memory_space<vmem>> -> memref<1x128x64xf32, #tpu.memory_space<vmem>>
    %dma_wait3A_82 = tpu.memref_squeeze %dma_wait3A_81 : memref<1x128x64xf32, #tpu.memory_space<vmem>> -> memref<128x64xf32, #tpu.memory_space<vmem>>
    %dma_wait3A_83 = arith.constant 2560 : i32
    %dma_wait3A_84 = tpu.memref_slice %arg6[%dma_wait3A_83] : memref<3200xi32, #tpu.memory_space<vmem>> -> memref<128xi32, #tpu.memory_space<vmem>>
    %dma_wait3A_85 = arith.constant 0 : i32
    %dma_wait3A_86 = arith.constant 0 : i32
    %dma_wait3A_87 = tpu.memref_slice %arg2[%dma_wait3A_85, %dma_wait3A_86] : memref<100001x64xf32, #tpu.memory_space<hbm>> -> memref<100001x64xf32, #tpu.memory_space<hbm>>
    tpu.wait_indirect_dma semaphore(%arg8 : memref<!tpu.dma_semaphore, #tpu.memory_space<semaphore_mem>>) src(%dma_wait3A_87 : memref<100001x64xf32, #tpu.memory_space<hbm>>) dst(%dma_wait3A_82 : memref<128x64xf32, #tpu.memory_space<vmem>>)
    %dma_wait3A_88 = arith.constant 0 : i32
    %dma_wait3A_89 = arith.constant 128 : i32
    %dma_wait3A_90 = arith.constant 0 : i32
    %dma_wait3A_91 = tpu.memref_slice %arg7[%dma_wait3A_88, %dma_wait3A_89, %dma_wait3A_90] : memref<2x640x64xf32, #tpu.memory_space<vmem>> -> memref<1x128x64xf32, #tpu.memory_space<vmem>>
    %dma_wait3A_92 = tpu.memref_squeeze %dma_wait3A_91 : memref<1x128x64xf32, #tpu.memory_space<vmem>> -> memref<128x64xf32, #tpu.memory_space<vmem>>
    %dma_wait3A_93 = arith.constant 2688 : i32
    %dma_wait3A_94 = tpu.memref_slice %arg6[%dma_wait3A_93] : memref<3200xi32, #tpu.memory_space<vmem>> -> memref<128xi32, #tpu.memory_space<vmem>>
    %dma_wait3A_95 = arith.constant 0 : i32
    %dma_wait3A_96 = arith.constant 0 : i32
    %dma_wait3A_97 = tpu.memref_slice %arg2[%dma_wait3A_95, %dma_wait3A_96] : memref<100001x64xf32, #tpu.memory_space<hbm>> -> memref<100001x64xf32, #tpu.memory_space<hbm>>
    tpu.wait_indirect_dma semaphore(%arg8 : memref<!tpu.dma_semaphore, #tpu.memory_space<semaphore_mem>>) src(%dma_wait3A_97 : memref<100001x64xf32, #tpu.memory_space<hbm>>) dst(%dma_wait3A_92 : memref<128x64xf32, #tpu.memory_space<vmem>>)
    %dma_wait3A_98 = arith.constant 0 : i32
    %dma_wait3A_99 = arith.constant 256 : i32
    %dma_wait3A_100 = arith.constant 0 : i32
    %dma_wait3A_101 = tpu.memref_slice %arg7[%dma_wait3A_98, %dma_wait3A_99, %dma_wait3A_100] : memref<2x640x64xf32, #tpu.memory_space<vmem>> -> memref<1x128x64xf32, #tpu.memory_space<vmem>>
    %dma_wait3A_102 = tpu.memref_squeeze %dma_wait3A_101 : memref<1x128x64xf32, #tpu.memory_space<vmem>> -> memref<128x64xf32, #tpu.memory_space<vmem>>
    %dma_wait3A_103 = arith.constant 2816 : i32
    %dma_wait3A_104 = tpu.memref_slice %arg6[%dma_wait3A_103] : memref<3200xi32, #tpu.memory_space<vmem>> -> memref<128xi32, #tpu.memory_space<vmem>>
    %dma_wait3A_105 = arith.constant 0 : i32
    %dma_wait3A_106 = arith.constant 0 : i32
    %dma_wait3A_107 = tpu.memref_slice %arg2[%dma_wait3A_105, %dma_wait3A_106] : memref<100001x64xf32, #tpu.memory_space<hbm>> -> memref<100001x64xf32, #tpu.memory_space<hbm>>
    tpu.wait_indirect_dma semaphore(%arg8 : memref<!tpu.dma_semaphore, #tpu.memory_space<semaphore_mem>>) src(%dma_wait3A_107 : memref<100001x64xf32, #tpu.memory_space<hbm>>) dst(%dma_wait3A_102 : memref<128x64xf32, #tpu.memory_space<vmem>>)
    %dma_wait3A_108 = arith.constant 0 : i32
    %dma_wait3A_109 = arith.constant 384 : i32
    %dma_wait3A_110 = arith.constant 0 : i32
    %dma_wait3A_111 = tpu.memref_slice %arg7[%dma_wait3A_108, %dma_wait3A_109, %dma_wait3A_110] : memref<2x640x64xf32, #tpu.memory_space<vmem>> -> memref<1x128x64xf32, #tpu.memory_space<vmem>>
    %dma_wait3A_112 = tpu.memref_squeeze %dma_wait3A_111 : memref<1x128x64xf32, #tpu.memory_space<vmem>> -> memref<128x64xf32, #tpu.memory_space<vmem>>
    %dma_wait3A_113 = arith.constant 2944 : i32
    %dma_wait3A_114 = tpu.memref_slice %arg6[%dma_wait3A_113] : memref<3200xi32, #tpu.memory_space<vmem>> -> memref<128xi32, #tpu.memory_space<vmem>>
    %dma_wait3A_115 = arith.constant 0 : i32
    %dma_wait3A_116 = arith.constant 0 : i32
    %dma_wait3A_117 = tpu.memref_slice %arg2[%dma_wait3A_115, %dma_wait3A_116] : memref<100001x64xf32, #tpu.memory_space<hbm>> -> memref<100001x64xf32, #tpu.memory_space<hbm>>
    tpu.wait_indirect_dma semaphore(%arg8 : memref<!tpu.dma_semaphore, #tpu.memory_space<semaphore_mem>>) src(%dma_wait3A_117 : memref<100001x64xf32, #tpu.memory_space<hbm>>) dst(%dma_wait3A_112 : memref<128x64xf32, #tpu.memory_space<vmem>>)
    %dma_wait3A_118 = arith.constant 0 : i32
    %dma_wait3A_119 = arith.constant 512 : i32
    %dma_wait3A_120 = arith.constant 0 : i32
    %dma_wait3A_121 = tpu.memref_slice %arg7[%dma_wait3A_118, %dma_wait3A_119, %dma_wait3A_120] : memref<2x640x64xf32, #tpu.memory_space<vmem>> -> memref<1x128x64xf32, #tpu.memory_space<vmem>>
    %dma_wait3A_122 = tpu.memref_squeeze %dma_wait3A_121 : memref<1x128x64xf32, #tpu.memory_space<vmem>> -> memref<128x64xf32, #tpu.memory_space<vmem>>
    %dma_wait3A_123 = arith.constant 3072 : i32
    %dma_wait3A_124 = tpu.memref_slice %arg6[%dma_wait3A_123] : memref<3200xi32, #tpu.memory_space<vmem>> -> memref<128xi32, #tpu.memory_space<vmem>>
    %dma_wait3A_125 = arith.constant 0 : i32
    %dma_wait3A_126 = arith.constant 0 : i32
    %dma_wait3A_127 = tpu.memref_slice %arg2[%dma_wait3A_125, %dma_wait3A_126] : memref<100001x64xf32, #tpu.memory_space<hbm>> -> memref<100001x64xf32, #tpu.memory_space<hbm>>
    tpu.wait_indirect_dma semaphore(%arg8 : memref<!tpu.dma_semaphore, #tpu.memory_space<semaphore_mem>>) src(%dma_wait3A_127 : memref<100001x64xf32, #tpu.memory_space<hbm>>) dst(%dma_wait3A_122 : memref<128x64xf32, #tpu.memory_space<vmem>>)
    %add3A_128 = arith.constant 2560 : i32
    %add3A_129 = arith.addi %mul3A_2, %add3A_128 : i32
    %dma_start3A_130 = arith.constant 0 : i32
    %dma_start3A_131 = arith.constant 0 : i32
    %dma_start3A_132 = arith.constant 0 : i32
    %dma_start3A_133 = tpu.memref_slice %arg7[%dma_start3A_130, %dma_start3A_131, %dma_start3A_132] : memref<2x640x64xf32, #tpu.memory_space<vmem>> -> memref<1x640x64xf32, #tpu.memory_space<vmem>>
    %dma_start3A_134 = tpu.memref_squeeze %dma_start3A_133 : memref<1x640x64xf32, #tpu.memory_space<vmem>> -> memref<640x64xf32, #tpu.memory_space<vmem>>
    %dma_start3A_135 = arith.constant 0 : i32
    %dma_start3A_136 = tpu.memref_slice %arg4[%add3A_129, %dma_start3A_135] : memref<102400x64xf32, #tpu.memory_space<hbm>> -> memref<640x64xf32, #tpu.memory_space<hbm>>
    %dma_start3A_137 = arith.constant 0 : i32
    %dma_start3A_138 = tpu.memref_slice %arg4[%add3A_129, %dma_start3A_137] : memref<102400x64xf32, #tpu.memory_space<hbm>> -> memref<640x64xf32, #tpu.memory_space<hbm>>
    %dma_start3A_139 = arith.constant 0 : i32
    %dma_start3A_140 = arith.constant 0 : i32
    %dma_start3A_141 = tpu.memref_slice %arg7[%dma_start3A_130, %dma_start3A_139, %dma_start3A_140] : memref<2x640x64xf32, #tpu.memory_space<vmem>> -> memref<1x640x64xf32, #tpu.memory_space<vmem>>
    %dma_start3A_142 = tpu.memref_squeeze %dma_start3A_141 : memref<1x640x64xf32, #tpu.memory_space<vmem>> -> memref<640x64xf32, #tpu.memory_space<vmem>>
    tpu.enqueue_dma source(%dma_start3A_142 : memref<640x64xf32, #tpu.memory_space<vmem>>) target(%dma_start3A_138 : memref<640x64xf32, #tpu.memory_space<hbm>>) target_semaphore(%arg10 : memref<!tpu.dma_semaphore, #tpu.memory_space<semaphore_mem>>)
    %dma_wait3A_143 = arith.constant 0 : i32
    %dma_wait3A_144 = arith.constant 0 : i32
    %dma_wait3A_145 = arith.constant 0 : i32
    %dma_wait3A_146 = tpu.memref_slice %arg7[%dma_wait3A_143, %dma_wait3A_144, %dma_wait3A_145] : memref<2x640x64xf32, #tpu.memory_space<vmem>> -> memref<1x640x64xf32, #tpu.memory_space<vmem>>
    %dma_wait3A_147 = tpu.memref_squeeze %dma_wait3A_146 : memref<1x640x64xf32, #tpu.memory_space<vmem>> -> memref<640x64xf32, #tpu.memory_space<vmem>>
    %dma_wait3A_148 = arith.constant 0 : i32
    %dma_wait3A_149 = tpu.memref_slice %arg4[%mul3A_2, %dma_wait3A_148] : memref<102400x64xf32, #tpu.memory_space<hbm>> -> memref<640x64xf32, #tpu.memory_space<hbm>>
    %dma_wait3A_150 = arith.constant 0 : i32
    %dma_wait3A_151 = tpu.memref_slice %arg4[%mul3A_2, %dma_wait3A_150] : memref<102400x64xf32, #tpu.memory_space<hbm>> -> memref<640x64xf32, #tpu.memory_space<hbm>>
    %dma_wait3A_152 = arith.constant 0 : i32
    %dma_wait3A_153 = arith.constant 0 : i32
    %dma_wait3A_154 = tpu.memref_slice %arg7[%dma_wait3A_143, %dma_wait3A_152, %dma_wait3A_153] : memref<2x640x64xf32, #tpu.memory_space<vmem>> -> memref<1x640x64xf32, #tpu.memory_space<vmem>>
    %dma_wait3A_155 = tpu.memref_squeeze %dma_wait3A_154 : memref<1x640x64xf32, #tpu.memory_space<vmem>> -> memref<640x64xf32, #tpu.memory_space<vmem>>
    tpu.wait_dma2 semaphore(%arg10 : memref<!tpu.dma_semaphore, #tpu.memory_space<semaphore_mem>>) src(%dma_wait3A_155 : memref<640x64xf32, #tpu.memory_space<vmem>>) dst(%dma_wait3A_151 : memref<640x64xf32, #tpu.memory_space<hbm>>)
    %dma_wait3A_156 = arith.constant 1 : i32
    %dma_wait3A_157 = arith.constant 0 : i32
    %dma_wait3A_158 = arith.constant 0 : i32
    %dma_wait3A_159 = tpu.memref_slice %arg7[%dma_wait3A_156, %dma_wait3A_157, %dma_wait3A_158] : memref<2x640x64xf32, #tpu.memory_space<vmem>> -> memref<1x640x64xf32, #tpu.memory_space<vmem>>
    %dma_wait3A_160 = tpu.memref_squeeze %dma_wait3A_159 : memref<1x640x64xf32, #tpu.memory_space<vmem>> -> memref<640x64xf32, #tpu.memory_space<vmem>>
    %dma_wait3A_161 = arith.constant 0 : i32
    %dma_wait3A_162 = tpu.memref_slice %arg4[%mul3A_2, %dma_wait3A_161] : memref<102400x64xf32, #tpu.memory_space<hbm>> -> memref<640x64xf32, #tpu.memory_space<hbm>>
    %dma_wait3A_163 = arith.constant 0 : i32
    %dma_wait3A_164 = tpu.memref_slice %arg4[%mul3A_2, %dma_wait3A_163] : memref<102400x64xf32, #tpu.memory_space<hbm>> -> memref<640x64xf32, #tpu.memory_space<hbm>>
    %dma_wait3A_165 = arith.constant 0 : i32
    %dma_wait3A_166 = arith.constant 0 : i32
    %dma_wait3A_167 = tpu.memref_slice %arg7[%dma_wait3A_156, %dma_wait3A_165, %dma_wait3A_166] : memref<2x640x64xf32, #tpu.memory_space<vmem>> -> memref<1x640x64xf32, #tpu.memory_space<vmem>>
    %dma_wait3A_168 = tpu.memref_squeeze %dma_wait3A_167 : memref<1x640x64xf32, #tpu.memory_space<vmem>> -> memref<640x64xf32, #tpu.memory_space<vmem>>
    tpu.wait_dma2 semaphore(%arg11 : memref<!tpu.dma_semaphore, #tpu.memory_space<semaphore_mem>>) src(%dma_wait3A_168 : memref<640x64xf32, #tpu.memory_space<vmem>>) dst(%dma_wait3A_164 : memref<640x64xf32, #tpu.memory_space<hbm>>)
    return
  }
}

#map = affine_map<(d0, d1) -> (0, 0)>
#map1 = affine_map<(d0, d1) -> (0)>
module attributes {stable_mosaic.version = 14 : i64} {
  func.func @gather_kernel(%arg0: i32, %arg1: i32, %arg2: memref<100001x64xf32, #tpu.memory_space<hbm>>, %arg3: memref<102400xi32, #tpu.memory_space<hbm>>, %arg4: memref<102400x64xf32, #tpu.memory_space<hbm>>, %arg5: memref<3200xi32, #tpu.memory_space<vmem>>, %arg6: memref<3200xi32, #tpu.memory_space<vmem>>, %arg7: memref<2x640x64xf32, #tpu.memory_space<vmem>>, %arg8: memref<!tpu.dma_semaphore, #tpu.memory_space<semaphore_mem>>, %arg9: memref<!tpu.dma_semaphore, #tpu.memory_space<semaphore_mem>>, %arg10: memref<!tpu.dma_semaphore, #tpu.memory_space<semaphore_mem>>, %arg11: memref<!tpu.dma_semaphore, #tpu.memory_space<semaphore_mem>>) attributes {dimension_semantics = [#tpu.dimension_semantics<core_parallel>, #tpu.dimension_semantics<subcore_parallel>], iteration_bounds = array<i64: 2, 16>, scalar_prefetch = 0 : i64, scratch_operands = 7 : i64, tpu.core_type = #tpu.core_type<sc_vector_subcore>, window_params = [{transform_indices = #map}, {transform_indices = #map1}, {transform_indices = #map}]} {
    %mul3A = arith.constant 2 : i32
    %mul3A_0 = arith.muli %arg1, %mul3A : i32
    %add3A = arith.addi %mul3A_0, %arg0 : i32
    %mul3A_1 = arith.constant 3200 : i32
    %mul3A_2 = arith.muli %add3A, %mul3A_1 : i32
    "tpu.region"() ({
      %run_scoped3A = tpu.sem_alloc : memref<!tpu.dma_semaphore, #tpu.memory_space<semaphore_mem>>
      %dma_start3A_169 = tpu.memref_slice %arg3[%mul3A_2] : memref<102400xi32, #tpu.memory_space<hbm>> -> memref<3200xi32, #tpu.memory_space<hbm>>
      %dma_start3A_170 = tpu.memref_slice %arg3[%mul3A_2] : memref<102400xi32, #tpu.memory_space<hbm>> -> memref<3200xi32, #tpu.memory_space<hbm>>
      tpu.enqueue_dma source(%dma_start3A_170 : memref<3200xi32, #tpu.memory_space<hbm>>) target(%arg5 : memref<3200xi32, #tpu.memory_space<vmem>>) target_semaphore(%run_scoped3A : memref<!tpu.dma_semaphore, #tpu.memory_space<semaphore_mem>>)
      %dma_wait3A_171 = tpu.memref_slice %arg3[%mul3A_2] : memref<102400xi32, #tpu.memory_space<hbm>> -> memref<3200xi32, #tpu.memory_space<hbm>>
      %dma_wait3A_172 = tpu.memref_slice %arg3[%mul3A_2] : memref<102400xi32, #tpu.memory_space<hbm>> -> memref<3200xi32, #tpu.memory_space<hbm>>
      tpu.wait_dma2 semaphore(%run_scoped3A : memref<!tpu.dma_semaphore, #tpu.memory_space<semaphore_mem>>) src(%dma_wait3A_172 : memref<3200xi32, #tpu.memory_space<hbm>>) dst(%arg5 : memref<3200xi32, #tpu.memory_space<vmem>>)
      tpu.yield
    }) : () -> ()
    %iota3A = tpu.iota {dimensions = array<i32: 0>} : vector<16xi32>
    %mul3A_3 = arith.constant 2 : i32
    %mul3A_4 = vector.broadcast %mul3A_3 : i32 to vector<16xi32>
    %mul3A_5 = arith.muli %mul3A_4, %iota3A : vector<16xi32>
    %scan3A = arith.constant 0 : i32
    %scan3A_6 = arith.constant 0 : i32
    %scan3A_7 = arith.constant 100 : i32
    %scan3A_8 = arith.addi %scan3A_6, %scan3A_7 : i32
    %scan3A_9 = arith.constant 2 : i32
    scf.for %scan3A_169 = %scan3A_6 to %scan3A_8 step %scan3A_9  : i32 {
      %jit3A = arith.constant 100 : i32
      %div3A = arith.divsi %scan3A_169, %jit3A : i32
      %sign3A = arith.constant 0 : i32
      %sign3A_170 = arith.cmpi sgt, %scan3A_169, %sign3A : i32
      %sign3A_171 = arith.extui %sign3A_170 : i1 to i32
      %sign3A_172 = arith.constant 0 : i32
      %sign3A_173 = arith.cmpi slt, %scan3A_169, %sign3A_172 : i32
      %sign3A_174 = arith.extui %sign3A_173 : i1 to i32
      %sign3A_175 = arith.subi %sign3A_171, %sign3A_174 : i32
      %sign3A_176 = arith.constant 0 : i32
      %sign3A_177 = arith.cmpi sgt, %jit3A, %sign3A_176 : i32
      %sign3A_178 = arith.extui %sign3A_177 : i1 to i32
      %sign3A_179 = arith.constant 0 : i32
      %sign3A_180 = arith.cmpi slt, %jit3A, %sign3A_179 : i32
      %sign3A_181 = arith.extui %sign3A_180 : i1 to i32
      %sign3A_182 = arith.subi %sign3A_178, %sign3A_181 : i32
      %ne3A = arith.cmpi ne, %sign3A_175, %sign3A_182 : i32
      %rem3A = arith.remsi %scan3A_169, %jit3A : i32
      %ne3A_183 = arith.constant 0 : i32
      %ne3A_184 = arith.cmpi ne, %rem3A, %ne3A_183 : i32
      %and3A = arith.andi %ne3A, %ne3A_184 : i1
      %sub3A = arith.constant 1 : i32
      %sub3A_185 = arith.subi %div3A, %sub3A : i32
      %select_n3A = arith.select %and3A, %sub3A_185, %div3A : i32
      %jit3A_186 = arith.constant 100 : i32
      %eq3A = arith.constant 0 : i32
      %eq3A_187 = arith.cmpi eq, %jit3A_186, %eq3A : i32
      %jit3A_188 = arith.constant 1 : i32
      %select_n3A_189 = arith.select %eq3A_187, %jit3A_188, %jit3A_186 : i32
      %rem3A_190 = arith.remsi %scan3A_169, %select_n3A_189 : i32
      %ne3A_191 = arith.constant 0 : i32
      %ne3A_192 = arith.cmpi ne, %rem3A_190, %ne3A_191 : i32
      %lt3A = arith.constant 0 : i32
      %lt3A_193 = arith.cmpi slt, %rem3A_190, %lt3A : i32
      %lt3A_194 = arith.constant 0 : i32
      %lt3A_195 = arith.cmpi slt, %select_n3A_189, %lt3A_194 : i32
      %ne3A_196 = arith.xori %lt3A_193, %lt3A_195 : i1
      %and3A_197 = arith.andi %ne3A_196, %ne3A_192 : i1
      %add3A_198 = arith.addi %rem3A_190, %select_n3A_189 : i32
      %select_n3A_199 = arith.select %and3A_197, %add3A_198, %rem3A_190 : i32
      %mul3A_200 = arith.constant 2 : i32
      %mul3A_201 = arith.muli %select_n3A, %mul3A_200 : i32
      %mul3A_202 = arith.constant 1600 : i32
      %mul3A_203 = arith.muli %mul3A_201, %mul3A_202 : i32
      %mul3A_204 = arith.constant 16 : i32
      %mul3A_205 = arith.muli %select_n3A_199, %mul3A_204 : i32
      %add3A_206 = arith.addi %mul3A_203, %mul3A_205 : i32
      %get3A = arith.index_cast %add3A_206 : i32 to index
      %get3A_207 = tpu.vector_load %arg5[%get3A] {strides = array<i32>} : memref<3200xi32, #tpu.memory_space<vmem>>, vector<16xi32>,
      %max3A = arith.constant 1 : i32
      %max3A_208 = vector.broadcast %max3A : i32 to vector<16xi32>
      %max3A_209 = arith.maxsi %get3A_207, %max3A_208 : vector<16xi32>
      %add3A_210 = arith.constant 1600 : i32
      %add3A_211 = arith.addi %add3A_206, %add3A_210 : i32
      %get3A_212 = arith.index_cast %add3A_211 : i32 to index
      %get3A_213 = tpu.vector_load %arg5[%get3A_212] {strides = array<i32>} : memref<3200xi32, #tpu.memory_space<vmem>>, vector<16xi32>,
      %max3A_214 = arith.constant 1 : i32
      %max3A_215 = vector.broadcast %max3A_214 : i32 to vector<16xi32>
      %max3A_216 = arith.maxsi %get3A_213, %max3A_215 : vector<16xi32>
      %mul3A_217 = arith.constant 2 : i32
      %mul3A_218 = arith.muli %select_n3A, %mul3A_217 : i32
      %mul3A_219 = arith.constant 1600 : i32
      %mul3A_220 = arith.muli %mul3A_218, %mul3A_219 : i32
      %mul3A_221 = arith.constant 2 : i32
      %mul3A_222 = arith.muli %mul3A_221, %select_n3A_199 : i32
      %mul3A_223 = arith.constant 16 : i32
      %mul3A_224 = arith.muli %mul3A_222, %mul3A_223 : i32
      %add3A_225 = arith.addi %mul3A_220, %mul3A_224 : i32
      %add3A_226 = vector.broadcast %add3A_225 : i32 to vector<16xi32>
      %add3A_227 = arith.addi %mul3A_5, %add3A_226 : vector<16xi32>
      tpu.vector_store_idx %arg6[%add3A_227], %max3A_209 : memref<3200xi32, #tpu.memory_space<vmem>>[vector<16xi32>], vector<16xi32>,
      %add3A_228 = arith.constant 1 : i32
      %add3A_229 = vector.broadcast %add3A_228 : i32 to vector<16xi32>
      %add3A_230 = arith.addi %add3A_227, %add3A_229 : vector<16xi32>
      tpu.vector_store_idx %arg6[%add3A_230], %max3A_216 : memref<3200xi32, #tpu.memory_space<vmem>>[vector<16xi32>], vector<16xi32>,
      %scan3A_231 = arith.constant 1 : i32
      %scan3A_232 = arith.addi %scan3A_169, %scan3A_231 : i32
      %jit3A_233 = arith.constant 100 : i32
      %div3A_234 = arith.divsi %scan3A_232, %jit3A_233 : i32
      %sign3A_235 = arith.constant 0 : i32
      %sign3A_236 = arith.cmpi sgt, %scan3A_232, %sign3A_235 : i32
      %sign3A_237 = arith.extui %sign3A_236 : i1 to i32
      %sign3A_238 = arith.constant 0 : i32
      %sign3A_239 = arith.cmpi slt, %scan3A_232, %sign3A_238 : i32
      %sign3A_240 = arith.extui %sign3A_239 : i1 to i32
      %sign3A_241 = arith.subi %sign3A_237, %sign3A_240 : i32
      %sign3A_242 = arith.constant 0 : i32
      %sign3A_243 = arith.cmpi sgt, %jit3A_233, %sign3A_242 : i32
      %sign3A_244 = arith.extui %sign3A_243 : i1 to i32
      %sign3A_245 = arith.constant 0 : i32
      %sign3A_246 = arith.cmpi slt, %jit3A_233, %sign3A_245 : i32
      %sign3A_247 = arith.extui %sign3A_246 : i1 to i32
      %sign3A_248 = arith.subi %sign3A_244, %sign3A_247 : i32
      %ne3A_249 = arith.cmpi ne, %sign3A_241, %sign3A_248 : i32
      %rem3A_250 = arith.remsi %scan3A_232, %jit3A_233 : i32
      %ne3A_251 = arith.constant 0 : i32
      %ne3A_252 = arith.cmpi ne, %rem3A_250, %ne3A_251 : i32
      %and3A_253 = arith.andi %ne3A_249, %ne3A_252 : i1
      %sub3A_254 = arith.constant 1 : i32
      %sub3A_255 = arith.subi %div3A_234, %sub3A_254 : i32
      %select_n3A_256 = arith.select %and3A_253, %sub3A_255, %div3A_234 : i32
      %jit3A_257 = arith.constant 100 : i32
      %eq3A_258 = arith.constant 0 : i32
      %eq3A_259 = arith.cmpi eq, %jit3A_257, %eq3A_258 : i32
      %jit3A_260 = arith.constant 1 : i32
      %select_n3A_261 = arith.select %eq3A_259, %jit3A_260, %jit3A_257 : i32
      %rem3A_262 = arith.remsi %scan3A_232, %select_n3A_261 : i32
      %ne3A_263 = arith.constant 0 : i32
      %ne3A_264 = arith.cmpi ne, %rem3A_262, %ne3A_263 : i32
      %lt3A_265 = arith.constant 0 : i32
      %lt3A_266 = arith.cmpi slt, %rem3A_262, %lt3A_265 : i32
      %lt3A_267 = arith.constant 0 : i32
      %lt3A_268 = arith.cmpi slt, %select_n3A_261, %lt3A_267 : i32
      %ne3A_269 = arith.xori %lt3A_266, %lt3A_268 : i1
      %and3A_270 = arith.andi %ne3A_269, %ne3A_264 : i1
      %add3A_271 = arith.addi %rem3A_262, %select_n3A_261 : i32
      %select_n3A_272 = arith.select %and3A_270, %add3A_271, %rem3A_262 : i32
      %mul3A_273 = arith.constant 2 : i32
      %mul3A_274 = arith.muli %select_n3A_256, %mul3A_273 : i32
      %mul3A_275 = arith.constant 1600 : i32
      %mul3A_276 = arith.muli %mul3A_274, %mul3A_275 : i32
      %mul3A_277 = arith.constant 16 : i32
      %mul3A_278 = arith.muli %select_n3A_272, %mul3A_277 : i32
      %add3A_279 = arith.addi %mul3A_276, %mul3A_278 : i32
      %get3A_280 = arith.index_cast %add3A_279 : i32 to index
      %get3A_281 = tpu.vector_load %arg5[%get3A_280] {strides = array<i32>} : memref<3200xi32, #tpu.memory_space<vmem>>, vector<16xi32>,
      %max3A_282 = arith.constant 1 : i32
      %max3A_283 = vector.broadcast %max3A_282 : i32 to vector<16xi32>
      %max3A_284 = arith.maxsi %get3A_281, %max3A_283 : vector<16xi32>
      %add3A_285 = arith.constant 1600 : i32
      %add3A_286 = arith.addi %add3A_279, %add3A_285 : i32
      %get3A_287 = arith.index_cast %add3A_286 : i32 to index
      %get3A_288 = tpu.vector_load %arg5[%get3A_287] {strides = array<i32>} : memref<3200xi32, #tpu.memory_space<vmem>>, vector<16xi32>,
      %max3A_289 = arith.constant 1 : i32
      %max3A_290 = vector.broadcast %max3A_289 : i32 to vector<16xi32>
      %max3A_291 = arith.maxsi %get3A_288, %max3A_290 : vector<16xi32>
      %mul3A_292 = arith.constant 2 : i32
      %mul3A_293 = arith.muli %select_n3A_256, %mul3A_292 : i32
      %mul3A_294 = arith.constant 1600 : i32
      %mul3A_295 = arith.muli %mul3A_293, %mul3A_294 : i32
      %mul3A_296 = arith.constant 2 : i32
      %mul3A_297 = arith.muli %mul3A_296, %select_n3A_272 : i32
      %mul3A_298 = arith.constant 16 : i32
      %mul3A_299 = arith.muli %mul3A_297, %mul3A_298 : i32
      %add3A_300 = arith.addi %mul3A_295, %mul3A_299 : i32
      %add3A_301 = vector.broadcast %add3A_300 : i32 to vector<16xi32>
      %add3A_302 = arith.addi %mul3A_5, %add3A_301 : vector<16xi32>
      tpu.vector_store_idx %arg6[%add3A_302], %max3A_284 : memref<3200xi32, #tpu.memory_space<vmem>>[vector<16xi32>], vector<16xi32>,
      %add3A_303 = arith.constant 1 : i32
      %add3A_304 = vector.broadcast %add3A_303 : i32 to vector<16xi32>
      %add3A_305 = arith.addi %add3A_302, %add3A_304 : vector<16xi32>
      tpu.vector_store_idx %arg6[%add3A_305], %max3A_291 : memref<3200xi32, #tpu.memory_space<vmem>>[vector<16xi32>], vector<16xi32>,
    }
    %scan3A_10 = arith.constant 100 : i32
    %scan3A_11 = arith.constant 0 : i32
    %scan3A_12 = arith.constant 0 : i32
    %scan3A_13 = arith.constant 2 : i32
    %scan3A_14 = arith.addi %scan3A_12, %scan3A_13 : i32
    %scan3A_15 = arith.constant 1 : i32
    scf.for %scan3A_169 = %scan3A_12 to %scan3A_14 step %scan3A_15  : i32 {
      %mul3A_170 = arith.constant 2 : i32
      %mul3A_171 = arith.muli %mul3A_170, %scan3A_169 : i32
      %mul3A_172 = arith.constant 640 : i32
      %mul3A_173 = arith.muli %mul3A_171, %mul3A_172 : i32
      %ge3A = arith.constant 2 : i32
      %ge3A_174 = arith.cmpi sge, %mul3A_171, %ge3A : i32
      %convert_element_type3A = arith.extui %ge3A_174 : i1 to i32
      %cond3A = arith.constant 0 : i32
      %cond3A_175 = arith.cmpi ne, %convert_element_type3A, %cond3A : i32
      scf.if %cond3A_175 {
        %dma_wait3A_415 = arith.constant 0 : i32
        %dma_wait3A_416 = arith.constant 0 : i32
        %dma_wait3A_417 = arith.constant 0 : i32
        %dma_wait3A_418 = tpu.memref_slice %arg7[%dma_wait3A_415, %dma_wait3A_416, %dma_wait3A_417] : memref<2x640x64xf32, #tpu.memory_space<vmem>> -> memref<1x640x64xf32, #tpu.memory_space<vmem>>
        %dma_wait3A_419 = tpu.memref_squeeze %dma_wait3A_418 : memref<1x640x64xf32, #tpu.memory_space<vmem>> -> memref<640x64xf32, #tpu.memory_space<vmem>>
        %dma_wait3A_420 = arith.constant 0 : i32
        %dma_wait3A_421 = tpu.memref_slice %arg4[%mul3A_2, %dma_wait3A_420] : memref<102400x64xf32, #tpu.memory_space<hbm>> -> memref<640x64xf32, #tpu.memory_space<hbm>>
        %dma_wait3A_422 = arith.constant 0 : i32
        %dma_wait3A_423 = tpu.memref_slice %arg4[%mul3A_2, %dma_wait3A_422] : memref<102400x64xf32, #tpu.memory_space<hbm>> -> memref<640x64xf32, #tpu.memory_space<hbm>>
        %dma_wait3A_424 = arith.constant 0 : i32
        %dma_wait3A_425 = arith.constant 0 : i32
        %dma_wait3A_426 = tpu.memref_slice %arg7[%dma_wait3A_415, %dma_wait3A_424, %dma_wait3A_425] : memref<2x640x64xf32, #tpu.memory_space<vmem>> -> memref<1x640x64xf32, #tpu.memory_space<vmem>>
        %dma_wait3A_427 = tpu.memref_squeeze %dma_wait3A_426 : memref<1x640x64xf32, #tpu.memory_space<vmem>> -> memref<640x64xf32, #tpu.memory_space<vmem>>
        tpu.wait_dma2 semaphore(%arg10 : memref<!tpu.dma_semaphore, #tpu.memory_space<semaphore_mem>>) src(%dma_wait3A_427 : memref<640x64xf32, #tpu.memory_space<vmem>>) dst(%dma_wait3A_423 : memref<640x64xf32, #tpu.memory_space<hbm>>)
      } else {
      }
      %add3A_176 = arith.constant 0 : i32
      %add3A_177 = arith.addi %mul3A_173, %add3A_176 : i32
      %dma_start3A_178 = arith.constant 0 : i32
      %dma_start3A_179 = arith.constant 0 : i32
      %dma_start3A_180 = arith.constant 0 : i32
      %dma_start3A_181 = tpu.memref_slice %arg7[%dma_start3A_178, %dma_start3A_179, %dma_start3A_180] : memref<2x640x64xf32, #tpu.memory_space<vmem>> -> memref<1x128x64xf32, #tpu.memory_space<vmem>>
      %dma_start3A_182 = tpu.memref_squeeze %dma_start3A_181 : memref<1x128x64xf32, #tpu.memory_space<vmem>> -> memref<128x64xf32, #tpu.memory_space<vmem>>
      %dma_start3A_183 = tpu.memref_slice %arg6[%add3A_177] : memref<3200xi32, #tpu.memory_space<vmem>> -> memref<128xi32, #tpu.memory_space<vmem>>
      %dma_start3A_184 = arith.constant 0 : i32
      %dma_start3A_185 = arith.constant 0 : i32
      %dma_start3A_186 = tpu.memref_slice %arg2[%dma_start3A_184, %dma_start3A_185] : memref<100001x64xf32, #tpu.memory_space<hbm>> -> memref<100001x64xf32, #tpu.memory_space<hbm>>
      tpu.enqueue_indirect_dma source(%dma_start3A_186 : memref<100001x64xf32, #tpu.memory_space<hbm>>) target(%dma_start3A_182 : memref<128x64xf32, #tpu.memory_space<vmem>>) offsets(%dma_start3A_183 : memref<128xi32, #tpu.memory_space<vmem>>) semaphore(%arg8 : memref<!tpu.dma_semaphore, #tpu.memory_space<semaphore_mem>>)
      %add3A_187 = arith.constant 128 : i32
      %add3A_188 = arith.addi %mul3A_173, %add3A_187 : i32
      %dma_start3A_189 = arith.constant 0 : i32
      %dma_start3A_190 = arith.constant 128 : i32
      %dma_start3A_191 = arith.constant 0 : i32
      %dma_start3A_192 = tpu.memref_slice %arg7[%dma_start3A_189, %dma_start3A_190, %dma_start3A_191] : memref<2x640x64xf32, #tpu.memory_space<vmem>> -> memref<1x128x64xf32, #tpu.memory_space<vmem>>
      %dma_start3A_193 = tpu.memref_squeeze %dma_start3A_192 : memref<1x128x64xf32, #tpu.memory_space<vmem>> -> memref<128x64xf32, #tpu.memory_space<vmem>>
      %dma_start3A_194 = tpu.memref_slice %arg6[%add3A_188] : memref<3200xi32, #tpu.memory_space<vmem>> -> memref<128xi32, #tpu.memory_space<vmem>>
      %dma_start3A_195 = arith.constant 0 : i32
      %dma_start3A_196 = arith.constant 0 : i32
      %dma_start3A_197 = tpu.memref_slice %arg2[%dma_start3A_195, %dma_start3A_196] : memref<100001x64xf32, #tpu.memory_space<hbm>> -> memref<100001x64xf32, #tpu.memory_space<hbm>>
      tpu.enqueue_indirect_dma source(%dma_start3A_197 : memref<100001x64xf32, #tpu.memory_space<hbm>>) target(%dma_start3A_193 : memref<128x64xf32, #tpu.memory_space<vmem>>) offsets(%dma_start3A_194 : memref<128xi32, #tpu.memory_space<vmem>>) semaphore(%arg8 : memref<!tpu.dma_semaphore, #tpu.memory_space<semaphore_mem>>)
      %add3A_198 = arith.constant 256 : i32
      %add3A_199 = arith.addi %mul3A_173, %add3A_198 : i32
      %dma_start3A_200 = arith.constant 0 : i32
      %dma_start3A_201 = arith.constant 256 : i32
      %dma_start3A_202 = arith.constant 0 : i32
      %dma_start3A_203 = tpu.memref_slice %arg7[%dma_start3A_200, %dma_start3A_201, %dma_start3A_202] : memref<2x640x64xf32, #tpu.memory_space<vmem>> -> memref<1x128x64xf32, #tpu.memory_space<vmem>>
      %dma_start3A_204 = tpu.memref_squeeze %dma_start3A_203 : memref<1x128x64xf32, #tpu.memory_space<vmem>> -> memref<128x64xf32, #tpu.memory_space<vmem>>
      %dma_start3A_205 = tpu.memref_slice %arg6[%add3A_199] : memref<3200xi32, #tpu.memory_space<vmem>> -> memref<128xi32, #tpu.memory_space<vmem>>
      %dma_start3A_206 = arith.constant 0 : i32
      %dma_start3A_207 = arith.constant 0 : i32
      %dma_start3A_208 = tpu.memref_slice %arg2[%dma_start3A_206, %dma_start3A_207] : memref<100001x64xf32, #tpu.memory_space<hbm>> -> memref<100001x64xf32, #tpu.memory_space<hbm>>
      tpu.enqueue_indirect_dma source(%dma_start3A_208 : memref<100001x64xf32, #tpu.memory_space<hbm>>) target(%dma_start3A_204 : memref<128x64xf32, #tpu.memory_space<vmem>>) offsets(%dma_start3A_205 : memref<128xi32, #tpu.memory_space<vmem>>) semaphore(%arg8 : memref<!tpu.dma_semaphore, #tpu.memory_space<semaphore_mem>>)
      %add3A_209 = arith.constant 384 : i32
      %add3A_210 = arith.addi %mul3A_173, %add3A_209 : i32
      %dma_start3A_211 = arith.constant 0 : i32
      %dma_start3A_212 = arith.constant 384 : i32
      %dma_start3A_213 = arith.constant 0 : i32
      %dma_start3A_214 = tpu.memref_slice %arg7[%dma_start3A_211, %dma_start3A_212, %dma_start3A_213] : memref<2x640x64xf32, #tpu.memory_space<vmem>> -> memref<1x128x64xf32, #tpu.memory_space<vmem>>
      %dma_start3A_215 = tpu.memref_squeeze %dma_start3A_214 : memref<1x128x64xf32, #tpu.memory_space<vmem>> -> memref<128x64xf32, #tpu.memory_space<vmem>>
      %dma_start3A_216 = tpu.memref_slice %arg6[%add3A_210] : memref<3200xi32, #tpu.memory_space<vmem>> -> memref<128xi32, #tpu.memory_space<vmem>>
      %dma_start3A_217 = arith.constant 0 : i32
      %dma_start3A_218 = arith.constant 0 : i32
      %dma_start3A_219 = tpu.memref_slice %arg2[%dma_start3A_217, %dma_start3A_218] : memref<100001x64xf32, #tpu.memory_space<hbm>> -> memref<100001x64xf32, #tpu.memory_space<hbm>>
      tpu.enqueue_indirect_dma source(%dma_start3A_219 : memref<100001x64xf32, #tpu.memory_space<hbm>>) target(%dma_start3A_215 : memref<128x64xf32, #tpu.memory_space<vmem>>) offsets(%dma_start3A_216 : memref<128xi32, #tpu.memory_space<vmem>>) semaphore(%arg8 : memref<!tpu.dma_semaphore, #tpu.memory_space<semaphore_mem>>)
      %add3A_220 = arith.constant 512 : i32
      %add3A_221 = arith.addi %mul3A_173, %add3A_220 : i32
      %dma_start3A_222 = arith.constant 0 : i32
      %dma_start3A_223 = arith.constant 512 : i32
      %dma_start3A_224 = arith.constant 0 : i32
      %dma_start3A_225 = tpu.memref_slice %arg7[%dma_start3A_222, %dma_start3A_223, %dma_start3A_224] : memref<2x640x64xf32, #tpu.memory_space<vmem>> -> memref<1x128x64xf32, #tpu.memory_space<vmem>>
      %dma_start3A_226 = tpu.memref_squeeze %dma_start3A_225 : memref<1x128x64xf32, #tpu.memory_space<vmem>> -> memref<128x64xf32, #tpu.memory_space<vmem>>
      %dma_start3A_227 = tpu.memref_slice %arg6[%add3A_221] : memref<3200xi32, #tpu.memory_space<vmem>> -> memref<128xi32, #tpu.memory_space<vmem>>
      %dma_start3A_228 = arith.constant 0 : i32
      %dma_start3A_229 = arith.constant 0 : i32
      %dma_start3A_230 = tpu.memref_slice %arg2[%dma_start3A_228, %dma_start3A_229] : memref<100001x64xf32, #tpu.memory_space<hbm>> -> memref<100001x64xf32, #tpu.memory_space<hbm>>
      tpu.enqueue_indirect_dma source(%dma_start3A_230 : memref<100001x64xf32, #tpu.memory_space<hbm>>) target(%dma_start3A_226 : memref<128x64xf32, #tpu.memory_space<vmem>>) offsets(%dma_start3A_227 : memref<128xi32, #tpu.memory_space<vmem>>) semaphore(%arg8 : memref<!tpu.dma_semaphore, #tpu.memory_space<semaphore_mem>>)
      %dma_wait3A_231 = arith.constant 0 : i32
      %dma_wait3A_232 = arith.constant 0 : i32
      %dma_wait3A_233 = arith.constant 0 : i32
      %dma_wait3A_234 = tpu.memref_slice %arg7[%dma_wait3A_231, %dma_wait3A_232, %dma_wait3A_233] : memref<2x640x64xf32, #tpu.memory_space<vmem>> -> memref<1x128x64xf32, #tpu.memory_space<vmem>>
      %dma_wait3A_235 = tpu.memref_squeeze %dma_wait3A_234 : memref<1x128x64xf32, #tpu.memory_space<vmem>> -> memref<128x64xf32, #tpu.memory_space<vmem>>
      %dma_wait3A_236 = tpu.memref_slice %arg6[%add3A_177] : memref<3200xi32, #tpu.memory_space<vmem>> -> memref<128xi32, #tpu.memory_space<vmem>>
      %dma_wait3A_237 = arith.constant 0 : i32
      %dma_wait3A_238 = arith.constant 0 : i32
      %dma_wait3A_239 = tpu.memref_slice %arg2[%dma_wait3A_237, %dma_wait3A_238] : memref<100001x64xf32, #tpu.memory_space<hbm>> -> memref<100001x64xf32, #tpu.memory_space<hbm>>
      tpu.wait_indirect_dma semaphore(%arg8 : memref<!tpu.dma_semaphore, #tpu.memory_space<semaphore_mem>>) src(%dma_wait3A_239 : memref<100001x64xf32, #tpu.memory_space<hbm>>) dst(%dma_wait3A_235 : memref<128x64xf32, #tpu.memory_space<vmem>>)
      %dma_wait3A_240 = arith.constant 0 : i32
      %dma_wait3A_241 = arith.constant 128 : i32
      %dma_wait3A_242 = arith.constant 0 : i32
      %dma_wait3A_243 = tpu.memref_slice %arg7[%dma_wait3A_240, %dma_wait3A_241, %dma_wait3A_242] : memref<2x640x64xf32, #tpu.memory_space<vmem>> -> memref<1x128x64xf32, #tpu.memory_space<vmem>>
      %dma_wait3A_244 = tpu.memref_squeeze %dma_wait3A_243 : memref<1x128x64xf32, #tpu.memory_space<vmem>> -> memref<128x64xf32, #tpu.memory_space<vmem>>
      %dma_wait3A_245 = tpu.memref_slice %arg6[%add3A_188] : memref<3200xi32, #tpu.memory_space<vmem>> -> memref<128xi32, #tpu.memory_space<vmem>>
      %dma_wait3A_246 = arith.constant 0 : i32
      %dma_wait3A_247 = arith.constant 0 : i32
      %dma_wait3A_248 = tpu.memref_slice %arg2[%dma_wait3A_246, %dma_wait3A_247] : memref<100001x64xf32, #tpu.memory_space<hbm>> -> memref<100001x64xf32, #tpu.memory_space<hbm>>
      tpu.wait_indirect_dma semaphore(%arg8 : memref<!tpu.dma_semaphore, #tpu.memory_space<semaphore_mem>>) src(%dma_wait3A_248 : memref<100001x64xf32, #tpu.memory_space<hbm>>) dst(%dma_wait3A_244 : memref<128x64xf32, #tpu.memory_space<vmem>>)
      %dma_wait3A_249 = arith.constant 0 : i32
      %dma_wait3A_250 = arith.constant 256 : i32
      %dma_wait3A_251 = arith.constant 0 : i32
      %dma_wait3A_252 = tpu.memref_slice %arg7[%dma_wait3A_249, %dma_wait3A_250, %dma_wait3A_251] : memref<2x640x64xf32, #tpu.memory_space<vmem>> -> memref<1x128x64xf32, #tpu.memory_space<vmem>>
      %dma_wait3A_253 = tpu.memref_squeeze %dma_wait3A_252 : memref<1x128x64xf32, #tpu.memory_space<vmem>> -> memref<128x64xf32, #tpu.memory_space<vmem>>
      %dma_wait3A_254 = tpu.memref_slice %arg6[%add3A_199] : memref<3200xi32, #tpu.memory_space<vmem>> -> memref<128xi32, #tpu.memory_space<vmem>>
      %dma_wait3A_255 = arith.constant 0 : i32
      %dma_wait3A_256 = arith.constant 0 : i32
      %dma_wait3A_257 = tpu.memref_slice %arg2[%dma_wait3A_255, %dma_wait3A_256] : memref<100001x64xf32, #tpu.memory_space<hbm>> -> memref<100001x64xf32, #tpu.memory_space<hbm>>
      tpu.wait_indirect_dma semaphore(%arg8 : memref<!tpu.dma_semaphore, #tpu.memory_space<semaphore_mem>>) src(%dma_wait3A_257 : memref<100001x64xf32, #tpu.memory_space<hbm>>) dst(%dma_wait3A_253 : memref<128x64xf32, #tpu.memory_space<vmem>>)
      %dma_wait3A_258 = arith.constant 0 : i32
      %dma_wait3A_259 = arith.constant 384 : i32
      %dma_wait3A_260 = arith.constant 0 : i32
      %dma_wait3A_261 = tpu.memref_slice %arg7[%dma_wait3A_258, %dma_wait3A_259, %dma_wait3A_260] : memref<2x640x64xf32, #tpu.memory_space<vmem>> -> memref<1x128x64xf32, #tpu.memory_space<vmem>>
      %dma_wait3A_262 = tpu.memref_squeeze %dma_wait3A_261 : memref<1x128x64xf32, #tpu.memory_space<vmem>> -> memref<128x64xf32, #tpu.memory_space<vmem>>
      %dma_wait3A_263 = tpu.memref_slice %arg6[%add3A_210] : memref<3200xi32, #tpu.memory_space<vmem>> -> memref<128xi32, #tpu.memory_space<vmem>>
      %dma_wait3A_264 = arith.constant 0 : i32
      %dma_wait3A_265 = arith.constant 0 : i32
      %dma_wait3A_266 = tpu.memref_slice %arg2[%dma_wait3A_264, %dma_wait3A_265] : memref<100001x64xf32, #tpu.memory_space<hbm>> -> memref<100001x64xf32, #tpu.memory_space<hbm>>
      tpu.wait_indirect_dma semaphore(%arg8 : memref<!tpu.dma_semaphore, #tpu.memory_space<semaphore_mem>>) src(%dma_wait3A_266 : memref<100001x64xf32, #tpu.memory_space<hbm>>) dst(%dma_wait3A_262 : memref<128x64xf32, #tpu.memory_space<vmem>>)
      %dma_wait3A_267 = arith.constant 0 : i32
      %dma_wait3A_268 = arith.constant 512 : i32
      %dma_wait3A_269 = arith.constant 0 : i32
      %dma_wait3A_270 = tpu.memref_slice %arg7[%dma_wait3A_267, %dma_wait3A_268, %dma_wait3A_269] : memref<2x640x64xf32, #tpu.memory_space<vmem>> -> memref<1x128x64xf32, #tpu.memory_space<vmem>>
      %dma_wait3A_271 = tpu.memref_squeeze %dma_wait3A_270 : memref<1x128x64xf32, #tpu.memory_space<vmem>> -> memref<128x64xf32, #tpu.memory_space<vmem>>
      %dma_wait3A_272 = tpu.memref_slice %arg6[%add3A_221] : memref<3200xi32, #tpu.memory_space<vmem>> -> memref<128xi32, #tpu.memory_space<vmem>>
      %dma_wait3A_273 = arith.constant 0 : i32
      %dma_wait3A_274 = arith.constant 0 : i32
      %dma_wait3A_275 = tpu.memref_slice %arg2[%dma_wait3A_273, %dma_wait3A_274] : memref<100001x64xf32, #tpu.memory_space<hbm>> -> memref<100001x64xf32, #tpu.memory_space<hbm>>
      tpu.wait_indirect_dma semaphore(%arg8 : memref<!tpu.dma_semaphore, #tpu.memory_space<semaphore_mem>>) src(%dma_wait3A_275 : memref<100001x64xf32, #tpu.memory_space<hbm>>) dst(%dma_wait3A_271 : memref<128x64xf32, #tpu.memory_space<vmem>>)
      %add3A_276 = arith.addi %mul3A_2, %mul3A_173 : i32
      %dma_start3A_277 = arith.constant 0 : i32
      %dma_start3A_278 = arith.constant 0 : i32
      %dma_start3A_279 = arith.constant 0 : i32
      %dma_start3A_280 = tpu.memref_slice %arg7[%dma_start3A_277, %dma_start3A_278, %dma_start3A_279] : memref<2x640x64xf32, #tpu.memory_space<vmem>> -> memref<1x640x64xf32, #tpu.memory_space<vmem>>
      %dma_start3A_281 = tpu.memref_squeeze %dma_start3A_280 : memref<1x640x64xf32, #tpu.memory_space<vmem>> -> memref<640x64xf32, #tpu.memory_space<vmem>>
      %dma_start3A_282 = arith.constant 0 : i32
      %dma_start3A_283 = tpu.memref_slice %arg4[%add3A_276, %dma_start3A_282] : memref<102400x64xf32, #tpu.memory_space<hbm>> -> memref<640x64xf32, #tpu.memory_space<hbm>>
      %dma_start3A_284 = arith.constant 0 : i32
      %dma_start3A_285 = tpu.memref_slice %arg4[%add3A_276, %dma_start3A_284] : memref<102400x64xf32, #tpu.memory_space<hbm>> -> memref<640x64xf32, #tpu.memory_space<hbm>>
      %dma_start3A_286 = arith.constant 0 : i32
      %dma_start3A_287 = arith.constant 0 : i32
      %dma_start3A_288 = tpu.memref_slice %arg7[%dma_start3A_277, %dma_start3A_286, %dma_start3A_287] : memref<2x640x64xf32, #tpu.memory_space<vmem>> -> memref<1x640x64xf32, #tpu.memory_space<vmem>>
      %dma_start3A_289 = tpu.memref_squeeze %dma_start3A_288 : memref<1x640x64xf32, #tpu.memory_space<vmem>> -> memref<640x64xf32, #tpu.memory_space<vmem>>
      tpu.enqueue_dma source(%dma_start3A_289 : memref<640x64xf32, #tpu.memory_space<vmem>>) target(%dma_start3A_285 : memref<640x64xf32, #tpu.memory_space<hbm>>) target_semaphore(%arg10 : memref<!tpu.dma_semaphore, #tpu.memory_space<semaphore_mem>>)
      %mul3A_290 = arith.constant 2 : i32
      %mul3A_291 = arith.muli %mul3A_290, %scan3A_169 : i32
      %add3A_292 = arith.constant 1 : i32
      %add3A_293 = arith.addi %mul3A_291, %add3A_292 : i32
      %mul3A_294 = arith.constant 640 : i32
      %mul3A_295 = arith.muli %add3A_293, %mul3A_294 : i32
      %ge3A_296 = arith.constant 2 : i32
      %ge3A_297 = arith.cmpi sge, %add3A_293, %ge3A_296 : i32
      %convert_element_type3A_298 = arith.extui %ge3A_297 : i1 to i32
      %cond3A_299 = arith.constant 0 : i32
      %cond3A_300 = arith.cmpi ne, %convert_element_type3A_298, %cond3A_299 : i32
      scf.if %cond3A_300 {
        %dma_wait3A_415 = arith.constant 1 : i32
        %dma_wait3A_416 = arith.constant 0 : i32
        %dma_wait3A_417 = arith.constant 0 : i32
        %dma_wait3A_418 = tpu.memref_slice %arg7[%dma_wait3A_415, %dma_wait3A_416, %dma_wait3A_417] : memref<2x640x64xf32, #tpu.memory_space<vmem>> -> memref<1x640x64xf32, #tpu.memory_space<vmem>>
        %dma_wait3A_419 = tpu.memref_squeeze %dma_wait3A_418 : memref<1x640x64xf32, #tpu.memory_space<vmem>> -> memref<640x64xf32, #tpu.memory_space<vmem>>
        %dma_wait3A_420 = arith.constant 0 : i32
        %dma_wait3A_421 = tpu.memref_slice %arg4[%mul3A_2, %dma_wait3A_420] : memref<102400x64xf32, #tpu.memory_space<hbm>> -> memref<640x64xf32, #tpu.memory_space<hbm>>
        %dma_wait3A_422 = arith.constant 0 : i32
        %dma_wait3A_423 = tpu.memref_slice %arg4[%mul3A_2, %dma_wait3A_422] : memref<102400x64xf32, #tpu.memory_space<hbm>> -> memref<640x64xf32, #tpu.memory_space<hbm>>
        %dma_wait3A_424 = arith.constant 0 : i32
        %dma_wait3A_425 = arith.constant 0 : i32
        %dma_wait3A_426 = tpu.memref_slice %arg7[%dma_wait3A_415, %dma_wait3A_424, %dma_wait3A_425] : memref<2x640x64xf32, #tpu.memory_space<vmem>> -> memref<1x640x64xf32, #tpu.memory_space<vmem>>
        %dma_wait3A_427 = tpu.memref_squeeze %dma_wait3A_426 : memref<1x640x64xf32, #tpu.memory_space<vmem>> -> memref<640x64xf32, #tpu.memory_space<vmem>>
        tpu.wait_dma2 semaphore(%arg11 : memref<!tpu.dma_semaphore, #tpu.memory_space<semaphore_mem>>) src(%dma_wait3A_427 : memref<640x64xf32, #tpu.memory_space<vmem>>) dst(%dma_wait3A_423 : memref<640x64xf32, #tpu.memory_space<hbm>>)
      } else {
      }
      %add3A_301 = arith.constant 0 : i32
      %add3A_302 = arith.addi %mul3A_295, %add3A_301 : i32
      %dma_start3A_303 = arith.constant 1 : i32
      %dma_start3A_304 = arith.constant 0 : i32
      %dma_start3A_305 = arith.constant 0 : i32
      %dma_start3A_306 = tpu.memref_slice %arg7[%dma_start3A_303, %dma_start3A_304, %dma_start3A_305] : memref<2x640x64xf32, #tpu.memory_space<vmem>> -> memref<1x128x64xf32, #tpu.memory_space<vmem>>
      %dma_start3A_307 = tpu.memref_squeeze %dma_start3A_306 : memref<1x128x64xf32, #tpu.memory_space<vmem>> -> memref<128x64xf32, #tpu.memory_space<vmem>>
      %dma_start3A_308 = tpu.memref_slice %arg6[%add3A_302] : memref<3200xi32, #tpu.memory_space<vmem>> -> memref<128xi32, #tpu.memory_space<vmem>>
      %dma_start3A_309 = arith.constant 0 : i32
      %dma_start3A_310 = arith.constant 0 : i32
      %dma_start3A_311 = tpu.memref_slice %arg2[%dma_start3A_309, %dma_start3A_310] : memref<100001x64xf32, #tpu.memory_space<hbm>> -> memref<100001x64xf32, #tpu.memory_space<hbm>>
      tpu.enqueue_indirect_dma source(%dma_start3A_311 : memref<100001x64xf32, #tpu.memory_space<hbm>>) target(%dma_start3A_307 : memref<128x64xf32, #tpu.memory_space<vmem>>) offsets(%dma_start3A_308 : memref<128xi32, #tpu.memory_space<vmem>>) semaphore(%arg9 : memref<!tpu.dma_semaphore, #tpu.memory_space<semaphore_mem>>)
      %add3A_312 = arith.constant 128 : i32
      %add3A_313 = arith.addi %mul3A_295, %add3A_312 : i32
      %dma_start3A_314 = arith.constant 1 : i32
      %dma_start3A_315 = arith.constant 128 : i32
      %dma_start3A_316 = arith.constant 0 : i32
      %dma_start3A_317 = tpu.memref_slice %arg7[%dma_start3A_314, %dma_start3A_315, %dma_start3A_316] : memref<2x640x64xf32, #tpu.memory_space<vmem>> -> memref<1x128x64xf32, #tpu.memory_space<vmem>>
      %dma_start3A_318 = tpu.memref_squeeze %dma_start3A_317 : memref<1x128x64xf32, #tpu.memory_space<vmem>> -> memref<128x64xf32, #tpu.memory_space<vmem>>
      %dma_start3A_319 = tpu.memref_slice %arg6[%add3A_313] : memref<3200xi32, #tpu.memory_space<vmem>> -> memref<128xi32, #tpu.memory_space<vmem>>
      %dma_start3A_320 = arith.constant 0 : i32
      %dma_start3A_321 = arith.constant 0 : i32
      %dma_start3A_322 = tpu.memref_slice %arg2[%dma_start3A_320, %dma_start3A_321] : memref<100001x64xf32, #tpu.memory_space<hbm>> -> memref<100001x64xf32, #tpu.memory_space<hbm>>
      tpu.enqueue_indirect_dma source(%dma_start3A_322 : memref<100001x64xf32, #tpu.memory_space<hbm>>) target(%dma_start3A_318 : memref<128x64xf32, #tpu.memory_space<vmem>>) offsets(%dma_start3A_319 : memref<128xi32, #tpu.memory_space<vmem>>) semaphore(%arg9 : memref<!tpu.dma_semaphore, #tpu.memory_space<semaphore_mem>>)
      %add3A_323 = arith.constant 256 : i32
      %add3A_324 = arith.addi %mul3A_295, %add3A_323 : i32
      %dma_start3A_325 = arith.constant 1 : i32
      %dma_start3A_326 = arith.constant 256 : i32
      %dma_start3A_327 = arith.constant 0 : i32
      %dma_start3A_328 = tpu.memref_slice %arg7[%dma_start3A_325, %dma_start3A_326, %dma_start3A_327] : memref<2x640x64xf32, #tpu.memory_space<vmem>> -> memref<1x128x64xf32, #tpu.memory_space<vmem>>
      %dma_start3A_329 = tpu.memref_squeeze %dma_start3A_328 : memref<1x128x64xf32, #tpu.memory_space<vmem>> -> memref<128x64xf32, #tpu.memory_space<vmem>>
      %dma_start3A_330 = tpu.memref_slice %arg6[%add3A_324] : memref<3200xi32, #tpu.memory_space<vmem>> -> memref<128xi32, #tpu.memory_space<vmem>>
      %dma_start3A_331 = arith.constant 0 : i32
      %dma_start3A_332 = arith.constant 0 : i32
      %dma_start3A_333 = tpu.memref_slice %arg2[%dma_start3A_331, %dma_start3A_332] : memref<100001x64xf32, #tpu.memory_space<hbm>> -> memref<100001x64xf32, #tpu.memory_space<hbm>>
      tpu.enqueue_indirect_dma source(%dma_start3A_333 : memref<100001x64xf32, #tpu.memory_space<hbm>>) target(%dma_start3A_329 : memref<128x64xf32, #tpu.memory_space<vmem>>) offsets(%dma_start3A_330 : memref<128xi32, #tpu.memory_space<vmem>>) semaphore(%arg9 : memref<!tpu.dma_semaphore, #tpu.memory_space<semaphore_mem>>)
      %add3A_334 = arith.constant 384 : i32
      %add3A_335 = arith.addi %mul3A_295, %add3A_334 : i32
      %dma_start3A_336 = arith.constant 1 : i32
      %dma_start3A_337 = arith.constant 384 : i32
      %dma_start3A_338 = arith.constant 0 : i32
      %dma_start3A_339 = tpu.memref_slice %arg7[%dma_start3A_336, %dma_start3A_337, %dma_start3A_338] : memref<2x640x64xf32, #tpu.memory_space<vmem>> -> memref<1x128x64xf32, #tpu.memory_space<vmem>>
      %dma_start3A_340 = tpu.memref_squeeze %dma_start3A_339 : memref<1x128x64xf32, #tpu.memory_space<vmem>> -> memref<128x64xf32, #tpu.memory_space<vmem>>
      %dma_start3A_341 = tpu.memref_slice %arg6[%add3A_335] : memref<3200xi32, #tpu.memory_space<vmem>> -> memref<128xi32, #tpu.memory_space<vmem>>
      %dma_start3A_342 = arith.constant 0 : i32
      %dma_start3A_343 = arith.constant 0 : i32
      %dma_start3A_344 = tpu.memref_slice %arg2[%dma_start3A_342, %dma_start3A_343] : memref<100001x64xf32, #tpu.memory_space<hbm>> -> memref<100001x64xf32, #tpu.memory_space<hbm>>
      tpu.enqueue_indirect_dma source(%dma_start3A_344 : memref<100001x64xf32, #tpu.memory_space<hbm>>) target(%dma_start3A_340 : memref<128x64xf32, #tpu.memory_space<vmem>>) offsets(%dma_start3A_341 : memref<128xi32, #tpu.memory_space<vmem>>) semaphore(%arg9 : memref<!tpu.dma_semaphore, #tpu.memory_space<semaphore_mem>>)
      %add3A_345 = arith.constant 512 : i32
      %add3A_346 = arith.addi %mul3A_295, %add3A_345 : i32
      %dma_start3A_347 = arith.constant 1 : i32
      %dma_start3A_348 = arith.constant 512 : i32
      %dma_start3A_349 = arith.constant 0 : i32
      %dma_start3A_350 = tpu.memref_slice %arg7[%dma_start3A_347, %dma_start3A_348, %dma_start3A_349] : memref<2x640x64xf32, #tpu.memory_space<vmem>> -> memref<1x128x64xf32, #tpu.memory_space<vmem>>
      %dma_start3A_351 = tpu.memref_squeeze %dma_start3A_350 : memref<1x128x64xf32, #tpu.memory_space<vmem>> -> memref<128x64xf32, #tpu.memory_space<vmem>>
      %dma_start3A_352 = tpu.memref_slice %arg6[%add3A_346] : memref<3200xi32, #tpu.memory_space<vmem>> -> memref<128xi32, #tpu.memory_space<vmem>>
      %dma_start3A_353 = arith.constant 0 : i32
      %dma_start3A_354 = arith.constant 0 : i32
      %dma_start3A_355 = tpu.memref_slice %arg2[%dma_start3A_353, %dma_start3A_354] : memref<100001x64xf32, #tpu.memory_space<hbm>> -> memref<100001x64xf32, #tpu.memory_space<hbm>>
      tpu.enqueue_indirect_dma source(%dma_start3A_355 : memref<100001x64xf32, #tpu.memory_space<hbm>>) target(%dma_start3A_351 : memref<128x64xf32, #tpu.memory_space<vmem>>) offsets(%dma_start3A_352 : memref<128xi32, #tpu.memory_space<vmem>>) semaphore(%arg9 : memref<!tpu.dma_semaphore, #tpu.memory_space<semaphore_mem>>)
      %dma_wait3A_356 = arith.constant 1 : i32
      %dma_wait3A_357 = arith.constant 0 : i32
      %dma_wait3A_358 = arith.constant 0 : i32
      %dma_wait3A_359 = tpu.memref_slice %arg7[%dma_wait3A_356, %dma_wait3A_357, %dma_wait3A_358] : memref<2x640x64xf32, #tpu.memory_space<vmem>> -> memref<1x128x64xf32, #tpu.memory_space<vmem>>
      %dma_wait3A_360 = tpu.memref_squeeze %dma_wait3A_359 : memref<1x128x64xf32, #tpu.memory_space<vmem>> -> memref<128x64xf32, #tpu.memory_space<vmem>>
      %dma_wait3A_361 = tpu.memref_slice %arg6[%add3A_302] : memref<3200xi32, #tpu.memory_space<vmem>> -> memref<128xi32, #tpu.memory_space<vmem>>
      %dma_wait3A_362 = arith.constant 0 : i32
      %dma_wait3A_363 = arith.constant 0 : i32
      %dma_wait3A_364 = tpu.memref_slice %arg2[%dma_wait3A_362, %dma_wait3A_363] : memref<100001x64xf32, #tpu.memory_space<hbm>> -> memref<100001x64xf32, #tpu.memory_space<hbm>>
      tpu.wait_indirect_dma semaphore(%arg9 : memref<!tpu.dma_semaphore, #tpu.memory_space<semaphore_mem>>) src(%dma_wait3A_364 : memref<100001x64xf32, #tpu.memory_space<hbm>>) dst(%dma_wait3A_360 : memref<128x64xf32, #tpu.memory_space<vmem>>)
      %dma_wait3A_365 = arith.constant 1 : i32
      %dma_wait3A_366 = arith.constant 128 : i32
      %dma_wait3A_367 = arith.constant 0 : i32
      %dma_wait3A_368 = tpu.memref_slice %arg7[%dma_wait3A_365, %dma_wait3A_366, %dma_wait3A_367] : memref<2x640x64xf32, #tpu.memory_space<vmem>> -> memref<1x128x64xf32, #tpu.memory_space<vmem>>
      %dma_wait3A_369 = tpu.memref_squeeze %dma_wait3A_368 : memref<1x128x64xf32, #tpu.memory_space<vmem>> -> memref<128x64xf32, #tpu.memory_space<vmem>>
      %dma_wait3A_370 = tpu.memref_slice %arg6[%add3A_313] : memref<3200xi32, #tpu.memory_space<vmem>> -> memref<128xi32, #tpu.memory_space<vmem>>
      %dma_wait3A_371 = arith.constant 0 : i32
      %dma_wait3A_372 = arith.constant 0 : i32
      %dma_wait3A_373 = tpu.memref_slice %arg2[%dma_wait3A_371, %dma_wait3A_372] : memref<100001x64xf32, #tpu.memory_space<hbm>> -> memref<100001x64xf32, #tpu.memory_space<hbm>>
      tpu.wait_indirect_dma semaphore(%arg9 : memref<!tpu.dma_semaphore, #tpu.memory_space<semaphore_mem>>) src(%dma_wait3A_373 : memref<100001x64xf32, #tpu.memory_space<hbm>>) dst(%dma_wait3A_369 : memref<128x64xf32, #tpu.memory_space<vmem>>)
      %dma_wait3A_374 = arith.constant 1 : i32
      %dma_wait3A_375 = arith.constant 256 : i32
      %dma_wait3A_376 = arith.constant 0 : i32
      %dma_wait3A_377 = tpu.memref_slice %arg7[%dma_wait3A_374, %dma_wait3A_375, %dma_wait3A_376] : memref<2x640x64xf32, #tpu.memory_space<vmem>> -> memref<1x128x64xf32, #tpu.memory_space<vmem>>
      %dma_wait3A_378 = tpu.memref_squeeze %dma_wait3A_377 : memref<1x128x64xf32, #tpu.memory_space<vmem>> -> memref<128x64xf32, #tpu.memory_space<vmem>>
      %dma_wait3A_379 = tpu.memref_slice %arg6[%add3A_324] : memref<3200xi32, #tpu.memory_space<vmem>> -> memref<128xi32, #tpu.memory_space<vmem>>
      %dma_wait3A_380 = arith.constant 0 : i32
      %dma_wait3A_381 = arith.constant 0 : i32
      %dma_wait3A_382 = tpu.memref_slice %arg2[%dma_wait3A_380, %dma_wait3A_381] : memref<100001x64xf32, #tpu.memory_space<hbm>> -> memref<100001x64xf32, #tpu.memory_space<hbm>>
      tpu.wait_indirect_dma semaphore(%arg9 : memref<!tpu.dma_semaphore, #tpu.memory_space<semaphore_mem>>) src(%dma_wait3A_382 : memref<100001x64xf32, #tpu.memory_space<hbm>>) dst(%dma_wait3A_378 : memref<128x64xf32, #tpu.memory_space<vmem>>)
      %dma_wait3A_383 = arith.constant 1 : i32
      %dma_wait3A_384 = arith.constant 384 : i32
      %dma_wait3A_385 = arith.constant 0 : i32
      %dma_wait3A_386 = tpu.memref_slice %arg7[%dma_wait3A_383, %dma_wait3A_384, %dma_wait3A_385] : memref<2x640x64xf32, #tpu.memory_space<vmem>> -> memref<1x128x64xf32, #tpu.memory_space<vmem>>
      %dma_wait3A_387 = tpu.memref_squeeze %dma_wait3A_386 : memref<1x128x64xf32, #tpu.memory_space<vmem>> -> memref<128x64xf32, #tpu.memory_space<vmem>>
      %dma_wait3A_388 = tpu.memref_slice %arg6[%add3A_335] : memref<3200xi32, #tpu.memory_space<vmem>> -> memref<128xi32, #tpu.memory_space<vmem>>
      %dma_wait3A_389 = arith.constant 0 : i32
      %dma_wait3A_390 = arith.constant 0 : i32
      %dma_wait3A_391 = tpu.memref_slice %arg2[%dma_wait3A_389, %dma_wait3A_390] : memref<100001x64xf32, #tpu.memory_space<hbm>> -> memref<100001x64xf32, #tpu.memory_space<hbm>>
      tpu.wait_indirect_dma semaphore(%arg9 : memref<!tpu.dma_semaphore, #tpu.memory_space<semaphore_mem>>) src(%dma_wait3A_391 : memref<100001x64xf32, #tpu.memory_space<hbm>>) dst(%dma_wait3A_387 : memref<128x64xf32, #tpu.memory_space<vmem>>)
      %dma_wait3A_392 = arith.constant 1 : i32
      %dma_wait3A_393 = arith.constant 512 : i32
      %dma_wait3A_394 = arith.constant 0 : i32
      %dma_wait3A_395 = tpu.memref_slice %arg7[%dma_wait3A_392, %dma_wait3A_393, %dma_wait3A_394] : memref<2x640x64xf32, #tpu.memory_space<vmem>> -> memref<1x128x64xf32, #tpu.memory_space<vmem>>
      %dma_wait3A_396 = tpu.memref_squeeze %dma_wait3A_395 : memref<1x128x64xf32, #tpu.memory_space<vmem>> -> memref<128x64xf32, #tpu.memory_space<vmem>>
      %dma_wait3A_397 = tpu.memref_slice %arg6[%add3A_346] : memref<3200xi32, #tpu.memory_space<vmem>> -> memref<128xi32, #tpu.memory_space<vmem>>
      %dma_wait3A_398 = arith.constant 0 : i32
      %dma_wait3A_399 = arith.constant 0 : i32
      %dma_wait3A_400 = tpu.memref_slice %arg2[%dma_wait3A_398, %dma_wait3A_399] : memref<100001x64xf32, #tpu.memory_space<hbm>> -> memref<100001x64xf32, #tpu.memory_space<hbm>>
      tpu.wait_indirect_dma semaphore(%arg9 : memref<!tpu.dma_semaphore, #tpu.memory_space<semaphore_mem>>) src(%dma_wait3A_400 : memref<100001x64xf32, #tpu.memory_space<hbm>>) dst(%dma_wait3A_396 : memref<128x64xf32, #tpu.memory_space<vmem>>)
      %add3A_401 = arith.addi %mul3A_2, %mul3A_295 : i32
      %dma_start3A_402 = arith.constant 1 : i32
      %dma_start3A_403 = arith.constant 0 : i32
      %dma_start3A_404 = arith.constant 0 : i32
      %dma_start3A_405 = tpu.memref_slice %arg7[%dma_start3A_402, %dma_start3A_403, %dma_start3A_404] : memref<2x640x64xf32, #tpu.memory_space<vmem>> -> memref<1x640x64xf32, #tpu.memory_space<vmem>>
      %dma_start3A_406 = tpu.memref_squeeze %dma_start3A_405 : memref<1x640x64xf32, #tpu.memory_space<vmem>> -> memref<640x64xf32, #tpu.memory_space<vmem>>
      %dma_start3A_407 = arith.constant 0 : i32
      %dma_start3A_408 = tpu.memref_slice %arg4[%add3A_401, %dma_start3A_407] : memref<102400x64xf32, #tpu.memory_space<hbm>> -> memref<640x64xf32, #tpu.memory_space<hbm>>
      %dma_start3A_409 = arith.constant 0 : i32
      %dma_start3A_410 = tpu.memref_slice %arg4[%add3A_401, %dma_start3A_409] : memref<102400x64xf32, #tpu.memory_space<hbm>> -> memref<640x64xf32, #tpu.memory_space<hbm>>
      %dma_start3A_411 = arith.constant 0 : i32
      %dma_start3A_412 = arith.constant 0 : i32
      %dma_start3A_413 = tpu.memref_slice %arg7[%dma_start3A_402, %dma_start3A_411, %dma_start3A_412] : memref<2x640x64xf32, #tpu.memory_space<vmem>> -> memref<1x640x64xf32, #tpu.memory_space<vmem>>
      %dma_start3A_414 = tpu.memref_squeeze %dma_start3A_413 : memref<1x640x64xf32, #tpu.memory_space<vmem>> -> memref<640x64xf32, #tpu.memory_space<vmem>>
      tpu.enqueue_dma source(%dma_start3A_414 : memref<640x64xf32, #tpu.memory_space<vmem>>) target(%dma_start3A_410 : memref<640x64xf32, #tpu.memory_space<hbm>>) target_semaphore(%arg11 : memref<!tpu.dma_semaphore, #tpu.memory_space<semaphore_mem>>)
    }
    %scan3A_16 = arith.constant 2 : i32
    %dma_wait3A = arith.constant 0 : i32
    %dma_wait3A_17 = arith.constant 0 : i32
    %dma_wait3A_18 = arith.constant 0 : i32
    %dma_wait3A_19 = tpu.memref_slice %arg7[%dma_wait3A, %dma_wait3A_17, %dma_wait3A_18] : memref<2x640x64xf32, #tpu.memory_space<vmem>> -> memref<1x640x64xf32, #tpu.memory_space<vmem>>
    %dma_wait3A_20 = tpu.memref_squeeze %dma_wait3A_19 : memref<1x640x64xf32, #tpu.memory_space<vmem>> -> memref<640x64xf32, #tpu.memory_space<vmem>>
    %dma_wait3A_21 = arith.constant 0 : i32
    %dma_wait3A_22 = tpu.memref_slice %arg4[%mul3A_2, %dma_wait3A_21] : memref<102400x64xf32, #tpu.memory_space<hbm>> -> memref<640x64xf32, #tpu.memory_space<hbm>>
    %dma_wait3A_23 = arith.constant 0 : i32
    %dma_wait3A_24 = tpu.memref_slice %arg4[%mul3A_2, %dma_wait3A_23] : memref<102400x64xf32, #tpu.memory_space<hbm>> -> memref<640x64xf32, #tpu.memory_space<hbm>>
    %dma_wait3A_25 = arith.constant 0 : i32
    %dma_wait3A_26 = arith.constant 0 : i32
    %dma_wait3A_27 = tpu.memref_slice %arg7[%dma_wait3A, %dma_wait3A_25, %dma_wait3A_26] : memref<2x640x64xf32, #tpu.memory_space<vmem>> -> memref<1x640x64xf32, #tpu.memory_space<vmem>>
    %dma_wait3A_28 = tpu.memref_squeeze %dma_wait3A_27 : memref<1x640x64xf32, #tpu.memory_space<vmem>> -> memref<640x64xf32, #tpu.memory_space<vmem>>
    tpu.wait_dma2 semaphore(%arg10 : memref<!tpu.dma_semaphore, #tpu.memory_space<semaphore_mem>>) src(%dma_wait3A_28 : memref<640x64xf32, #tpu.memory_space<vmem>>) dst(%dma_wait3A_24 : memref<640x64xf32, #tpu.memory_space<hbm>>)
    %dma_start3A = arith.constant 0 : i32
    %dma_start3A_29 = arith.constant 0 : i32
    %dma_start3A_30 = arith.constant 0 : i32
    %dma_start3A_31 = tpu.memref_slice %arg7[%dma_start3A, %dma_start3A_29, %dma_start3A_30] : memref<2x640x64xf32, #tpu.memory_space<vmem>> -> memref<1x128x64xf32, #tpu.memory_space<vmem>>
    %dma_start3A_32 = tpu.memref_squeeze %dma_start3A_31 : memref<1x128x64xf32, #tpu.memory_space<vmem>> -> memref<128x64xf32, #tpu.memory_space<vmem>>
    %dma_start3A_33 = arith.constant 2560 : i32
    %dma_start3A_34 = tpu.memref_slice %arg6[%dma_start3A_33] : memref<3200xi32, #tpu.memory_space<vmem>> -> memref<128xi32, #tpu.memory_space<vmem>>
    %dma_start3A_35 = arith.constant 0 : i32
    %dma_start3A_36 = arith.constant 0 : i32
    %dma_start3A_37 = tpu.memref_slice %arg2[%dma_start3A_35, %dma_start3A_36] : memref<100001x64xf32, #tpu.memory_space<hbm>> -> memref<100001x64xf32, #tpu.memory_space<hbm>>
    tpu.enqueue_indirect_dma source(%dma_start3A_37 : memref<100001x64xf32, #tpu.memory_space<hbm>>) target(%dma_start3A_32 : memref<128x64xf32, #tpu.memory_space<vmem>>) offsets(%dma_start3A_34 : memref<128xi32, #tpu.memory_space<vmem>>) semaphore(%arg8 : memref<!tpu.dma_semaphore, #tpu.memory_space<semaphore_mem>>)
    %dma_start3A_38 = arith.constant 0 : i32
    %dma_start3A_39 = arith.constant 128 : i32
    %dma_start3A_40 = arith.constant 0 : i32
    %dma_start3A_41 = tpu.memref_slice %arg7[%dma_start3A_38, %dma_start3A_39, %dma_start3A_40] : memref<2x640x64xf32, #tpu.memory_space<vmem>> -> memref<1x128x64xf32, #tpu.memory_space<vmem>>
    %dma_start3A_42 = tpu.memref_squeeze %dma_start3A_41 : memref<1x128x64xf32, #tpu.memory_space<vmem>> -> memref<128x64xf32, #tpu.memory_space<vmem>>
    %dma_start3A_43 = arith.constant 2688 : i32
    %dma_start3A_44 = tpu.memref_slice %arg6[%dma_start3A_43] : memref<3200xi32, #tpu.memory_space<vmem>> -> memref<128xi32, #tpu.memory_space<vmem>>
    %dma_start3A_45 = arith.constant 0 : i32
    %dma_start3A_46 = arith.constant 0 : i32
    %dma_start3A_47 = tpu.memref_slice %arg2[%dma_start3A_45, %dma_start3A_46] : memref<100001x64xf32, #tpu.memory_space<hbm>> -> memref<100001x64xf32, #tpu.memory_space<hbm>>
    tpu.enqueue_indirect_dma source(%dma_start3A_47 : memref<100001x64xf32, #tpu.memory_space<hbm>>) target(%dma_start3A_42 : memref<128x64xf32, #tpu.memory_space<vmem>>) offsets(%dma_start3A_44 : memref<128xi32, #tpu.memory_space<vmem>>) semaphore(%arg8 : memref<!tpu.dma_semaphore, #tpu.memory_space<semaphore_mem>>)
    %dma_start3A_48 = arith.constant 0 : i32
    %dma_start3A_49 = arith.constant 256 : i32
    %dma_start3A_50 = arith.constant 0 : i32
    %dma_start3A_51 = tpu.memref_slice %arg7[%dma_start3A_48, %dma_start3A_49, %dma_start3A_50] : memref<2x640x64xf32, #tpu.memory_space<vmem>> -> memref<1x128x64xf32, #tpu.memory_space<vmem>>
    %dma_start3A_52 = tpu.memref_squeeze %dma_start3A_51 : memref<1x128x64xf32, #tpu.memory_space<vmem>> -> memref<128x64xf32, #tpu.memory_space<vmem>>
    %dma_start3A_53 = arith.constant 2816 : i32
    %dma_start3A_54 = tpu.memref_slice %arg6[%dma_start3A_53] : memref<3200xi32, #tpu.memory_space<vmem>> -> memref<128xi32, #tpu.memory_space<vmem>>
    %dma_start3A_55 = arith.constant 0 : i32
    %dma_start3A_56 = arith.constant 0 : i32
    %dma_start3A_57 = tpu.memref_slice %arg2[%dma_start3A_55, %dma_start3A_56] : memref<100001x64xf32, #tpu.memory_space<hbm>> -> memref<100001x64xf32, #tpu.memory_space<hbm>>
    tpu.enqueue_indirect_dma source(%dma_start3A_57 : memref<100001x64xf32, #tpu.memory_space<hbm>>) target(%dma_start3A_52 : memref<128x64xf32, #tpu.memory_space<vmem>>) offsets(%dma_start3A_54 : memref<128xi32, #tpu.memory_space<vmem>>) semaphore(%arg8 : memref<!tpu.dma_semaphore, #tpu.memory_space<semaphore_mem>>)
    %dma_start3A_58 = arith.constant 0 : i32
    %dma_start3A_59 = arith.constant 384 : i32
    %dma_start3A_60 = arith.constant 0 : i32
    %dma_start3A_61 = tpu.memref_slice %arg7[%dma_start3A_58, %dma_start3A_59, %dma_start3A_60] : memref<2x640x64xf32, #tpu.memory_space<vmem>> -> memref<1x128x64xf32, #tpu.memory_space<vmem>>
    %dma_start3A_62 = tpu.memref_squeeze %dma_start3A_61 : memref<1x128x64xf32, #tpu.memory_space<vmem>> -> memref<128x64xf32, #tpu.memory_space<vmem>>
    %dma_start3A_63 = arith.constant 2944 : i32
    %dma_start3A_64 = tpu.memref_slice %arg6[%dma_start3A_63] : memref<3200xi32, #tpu.memory_space<vmem>> -> memref<128xi32, #tpu.memory_space<vmem>>
    %dma_start3A_65 = arith.constant 0 : i32
    %dma_start3A_66 = arith.constant 0 : i32
    %dma_start3A_67 = tpu.memref_slice %arg2[%dma_start3A_65, %dma_start3A_66] : memref<100001x64xf32, #tpu.memory_space<hbm>> -> memref<100001x64xf32, #tpu.memory_space<hbm>>
    tpu.enqueue_indirect_dma source(%dma_start3A_67 : memref<100001x64xf32, #tpu.memory_space<hbm>>) target(%dma_start3A_62 : memref<128x64xf32, #tpu.memory_space<vmem>>) offsets(%dma_start3A_64 : memref<128xi32, #tpu.memory_space<vmem>>) semaphore(%arg8 : memref<!tpu.dma_semaphore, #tpu.memory_space<semaphore_mem>>)
    %dma_start3A_68 = arith.constant 0 : i32
    %dma_start3A_69 = arith.constant 512 : i32
    %dma_start3A_70 = arith.constant 0 : i32
    %dma_start3A_71 = tpu.memref_slice %arg7[%dma_start3A_68, %dma_start3A_69, %dma_start3A_70] : memref<2x640x64xf32, #tpu.memory_space<vmem>> -> memref<1x128x64xf32, #tpu.memory_space<vmem>>
    %dma_start3A_72 = tpu.memref_squeeze %dma_start3A_71 : memref<1x128x64xf32, #tpu.memory_space<vmem>> -> memref<128x64xf32, #tpu.memory_space<vmem>>
    %dma_start3A_73 = arith.constant 3072 : i32
    %dma_start3A_74 = tpu.memref_slice %arg6[%dma_start3A_73] : memref<3200xi32, #tpu.memory_space<vmem>> -> memref<128xi32, #tpu.memory_space<vmem>>
    %dma_start3A_75 = arith.constant 0 : i32
    %dma_start3A_76 = arith.constant 0 : i32
    %dma_start3A_77 = tpu.memref_slice %arg2[%dma_start3A_75, %dma_start3A_76] : memref<100001x64xf32, #tpu.memory_space<hbm>> -> memref<100001x64xf32, #tpu.memory_space<hbm>>
    tpu.enqueue_indirect_dma source(%dma_start3A_77 : memref<100001x64xf32, #tpu.memory_space<hbm>>) target(%dma_start3A_72 : memref<128x64xf32, #tpu.memory_space<vmem>>) offsets(%dma_start3A_74 : memref<128xi32, #tpu.memory_space<vmem>>) semaphore(%arg8 : memref<!tpu.dma_semaphore, #tpu.memory_space<semaphore_mem>>)
    %dma_wait3A_78 = arith.constant 0 : i32
    %dma_wait3A_79 = arith.constant 0 : i32
    %dma_wait3A_80 = arith.constant 0 : i32
    %dma_wait3A_81 = tpu.memref_slice %arg7[%dma_wait3A_78, %dma_wait3A_79, %dma_wait3A_80] : memref<2x640x64xf32, #tpu.memory_space<vmem>> -> memref<1x128x64xf32, #tpu.memory_space<vmem>>
    %dma_wait3A_82 = tpu.memref_squeeze %dma_wait3A_81 : memref<1x128x64xf32, #tpu.memory_space<vmem>> -> memref<128x64xf32, #tpu.memory_space<vmem>>
    %dma_wait3A_83 = arith.constant 2560 : i32
    %dma_wait3A_84 = tpu.memref_slice %arg6[%dma_wait3A_83] : memref<3200xi32, #tpu.memory_space<vmem>> -> memref<128xi32, #tpu.memory_space<vmem>>
    %dma_wait3A_85 = arith.constant 0 : i32
    %dma_wait3A_86 = arith.constant 0 : i32
    %dma_wait3A_87 = tpu.memref_slice %arg2[%dma_wait3A_85, %dma_wait3A_86] : memref<100001x64xf32, #tpu.memory_space<hbm>> -> memref<100001x64xf32, #tpu.memory_space<hbm>>
    tpu.wait_indirect_dma semaphore(%arg8 : memref<!tpu.dma_semaphore, #tpu.memory_space<semaphore_mem>>) src(%dma_wait3A_87 : memref<100001x64xf32, #tpu.memory_space<hbm>>) dst(%dma_wait3A_82 : memref<128x64xf32, #tpu.memory_space<vmem>>)
    %dma_wait3A_88 = arith.constant 0 : i32
    %dma_wait3A_89 = arith.constant 128 : i32
    %dma_wait3A_90 = arith.constant 0 : i32
    %dma_wait3A_91 = tpu.memref_slice %arg7[%dma_wait3A_88, %dma_wait3A_89, %dma_wait3A_90] : memref<2x640x64xf32, #tpu.memory_space<vmem>> -> memref<1x128x64xf32, #tpu.memory_space<vmem>>
    %dma_wait3A_92 = tpu.memref_squeeze %dma_wait3A_91 : memref<1x128x64xf32, #tpu.memory_space<vmem>> -> memref<128x64xf32, #tpu.memory_space<vmem>>
    %dma_wait3A_93 = arith.constant 2688 : i32
    %dma_wait3A_94 = tpu.memref_slice %arg6[%dma_wait3A_93] : memref<3200xi32, #tpu.memory_space<vmem>> -> memref<128xi32, #tpu.memory_space<vmem>>
    %dma_wait3A_95 = arith.constant 0 : i32
    %dma_wait3A_96 = arith.constant 0 : i32
    %dma_wait3A_97 = tpu.memref_slice %arg2[%dma_wait3A_95, %dma_wait3A_96] : memref<100001x64xf32, #tpu.memory_space<hbm>> -> memref<100001x64xf32, #tpu.memory_space<hbm>>
    tpu.wait_indirect_dma semaphore(%arg8 : memref<!tpu.dma_semaphore, #tpu.memory_space<semaphore_mem>>) src(%dma_wait3A_97 : memref<100001x64xf32, #tpu.memory_space<hbm>>) dst(%dma_wait3A_92 : memref<128x64xf32, #tpu.memory_space<vmem>>)
    %dma_wait3A_98 = arith.constant 0 : i32
    %dma_wait3A_99 = arith.constant 256 : i32
    %dma_wait3A_100 = arith.constant 0 : i32
    %dma_wait3A_101 = tpu.memref_slice %arg7[%dma_wait3A_98, %dma_wait3A_99, %dma_wait3A_100] : memref<2x640x64xf32, #tpu.memory_space<vmem>> -> memref<1x128x64xf32, #tpu.memory_space<vmem>>
    %dma_wait3A_102 = tpu.memref_squeeze %dma_wait3A_101 : memref<1x128x64xf32, #tpu.memory_space<vmem>> -> memref<128x64xf32, #tpu.memory_space<vmem>>
    %dma_wait3A_103 = arith.constant 2816 : i32
    %dma_wait3A_104 = tpu.memref_slice %arg6[%dma_wait3A_103] : memref<3200xi32, #tpu.memory_space<vmem>> -> memref<128xi32, #tpu.memory_space<vmem>>
    %dma_wait3A_105 = arith.constant 0 : i32
    %dma_wait3A_106 = arith.constant 0 : i32
    %dma_wait3A_107 = tpu.memref_slice %arg2[%dma_wait3A_105, %dma_wait3A_106] : memref<100001x64xf32, #tpu.memory_space<hbm>> -> memref<100001x64xf32, #tpu.memory_space<hbm>>
    tpu.wait_indirect_dma semaphore(%arg8 : memref<!tpu.dma_semaphore, #tpu.memory_space<semaphore_mem>>) src(%dma_wait3A_107 : memref<100001x64xf32, #tpu.memory_space<hbm>>) dst(%dma_wait3A_102 : memref<128x64xf32, #tpu.memory_space<vmem>>)
    %dma_wait3A_108 = arith.constant 0 : i32
    %dma_wait3A_109 = arith.constant 384 : i32
    %dma_wait3A_110 = arith.constant 0 : i32
    %dma_wait3A_111 = tpu.memref_slice %arg7[%dma_wait3A_108, %dma_wait3A_109, %dma_wait3A_110] : memref<2x640x64xf32, #tpu.memory_space<vmem>> -> memref<1x128x64xf32, #tpu.memory_space<vmem>>
    %dma_wait3A_112 = tpu.memref_squeeze %dma_wait3A_111 : memref<1x128x64xf32, #tpu.memory_space<vmem>> -> memref<128x64xf32, #tpu.memory_space<vmem>>
    %dma_wait3A_113 = arith.constant 2944 : i32
    %dma_wait3A_114 = tpu.memref_slice %arg6[%dma_wait3A_113] : memref<3200xi32, #tpu.memory_space<vmem>> -> memref<128xi32, #tpu.memory_space<vmem>>
    %dma_wait3A_115 = arith.constant 0 : i32
    %dma_wait3A_116 = arith.constant 0 : i32
    %dma_wait3A_117 = tpu.memref_slice %arg2[%dma_wait3A_115, %dma_wait3A_116] : memref<100001x64xf32, #tpu.memory_space<hbm>> -> memref<100001x64xf32, #tpu.memory_space<hbm>>
    tpu.wait_indirect_dma semaphore(%arg8 : memref<!tpu.dma_semaphore, #tpu.memory_space<semaphore_mem>>) src(%dma_wait3A_117 : memref<100001x64xf32, #tpu.memory_space<hbm>>) dst(%dma_wait3A_112 : memref<128x64xf32, #tpu.memory_space<vmem>>)
    %dma_wait3A_118 = arith.constant 0 : i32
    %dma_wait3A_119 = arith.constant 512 : i32
    %dma_wait3A_120 = arith.constant 0 : i32
    %dma_wait3A_121 = tpu.memref_slice %arg7[%dma_wait3A_118, %dma_wait3A_119, %dma_wait3A_120] : memref<2x640x64xf32, #tpu.memory_space<vmem>> -> memref<1x128x64xf32, #tpu.memory_space<vmem>>
    %dma_wait3A_122 = tpu.memref_squeeze %dma_wait3A_121 : memref<1x128x64xf32, #tpu.memory_space<vmem>> -> memref<128x64xf32, #tpu.memory_space<vmem>>
    %dma_wait3A_123 = arith.constant 3072 : i32
    %dma_wait3A_124 = tpu.memref_slice %arg6[%dma_wait3A_123] : memref<3200xi32, #tpu.memory_space<vmem>> -> memref<128xi32, #tpu.memory_space<vmem>>
    %dma_wait3A_125 = arith.constant 0 : i32
    %dma_wait3A_126 = arith.constant 0 : i32
    %dma_wait3A_127 = tpu.memref_slice %arg2[%dma_wait3A_125, %dma_wait3A_126] : memref<100001x64xf32, #tpu.memory_space<hbm>> -> memref<100001x64xf32, #tpu.memory_space<hbm>>
    tpu.wait_indirect_dma semaphore(%arg8 : memref<!tpu.dma_semaphore, #tpu.memory_space<semaphore_mem>>) src(%dma_wait3A_127 : memref<100001x64xf32, #tpu.memory_space<hbm>>) dst(%dma_wait3A_122 : memref<128x64xf32, #tpu.memory_space<vmem>>)
    %add3A_128 = arith.constant 2560 : i32
    %add3A_129 = arith.addi %mul3A_2, %add3A_128 : i32
    %dma_start3A_130 = arith.constant 0 : i32
    %dma_start3A_131 = arith.constant 0 : i32
    %dma_start3A_132 = arith.constant 0 : i32
    %dma_start3A_133 = tpu.memref_slice %arg7[%dma_start3A_130, %dma_start3A_131, %dma_start3A_132] : memref<2x640x64xf32, #tpu.memory_space<vmem>> -> memref<1x640x64xf32, #tpu.memory_space<vmem>>
    %dma_start3A_134 = tpu.memref_squeeze %dma_start3A_133 : memref<1x640x64xf32, #tpu.memory_space<vmem>> -> memref<640x64xf32, #tpu.memory_space<vmem>>
    %dma_start3A_135 = arith.constant 0 : i32
    %dma_start3A_136 = tpu.memref_slice %arg4[%add3A_129, %dma_start3A_135] : memref<102400x64xf32, #tpu.memory_space<hbm>> -> memref<640x64xf32, #tpu.memory_space<hbm>>
    %dma_start3A_137 = arith.constant 0 : i32
    %dma_start3A_138 = tpu.memref_slice %arg4[%add3A_129, %dma_start3A_137] : memref<102400x64xf32, #tpu.memory_space<hbm>> -> memref<640x64xf32, #tpu.memory_space<hbm>>
    %dma_start3A_139 = arith.constant 0 : i32
    %dma_start3A_140 = arith.constant 0 : i32
    %dma_start3A_141 = tpu.memref_slice %arg7[%dma_start3A_130, %dma_start3A_139, %dma_start3A_140] : memref<2x640x64xf32, #tpu.memory_space<vmem>> -> memref<1x640x64xf32, #tpu.memory_space<vmem>>
    %dma_start3A_142 = tpu.memref_squeeze %dma_start3A_141 : memref<1x640x64xf32, #tpu.memory_space<vmem>> -> memref<640x64xf32, #tpu.memory_space<vmem>>
    tpu.enqueue_dma source(%dma_start3A_142 : memref<640x64xf32, #tpu.memory_space<vmem>>) target(%dma_start3A_138 : memref<640x64xf32, #tpu.memory_space<hbm>>) target_semaphore(%arg10 : memref<!tpu.dma_semaphore, #tpu.memory_space<semaphore_mem>>)
    %dma_wait3A_143 = arith.constant 0 : i32
    %dma_wait3A_144 = arith.constant 0 : i32
    %dma_wait3A_145 = arith.constant 0 : i32
    %dma_wait3A_146 = tpu.memref_slice %arg7[%dma_wait3A_143, %dma_wait3A_144, %dma_wait3A_145] : memref<2x640x64xf32, #tpu.memory_space<vmem>> -> memref<1x640x64xf32, #tpu.memory_space<vmem>>
    %dma_wait3A_147 = tpu.memref_squeeze %dma_wait3A_146 : memref<1x640x64xf32, #tpu.memory_space<vmem>> -> memref<640x64xf32, #tpu.memory_space<vmem>>
    %dma_wait3A_148 = arith.constant 0 : i32
    %dma_wait3A_149 = tpu.memref_slice %arg4[%mul3A_2, %dma_wait3A_148] : memref<102400x64xf32, #tpu.memory_space<hbm>> -> memref<640x64xf32, #tpu.memory_space<hbm>>
    %dma_wait3A_150 = arith.constant 0 : i32
    %dma_wait3A_151 = tpu.memref_slice %arg4[%mul3A_2, %dma_wait3A_150] : memref<102400x64xf32, #tpu.memory_space<hbm>> -> memref<640x64xf32, #tpu.memory_space<hbm>>
    %dma_wait3A_152 = arith.constant 0 : i32
    %dma_wait3A_153 = arith.constant 0 : i32
    %dma_wait3A_154 = tpu.memref_slice %arg7[%dma_wait3A_143, %dma_wait3A_152, %dma_wait3A_153] : memref<2x640x64xf32, #tpu.memory_space<vmem>> -> memref<1x640x64xf32, #tpu.memory_space<vmem>>
    %dma_wait3A_155 = tpu.memref_squeeze %dma_wait3A_154 : memref<1x640x64xf32, #tpu.memory_space<vmem>> -> memref<640x64xf32, #tpu.memory_space<vmem>>
    tpu.wait_dma2 semaphore(%arg10 : memref<!tpu.dma_semaphore, #tpu.memory_space<semaphore_mem>>) src(%dma_wait3A_155 : memref<640x64xf32, #tpu.memory_space<vmem>>) dst(%dma_wait3A_151 : memref<640x64xf32, #tpu.memory_space<hbm>>)
    %dma_wait3A_156 = arith.constant 1 : i32
    %dma_wait3A_157 = arith.constant 0 : i32
    %dma_wait3A_158 = arith.constant 0 : i32
    %dma_wait3A_159 = tpu.memref_slice %arg7[%dma_wait3A_156, %dma_wait3A_157, %dma_wait3A_158] : memref<2x640x64xf32, #tpu.memory_space<vmem>> -> memref<1x640x64xf32, #tpu.memory_space<vmem>>
    %dma_wait3A_160 = tpu.memref_squeeze %dma_wait3A_159 : memref<1x640x64xf32, #tpu.memory_space<vmem>> -> memref<640x64xf32, #tpu.memory_space<vmem>>
    %dma_wait3A_161 = arith.constant 0 : i32
    %dma_wait3A_162 = tpu.memref_slice %arg4[%mul3A_2, %dma_wait3A_161] : memref<102400x64xf32, #tpu.memory_space<hbm>> -> memref<640x64xf32, #tpu.memory_space<hbm>>
    %dma_wait3A_163 = arith.constant 0 : i32
    %dma_wait3A_164 = tpu.memref_slice %arg4[%mul3A_2, %dma_wait3A_163] : memref<102400x64xf32, #tpu.memory_space<hbm>> -> memref<640x64xf32, #tpu.memory_space<hbm>>
    %dma_wait3A_165 = arith.constant 0 : i32
    %dma_wait3A_166 = arith.constant 0 : i32
    %dma_wait3A_167 = tpu.memref_slice %arg7[%dma_wait3A_156, %dma_wait3A_165, %dma_wait3A_166] : memref<2x640x64xf32, #tpu.memory_space<vmem>> -> memref<1x640x64xf32, #tpu.memory_space<vmem>>
    %dma_wait3A_168 = tpu.memref_squeeze %dma_wait3A_167 : memref<1x640x64xf32, #tpu.memory_space<vmem>> -> memref<640x64xf32, #tpu.memory_space<vmem>>
    tpu.wait_dma2 semaphore(%arg11 : memref<!tpu.dma_semaphore, #tpu.memory_space<semaphore_mem>>) src(%dma_wait3A_168 : memref<640x64xf32, #tpu.memory_space<vmem>>) dst(%dma_wait3A_164 : memref<640x64xf32, #tpu.memory_space<hbm>>)
    return
  }
}

module attributes {stable_mosaic.version = 14 : i64} {
  func.func @body(%arg0: i32, %arg1: memref<6400x128xf32, #tpu.memory_space<vmem>>, %arg2: memref<12800x128xf32, #tpu.memory_space<vmem>>, %arg3: memref<128x512xbf16, #tpu.memory_space<vmem>>, %arg4: memref<1x128xf32, #tpu.memory_space<vmem>>, %arg5: memref<1x128xf32, #tpu.memory_space<vmem>>, %arg6: memref<12800x128xf32, #tpu.memory_space<vmem>>) attributes {dimension_semantics = [#tpu.dimension_semantics<arbitrary>], iteration_bounds = array<i64: 8>, scalar_prefetch = 0 : i64, scratch_operands = 0 : i64, tpu.core_type = #tpu.core_type<tc>, window_params = [{transform_indices = @transform_0, window_bounds = array<i64: 6400, 128>}, {transform_indices = @transform_1, window_bounds = array<i64: 12800, 128>}, {pipeline_mode = #tpu.pipeline_mode<synchronous>, transform_indices = @transform_2, window_bounds = array<i64: 128, 512>}, {pipeline_mode = #tpu.pipeline_mode<synchronous>, transform_indices = @transform_3, window_bounds = array<i64: 1, 128>}, {pipeline_mode = #tpu.pipeline_mode<synchronous>, transform_indices = @transform_4, window_bounds = array<i64: 1, 128>}, {transform_indices = @transform_5, window_bounds = array<i64: 12800, 128>}]} {
    %get3A = arith.constant 0 : index
    %get3A_0 = arith.constant 0 : index
    %get3A_1 = vector.load %arg4[%get3A, %get3A_0] : memref<1x128xf32, #tpu.memory_space<vmem>>, vector<1x128xf32>
    %add3A = arith.constant 1.000000e+00 : f32
    %add3A_2 = vector.broadcast %add3A : f32 to vector<1x128xf32>
    %add3A_3 = arith.addf %add3A_2, %get3A_1 : vector<1x128xf32>
    %get3A_4 = arith.constant 0 : index
    %get3A_5 = arith.constant 0 : index
    %get3A_6 = vector.load %arg1[%get3A_4, %get3A_5] : memref<6400x128xf32, #tpu.memory_space<vmem>>, vector<1600x128xf32>
    %convert_element_type3A = arith.truncf %get3A_6 : vector<1600x128xf32> to vector<1600x128xbf16>
    %get3A_7 = arith.constant 0 : index
    %get3A_8 = arith.constant 0 : index
    %get3A_9 = vector.load %arg3[%get3A_7, %get3A_8] : memref<128x512xbf16, #tpu.memory_space<vmem>>, vector<128x512xbf16>
    %dot_general3A = arith.constant dense<0.000000e+00> : vector<1600x512xf32>
    %dot_general3A_10 = tpu.matmul %convert_element_type3A, %get3A_9, %dot_general3A {dimension_numbers = #tpu.dot_dimension_numbers<[1], [0], [0], [1], [0, 0, 1, 1], [], []>, transpose_lhs_hint = false} : vector<1600x128xbf16>, vector<128x512xbf16>, vector<1600x512xf32> -> vector<1600x512xf32>
    %get3A_11 = arith.constant 0 : index
    %get3A_12 = arith.constant 0 : index
    %get3A_13 = vector.load %arg2[%get3A_11, %get3A_12] : memref<12800x128xf32, #tpu.memory_space<vmem>>, vector<1600x128xf32>
    %get3A_14 = arith.constant 1600 : index
    %get3A_15 = arith.constant 0 : index
    %get3A_16 = vector.load %arg2[%get3A_14, %get3A_15] : memref<12800x128xf32, #tpu.memory_space<vmem>>, vector<1600x128xf32>
    %slice3A = vector.extract_strided_slice %dot_general3A_10 {offsets = [0, 0], sizes = [1600, 128], strides = [1, 1]} : vector<1600x512xf32> to vector<1600x128xf32>
    %add3A_17 = vector.broadcast %add3A_3 : vector<1x128xf32> to vector<1600x128xf32>
    %add3A_18 = arith.addf %slice3A, %add3A_17 : vector<1600x128xf32>
    %mul3A = arith.mulf %add3A_18, %get3A_13 : vector<1600x128xf32>
    %slice3A_19 = vector.extract_strided_slice %dot_general3A_10 {offsets = [0, 256], sizes = [1600, 128], strides = [1, 1]} : vector<1600x512xf32> to vector<1600x128xf32>
    %get3A_20 = arith.constant 0 : index
    %get3A_21 = arith.constant 0 : index
    %get3A_22 = vector.load %arg5[%get3A_20, %get3A_21] : memref<1x128xf32, #tpu.memory_space<vmem>>, vector<1x128xf32>
    %add3A_23 = vector.broadcast %get3A_22 : vector<1x128xf32> to vector<1600x128xf32>
    %add3A_24 = arith.addf %slice3A_19, %add3A_23 : vector<1600x128xf32>
    %add3A_25 = arith.addf %mul3A, %add3A_24 : vector<1600x128xf32>
    %swap3A = arith.constant 0 : index
    %swap3A_26 = arith.constant 0 : index
    %swap3A_27 = vector.load %arg6[%swap3A, %swap3A_26] : memref<12800x128xf32, #tpu.memory_space<vmem>>, vector<1600x128xf32>
    tpu.vector_store %arg6[%swap3A, %swap3A_26], %add3A_25 {strides = array<i32>} : memref<12800x128xf32, #tpu.memory_space<vmem>>, vector<1600x128xf32>,
    %slice3A_28 = vector.extract_strided_slice %dot_general3A_10 {offsets = [0, 128], sizes = [1600, 128], strides = [1, 1]} : vector<1600x512xf32> to vector<1600x128xf32>
    %add3A_29 = vector.broadcast %add3A_3 : vector<1x128xf32> to vector<1600x128xf32>
    %add3A_30 = arith.addf %slice3A_28, %add3A_29 : vector<1600x128xf32>
    %mul3A_31 = arith.mulf %add3A_30, %get3A_16 : vector<1600x128xf32>
    %slice3A_32 = vector.extract_strided_slice %dot_general3A_10 {offsets = [0, 384], sizes = [1600, 128], strides = [1, 1]} : vector<1600x512xf32> to vector<1600x128xf32>
    %get3A_33 = arith.constant 0 : index
    %get3A_34 = arith.constant 0 : index
    %get3A_35 = vector.load %arg5[%get3A_33, %get3A_34] : memref<1x128xf32, #tpu.memory_space<vmem>>, vector<1x128xf32>
    %add3A_36 = vector.broadcast %get3A_35 : vector<1x128xf32> to vector<1600x128xf32>
    %add3A_37 = arith.addf %slice3A_32, %add3A_36 : vector<1600x128xf32>
    %add3A_38 = arith.addf %mul3A_31, %add3A_37 : vector<1600x128xf32>
    %swap3A_39 = arith.constant 1600 : index
    %swap3A_40 = arith.constant 0 : index
    %swap3A_41 = vector.load %arg6[%swap3A_39, %swap3A_40] : memref<12800x128xf32, #tpu.memory_space<vmem>>, vector<1600x128xf32>
    tpu.vector_store %arg6[%swap3A_39, %swap3A_40], %add3A_38 {strides = array<i32>} : memref<12800x128xf32, #tpu.memory_space<vmem>>, vector<1600x128xf32>,
    %get3A_42 = arith.constant 1600 : index
    %get3A_43 = arith.constant 0 : index
    %get3A_44 = vector.load %arg1[%get3A_42, %get3A_43] : memref<6400x128xf32, #tpu.memory_space<vmem>>, vector<1600x128xf32>
    %convert_element_type3A_45 = arith.truncf %get3A_44 : vector<1600x128xf32> to vector<1600x128xbf16>
    %get3A_46 = arith.constant 0 : index
    %get3A_47 = arith.constant 0 : index
    %get3A_48 = vector.load %arg3[%get3A_46, %get3A_47] : memref<128x512xbf16, #tpu.memory_space<vmem>>, vector<128x512xbf16>
    %dot_general3A_49 = arith.constant dense<0.000000e+00> : vector<1600x512xf32>
    %dot_general3A_50 = tpu.matmul %convert_element_type3A_45, %get3A_48, %dot_general3A_49 {dimension_numbers = #tpu.dot_dimension_numbers<[1], [0], [0], [1], [0, 0, 1, 1], [], []>, transpose_lhs_hint = false} : vector<1600x128xbf16>, vector<128x512xbf16>, vector<1600x512xf32> -> vector<1600x512xf32>
    %get3A_51 = arith.constant 3200 : index
    %get3A_52 = arith.constant 0 : index
    %get3A_53 = vector.load %arg2[%get3A_51, %get3A_52] : memref<12800x128xf32, #tpu.memory_space<vmem>>, vector<1600x128xf32>
    %get3A_54 = arith.constant 4800 : index
    %get3A_55 = arith.constant 0 : index
    %get3A_56 = vector.load %arg2[%get3A_54, %get3A_55] : memref<12800x128xf32, #tpu.memory_space<vmem>>, vector<1600x128xf32>
    %slice3A_57 = vector.extract_strided_slice %dot_general3A_50 {offsets = [0, 0], sizes = [1600, 128], strides = [1, 1]} : vector<1600x512xf32> to vector<1600x128xf32>
    %add3A_58 = vector.broadcast %add3A_3 : vector<1x128xf32> to vector<1600x128xf32>
    %add3A_59 = arith.addf %slice3A_57, %add3A_58 : vector<1600x128xf32>
    %mul3A_60 = arith.mulf %add3A_59, %get3A_53 : vector<1600x128xf32>
    %slice3A_61 = vector.extract_strided_slice %dot_general3A_50 {offsets = [0, 256], sizes = [1600, 128], strides = [1, 1]} : vector<1600x512xf32> to vector<1600x128xf32>
    %get3A_62 = arith.constant 0 : index
    %get3A_63 = arith.constant 0 : index
    %get3A_64 = vector.load %arg5[%get3A_62, %get3A_63] : memref<1x128xf32, #tpu.memory_space<vmem>>, vector<1x128xf32>
    %add3A_65 = vector.broadcast %get3A_64 : vector<1x128xf32> to vector<1600x128xf32>
    %add3A_66 = arith.addf %slice3A_61, %add3A_65 : vector<1600x128xf32>
    %add3A_67 = arith.addf %mul3A_60, %add3A_66 : vector<1600x128xf32>
    %swap3A_68 = arith.constant 3200 : index
    %swap3A_69 = arith.constant 0 : index
    %swap3A_70 = vector.load %arg6[%swap3A_68, %swap3A_69] : memref<12800x128xf32, #tpu.memory_space<vmem>>, vector<1600x128xf32>
    tpu.vector_store %arg6[%swap3A_68, %swap3A_69], %add3A_67 {strides = array<i32>} : memref<12800x128xf32, #tpu.memory_space<vmem>>, vector<1600x128xf32>,
    %slice3A_71 = vector.extract_strided_slice %dot_general3A_50 {offsets = [0, 128], sizes = [1600, 128], strides = [1, 1]} : vector<1600x512xf32> to vector<1600x128xf32>
    %add3A_72 = vector.broadcast %add3A_3 : vector<1x128xf32> to vector<1600x128xf32>
    %add3A_73 = arith.addf %slice3A_71, %add3A_72 : vector<1600x128xf32>
    %mul3A_74 = arith.mulf %add3A_73, %get3A_56 : vector<1600x128xf32>
    %slice3A_75 = vector.extract_strided_slice %dot_general3A_50 {offsets = [0, 384], sizes = [1600, 128], strides = [1, 1]} : vector<1600x512xf32> to vector<1600x128xf32>
    %get3A_76 = arith.constant 0 : index
    %get3A_77 = arith.constant 0 : index
    %get3A_78 = vector.load %arg5[%get3A_76, %get3A_77] : memref<1x128xf32, #tpu.memory_space<vmem>>, vector<1x128xf32>
    %add3A_79 = vector.broadcast %get3A_78 : vector<1x128xf32> to vector<1600x128xf32>
    %add3A_80 = arith.addf %slice3A_75, %add3A_79 : vector<1600x128xf32>
    %add3A_81 = arith.addf %mul3A_74, %add3A_80 : vector<1600x128xf32>
    %swap3A_82 = arith.constant 4800 : index
    %swap3A_83 = arith.constant 0 : index
    %swap3A_84 = vector.load %arg6[%swap3A_82, %swap3A_83] : memref<12800x128xf32, #tpu.memory_space<vmem>>, vector<1600x128xf32>
    tpu.vector_store %arg6[%swap3A_82, %swap3A_83], %add3A_81 {strides = array<i32>} : memref<12800x128xf32, #tpu.memory_space<vmem>>, vector<1600x128xf32>,
    %get3A_85 = arith.constant 3200 : index
    %get3A_86 = arith.constant 0 : index
    %get3A_87 = vector.load %arg1[%get3A_85, %get3A_86] : memref<6400x128xf32, #tpu.memory_space<vmem>>, vector<1600x128xf32>
    %convert_element_type3A_88 = arith.truncf %get3A_87 : vector<1600x128xf32> to vector<1600x128xbf16>
    %get3A_89 = arith.constant 0 : index
    %get3A_90 = arith.constant 0 : index
    %get3A_91 = vector.load %arg3[%get3A_89, %get3A_90] : memref<128x512xbf16, #tpu.memory_space<vmem>>, vector<128x512xbf16>
    %dot_general3A_92 = arith.constant dense<0.000000e+00> : vector<1600x512xf32>
    %dot_general3A_93 = tpu.matmul %convert_element_type3A_88, %get3A_91, %dot_general3A_92 {dimension_numbers = #tpu.dot_dimension_numbers<[1], [0], [0], [1], [0, 0, 1, 1], [], []>, transpose_lhs_hint = false} : vector<1600x128xbf16>, vector<128x512xbf16>, vector<1600x512xf32> -> vector<1600x512xf32>
    %get3A_94 = arith.constant 6400 : index
    %get3A_95 = arith.constant 0 : index
    %get3A_96 = vector.load %arg2[%get3A_94, %get3A_95] : memref<12800x128xf32, #tpu.memory_space<vmem>>, vector<1600x128xf32>
    %get3A_97 = arith.constant 8000 : index
    %get3A_98 = arith.constant 0 : index
    %get3A_99 = vector.load %arg2[%get3A_97, %get3A_98] : memref<12800x128xf32, #tpu.memory_space<vmem>>, vector<1600x128xf32>
    %slice3A_100 = vector.extract_strided_slice %dot_general3A_93 {offsets = [0, 0], sizes = [1600, 128], strides = [1, 1]} : vector<1600x512xf32> to vector<1600x128xf32>
    %add3A_101 = vector.broadcast %add3A_3 : vector<1x128xf32> to vector<1600x128xf32>
    %add3A_102 = arith.addf %slice3A_100, %add3A_101 : vector<1600x128xf32>
    %mul3A_103 = arith.mulf %add3A_102, %get3A_96 : vector<1600x128xf32>
    %slice3A_104 = vector.extract_strided_slice %dot_general3A_93 {offsets = [0, 256], sizes = [1600, 128], strides = [1, 1]} : vector<1600x512xf32> to vector<1600x128xf32>
    %get3A_105 = arith.constant 0 : index
    %get3A_106 = arith.constant 0 : index
    %get3A_107 = vector.load %arg5[%get3A_105, %get3A_106] : memref<1x128xf32, #tpu.memory_space<vmem>>, vector<1x128xf32>
    %add3A_108 = vector.broadcast %get3A_107 : vector<1x128xf32> to vector<1600x128xf32>
    %add3A_109 = arith.addf %slice3A_104, %add3A_108 : vector<1600x128xf32>
    %add3A_110 = arith.addf %mul3A_103, %add3A_109 : vector<1600x128xf32>
    %swap3A_111 = arith.constant 6400 : index
    %swap3A_112 = arith.constant 0 : index
    %swap3A_113 = vector.load %arg6[%swap3A_111, %swap3A_112] : memref<12800x128xf32, #tpu.memory_space<vmem>>, vector<1600x128xf32>
    tpu.vector_store %arg6[%swap3A_111, %swap3A_112], %add3A_110 {strides = array<i32>} : memref<12800x128xf32, #tpu.memory_space<vmem>>, vector<1600x128xf32>,
    %slice3A_114 = vector.extract_strided_slice %dot_general3A_93 {offsets = [0, 128], sizes = [1600, 128], strides = [1, 1]} : vector<1600x512xf32> to vector<1600x128xf32>
    %add3A_115 = vector.broadcast %add3A_3 : vector<1x128xf32> to vector<1600x128xf32>
    %add3A_116 = arith.addf %slice3A_114, %add3A_115 : vector<1600x128xf32>
    %mul3A_117 = arith.mulf %add3A_116, %get3A_99 : vector<1600x128xf32>
    %slice3A_118 = vector.extract_strided_slice %dot_general3A_93 {offsets = [0, 384], sizes = [1600, 128], strides = [1, 1]} : vector<1600x512xf32> to vector<1600x128xf32>
    %get3A_119 = arith.constant 0 : index
    %get3A_120 = arith.constant 0 : index
    %get3A_121 = vector.load %arg5[%get3A_119, %get3A_120] : memref<1x128xf32, #tpu.memory_space<vmem>>, vector<1x128xf32>
    %add3A_122 = vector.broadcast %get3A_121 : vector<1x128xf32> to vector<1600x128xf32>
    %add3A_123 = arith.addf %slice3A_118, %add3A_122 : vector<1600x128xf32>
    %add3A_124 = arith.addf %mul3A_117, %add3A_123 : vector<1600x128xf32>
    %swap3A_125 = arith.constant 8000 : index
    %swap3A_126 = arith.constant 0 : index
    %swap3A_127 = vector.load %arg6[%swap3A_125, %swap3A_126] : memref<12800x128xf32, #tpu.memory_space<vmem>>, vector<1600x128xf32>
    tpu.vector_store %arg6[%swap3A_125, %swap3A_126], %add3A_124 {strides = array<i32>} : memref<12800x128xf32, #tpu.memory_space<vmem>>, vector<1600x128xf32>,
    %get3A_128 = arith.constant 4800 : index
    %get3A_129 = arith.constant 0 : index
    %get3A_130 = vector.load %arg1[%get3A_128, %get3A_129] : memref<6400x128xf32, #tpu.memory_space<vmem>>, vector<1600x128xf32>
    %convert_element_type3A_131 = arith.truncf %get3A_130 : vector<1600x128xf32> to vector<1600x128xbf16>
    %get3A_132 = arith.constant 0 : index
    %get3A_133 = arith.constant 0 : index
    %get3A_134 = vector.load %arg3[%get3A_132, %get3A_133] : memref<128x512xbf16, #tpu.memory_space<vmem>>, vector<128x512xbf16>
    %dot_general3A_135 = arith.constant dense<0.000000e+00> : vector<1600x512xf32>
    %dot_general3A_136 = tpu.matmul %convert_element_type3A_131, %get3A_134, %dot_general3A_135 {dimension_numbers = #tpu.dot_dimension_numbers<[1], [0], [0], [1], [0, 0, 1, 1], [], []>, transpose_lhs_hint = false} : vector<1600x128xbf16>, vector<128x512xbf16>, vector<1600x512xf32> -> vector<1600x512xf32>
    %get3A_137 = arith.constant 9600 : index
    %get3A_138 = arith.constant 0 : index
    %get3A_139 = vector.load %arg2[%get3A_137, %get3A_138] : memref<12800x128xf32, #tpu.memory_space<vmem>>, vector<1600x128xf32>
    %get3A_140 = arith.constant 11200 : index
    %get3A_141 = arith.constant 0 : index
    %get3A_142 = vector.load %arg2[%get3A_140, %get3A_141] : memref<12800x128xf32, #tpu.memory_space<vmem>>, vector<1600x128xf32>
    %slice3A_143 = vector.extract_strided_slice %dot_general3A_136 {offsets = [0, 0], sizes = [1600, 128], strides = [1, 1]} : vector<1600x512xf32> to vector<1600x128xf32>
    %add3A_144 = vector.broadcast %add3A_3 : vector<1x128xf32> to vector<1600x128xf32>
    %add3A_145 = arith.addf %slice3A_143, %add3A_144 : vector<1600x128xf32>
    %mul3A_146 = arith.mulf %add3A_145, %get3A_139 : vector<1600x128xf32>
    %slice3A_147 = vector.extract_strided_slice %dot_general3A_136 {offsets = [0, 256], sizes = [1600, 128], strides = [1, 1]} : vector<1600x512xf32> to vector<1600x128xf32>
    %get3A_148 = arith.constant 0 : index
    %get3A_149 = arith.constant 0 : index
    %get3A_150 = vector.load %arg5[%get3A_148, %get3A_149] : memref<1x128xf32, #tpu.memory_space<vmem>>, vector<1x128xf32>
    %add3A_151 = vector.broadcast %get3A_150 : vector<1x128xf32> to vector<1600x128xf32>
    %add3A_152 = arith.addf %slice3A_147, %add3A_151 : vector<1600x128xf32>
    %add3A_153 = arith.addf %mul3A_146, %add3A_152 : vector<1600x128xf32>
    %swap3A_154 = arith.constant 9600 : index
    %swap3A_155 = arith.constant 0 : index
    %swap3A_156 = vector.load %arg6[%swap3A_154, %swap3A_155] : memref<12800x128xf32, #tpu.memory_space<vmem>>, vector<1600x128xf32>
    tpu.vector_store %arg6[%swap3A_154, %swap3A_155], %add3A_153 {strides = array<i32>} : memref<12800x128xf32, #tpu.memory_space<vmem>>, vector<1600x128xf32>,
    %slice3A_157 = vector.extract_strided_slice %dot_general3A_136 {offsets = [0, 128], sizes = [1600, 128], strides = [1, 1]} : vector<1600x512xf32> to vector<1600x128xf32>
    %add3A_158 = vector.broadcast %add3A_3 : vector<1x128xf32> to vector<1600x128xf32>
    %add3A_159 = arith.addf %slice3A_157, %add3A_158 : vector<1600x128xf32>
    %mul3A_160 = arith.mulf %add3A_159, %get3A_142 : vector<1600x128xf32>
    %slice3A_161 = vector.extract_strided_slice %dot_general3A_136 {offsets = [0, 384], sizes = [1600, 128], strides = [1, 1]} : vector<1600x512xf32> to vector<1600x128xf32>
    %get3A_162 = arith.constant 0 : index
    %get3A_163 = arith.constant 0 : index
    %get3A_164 = vector.load %arg5[%get3A_162, %get3A_163] : memref<1x128xf32, #tpu.memory_space<vmem>>, vector<1x128xf32>
    %add3A_165 = vector.broadcast %get3A_164 : vector<1x128xf32> to vector<1600x128xf32>
    %add3A_166 = arith.addf %slice3A_161, %add3A_165 : vector<1600x128xf32>
    %add3A_167 = arith.addf %mul3A_160, %add3A_166 : vector<1600x128xf32>
    %swap3A_168 = arith.constant 11200 : index
    %swap3A_169 = arith.constant 0 : index
    %swap3A_170 = vector.load %arg6[%swap3A_168, %swap3A_169] : memref<12800x128xf32, #tpu.memory_space<vmem>>, vector<1600x128xf32>
    tpu.vector_store %arg6[%swap3A_168, %swap3A_169], %add3A_167 {strides = array<i32>} : memref<12800x128xf32, #tpu.memory_space<vmem>>, vector<1600x128xf32>,
    return
  }
  func.func @transform_0(%arg0: i32) -> (i32, i32) {
    %c0_i32 = arith.constant 0 : i32
    %c0_i32_0 = arith.constant 0 : i32
    return %arg0, %c0_i32 : i32, i32
  }
  func.func @transform_1(%arg0: i32) -> (i32, i32) {
    %add3A = arith.constant 0 : i32
    %add3A_0 = arith.addi %arg0, %add3A : i32
    %c0_i32 = arith.constant 0 : i32
    %c0_i32_1 = arith.constant 0 : i32
    return %add3A_0, %c0_i32 : i32, i32
  }
  func.func @transform_2(%arg0: i32) -> (i32, i32) {
    %c0_i32 = arith.constant 0 : i32
    %c0_i32_0 = arith.constant 0 : i32
    %c0_i32_1 = arith.constant 0 : i32
    return %c0_i32, %c0_i32_0 : i32, i32
  }
  func.func @transform_3(%arg0: i32) -> (i32, i32) {
    %c0_i32 = arith.constant 0 : i32
    %c0_i32_0 = arith.constant 0 : i32
    %c0_i32_1 = arith.constant 0 : i32
    return %c0_i32, %c0_i32_0 : i32, i32
  }
  func.func @transform_4(%arg0: i32) -> (i32, i32) {
    %c0_i32 = arith.constant 0 : i32
    %c0_i32_0 = arith.constant 0 : i32
    %c0_i32_1 = arith.constant 0 : i32
    return %c0_i32, %c0_i32_0 : i32, i32
  }
  func.func @transform_5(%arg0: i32) -> (i32, i32) {
    %add3A = arith.constant 0 : i32
    %add3A_0 = arith.addi %arg0, %add3A : i32
    %c0_i32 = arith.constant 0 : i32
    %c0_i32_1 = arith.constant 0 : i32
    return %add3A_0, %c0_i32 : i32, i32
  }
}

module attributes {stable_mosaic.version = 14 : i64} {
  func.func @body(%arg0: i32, %arg1: memref<6400x128xf32, #tpu.memory_space<vmem>>, %arg2: memref<12800x128xf32, #tpu.memory_space<vmem>>, %arg3: memref<128x512xbf16, #tpu.memory_space<vmem>>, %arg4: memref<1x128xf32, #tpu.memory_space<vmem>>, %arg5: memref<1x128xf32, #tpu.memory_space<vmem>>, %arg6: memref<204800x128xf32, #tpu.memory_space<any>>, %arg7: memref<12800x128xf32, #tpu.memory_space<vmem>>) attributes {dimension_semantics = [#tpu.dimension_semantics<arbitrary>], iteration_bounds = array<i64: 8>, scalar_prefetch = 0 : i64, scratch_operands = 0 : i64, tpu.core_type = #tpu.core_type<tc>, window_params = [{transform_indices = @transform_0, window_bounds = array<i64: 6400, 128>}, {transform_indices = @transform_1, window_bounds = array<i64: 12800, 128>}, {pipeline_mode = #tpu.pipeline_mode<synchronous>, transform_indices = @transform_2, window_bounds = array<i64: 128, 512>}, {pipeline_mode = #tpu.pipeline_mode<synchronous>, transform_indices = @transform_3, window_bounds = array<i64: 1, 128>}, {pipeline_mode = #tpu.pipeline_mode<synchronous>, transform_indices = @transform_4, window_bounds = array<i64: 1, 128>}, {}, {transform_indices = @transform_6, window_bounds = array<i64: 12800, 128>}]} {
    %get3A = arith.constant 0 : index
    %get3A_0 = arith.constant 0 : index
    %get3A_1 = vector.load %arg4[%get3A, %get3A_0] : memref<1x128xf32, #tpu.memory_space<vmem>>, vector<1x128xf32>
    %add3A = arith.constant 1.000000e+00 : f32
    %add3A_2 = vector.broadcast %add3A : f32 to vector<1x128xf32>
    %add3A_3 = arith.addf %add3A_2, %get3A_1 : vector<1x128xf32>
    %get3A_4 = arith.constant 0 : index
    %get3A_5 = arith.constant 0 : index
    %get3A_6 = vector.load %arg1[%get3A_4, %get3A_5] : memref<6400x128xf32, #tpu.memory_space<vmem>>, vector<1600x128xf32>
    %convert_element_type3A = arith.truncf %get3A_6 : vector<1600x128xf32> to vector<1600x128xbf16>
    %get3A_7 = arith.constant 0 : index
    %get3A_8 = arith.constant 0 : index
    %get3A_9 = vector.load %arg3[%get3A_7, %get3A_8] : memref<128x512xbf16, #tpu.memory_space<vmem>>, vector<128x512xbf16>
    %dot_general3A = arith.constant dense<0.000000e+00> : vector<1600x512xf32>
    %dot_general3A_10 = tpu.matmul %convert_element_type3A, %get3A_9, %dot_general3A {dimension_numbers = #tpu.dot_dimension_numbers<[1], [0], [0], [1], [0, 0, 1, 1], [], []>, transpose_lhs_hint = false} : vector<1600x128xbf16>, vector<128x512xbf16>, vector<1600x512xf32> -> vector<1600x512xf32>
    %get3A_11 = arith.constant 0 : index
    %get3A_12 = arith.constant 0 : index
    %get3A_13 = vector.load %arg2[%get3A_11, %get3A_12] : memref<12800x128xf32, #tpu.memory_space<vmem>>, vector<1600x128xf32>
    %get3A_14 = arith.constant 1600 : index
    %get3A_15 = arith.constant 0 : index
    %get3A_16 = vector.load %arg2[%get3A_14, %get3A_15] : memref<12800x128xf32, #tpu.memory_space<vmem>>, vector<1600x128xf32>
    %slice3A = vector.extract_strided_slice %dot_general3A_10 {offsets = [0, 0], sizes = [1600, 128], strides = [1, 1]} : vector<1600x512xf32> to vector<1600x128xf32>
    %add3A_17 = vector.broadcast %add3A_3 : vector<1x128xf32> to vector<1600x128xf32>
    %add3A_18 = arith.addf %slice3A, %add3A_17 : vector<1600x128xf32>
    %mul3A = arith.mulf %add3A_18, %get3A_13 : vector<1600x128xf32>
    %slice3A_19 = vector.extract_strided_slice %dot_general3A_10 {offsets = [0, 256], sizes = [1600, 128], strides = [1, 1]} : vector<1600x512xf32> to vector<1600x128xf32>
    %get3A_20 = arith.constant 0 : index
    %get3A_21 = arith.constant 0 : index
    %get3A_22 = vector.load %arg5[%get3A_20, %get3A_21] : memref<1x128xf32, #tpu.memory_space<vmem>>, vector<1x128xf32>
    %add3A_23 = vector.broadcast %get3A_22 : vector<1x128xf32> to vector<1600x128xf32>
    %add3A_24 = arith.addf %slice3A_19, %add3A_23 : vector<1600x128xf32>
    %add3A_25 = arith.addf %mul3A, %add3A_24 : vector<1600x128xf32>
    %swap3A = arith.constant 0 : index
    %swap3A_26 = arith.constant 0 : index
    %swap3A_27 = vector.load %arg7[%swap3A, %swap3A_26] : memref<12800x128xf32, #tpu.memory_space<vmem>>, vector<1600x128xf32>
    tpu.vector_store %arg7[%swap3A, %swap3A_26], %add3A_25 {strides = array<i32>} : memref<12800x128xf32, #tpu.memory_space<vmem>>, vector<1600x128xf32>,
    %slice3A_28 = vector.extract_strided_slice %dot_general3A_10 {offsets = [0, 128], sizes = [1600, 128], strides = [1, 1]} : vector<1600x512xf32> to vector<1600x128xf32>
    %add3A_29 = vector.broadcast %add3A_3 : vector<1x128xf32> to vector<1600x128xf32>
    %add3A_30 = arith.addf %slice3A_28, %add3A_29 : vector<1600x128xf32>
    %mul3A_31 = arith.mulf %add3A_30, %get3A_16 : vector<1600x128xf32>
    %slice3A_32 = vector.extract_strided_slice %dot_general3A_10 {offsets = [0, 384], sizes = [1600, 128], strides = [1, 1]} : vector<1600x512xf32> to vector<1600x128xf32>
    %get3A_33 = arith.constant 0 : index
    %get3A_34 = arith.constant 0 : index
    %get3A_35 = vector.load %arg5[%get3A_33, %get3A_34] : memref<1x128xf32, #tpu.memory_space<vmem>>, vector<1x128xf32>
    %add3A_36 = vector.broadcast %get3A_35 : vector<1x128xf32> to vector<1600x128xf32>
    %add3A_37 = arith.addf %slice3A_32, %add3A_36 : vector<1600x128xf32>
    %add3A_38 = arith.addf %mul3A_31, %add3A_37 : vector<1600x128xf32>
    %swap3A_39 = arith.constant 1600 : index
    %swap3A_40 = arith.constant 0 : index
    %swap3A_41 = vector.load %arg7[%swap3A_39, %swap3A_40] : memref<12800x128xf32, #tpu.memory_space<vmem>>, vector<1600x128xf32>
    tpu.vector_store %arg7[%swap3A_39, %swap3A_40], %add3A_38 {strides = array<i32>} : memref<12800x128xf32, #tpu.memory_space<vmem>>, vector<1600x128xf32>,
    %get3A_42 = arith.constant 1600 : index
    %get3A_43 = arith.constant 0 : index
    %get3A_44 = vector.load %arg1[%get3A_42, %get3A_43] : memref<6400x128xf32, #tpu.memory_space<vmem>>, vector<1600x128xf32>
    %convert_element_type3A_45 = arith.truncf %get3A_44 : vector<1600x128xf32> to vector<1600x128xbf16>
    %get3A_46 = arith.constant 0 : index
    %get3A_47 = arith.constant 0 : index
    %get3A_48 = vector.load %arg3[%get3A_46, %get3A_47] : memref<128x512xbf16, #tpu.memory_space<vmem>>, vector<128x512xbf16>
    %dot_general3A_49 = arith.constant dense<0.000000e+00> : vector<1600x512xf32>
    %dot_general3A_50 = tpu.matmul %convert_element_type3A_45, %get3A_48, %dot_general3A_49 {dimension_numbers = #tpu.dot_dimension_numbers<[1], [0], [0], [1], [0, 0, 1, 1], [], []>, transpose_lhs_hint = false} : vector<1600x128xbf16>, vector<128x512xbf16>, vector<1600x512xf32> -> vector<1600x512xf32>
    %get3A_51 = arith.constant 3200 : index
    %get3A_52 = arith.constant 0 : index
    %get3A_53 = vector.load %arg2[%get3A_51, %get3A_52] : memref<12800x128xf32, #tpu.memory_space<vmem>>, vector<1600x128xf32>
    %get3A_54 = arith.constant 4800 : index
    %get3A_55 = arith.constant 0 : index
    %get3A_56 = vector.load %arg2[%get3A_54, %get3A_55] : memref<12800x128xf32, #tpu.memory_space<vmem>>, vector<1600x128xf32>
    %slice3A_57 = vector.extract_strided_slice %dot_general3A_50 {offsets = [0, 0], sizes = [1600, 128], strides = [1, 1]} : vector<1600x512xf32> to vector<1600x128xf32>
    %add3A_58 = vector.broadcast %add3A_3 : vector<1x128xf32> to vector<1600x128xf32>
    %add3A_59 = arith.addf %slice3A_57, %add3A_58 : vector<1600x128xf32>
    %mul3A_60 = arith.mulf %add3A_59, %get3A_53 : vector<1600x128xf32>
    %slice3A_61 = vector.extract_strided_slice %dot_general3A_50 {offsets = [0, 256], sizes = [1600, 128], strides = [1, 1]} : vector<1600x512xf32> to vector<1600x128xf32>
    %get3A_62 = arith.constant 0 : index
    %get3A_63 = arith.constant 0 : index
    %get3A_64 = vector.load %arg5[%get3A_62, %get3A_63] : memref<1x128xf32, #tpu.memory_space<vmem>>, vector<1x128xf32>
    %add3A_65 = vector.broadcast %get3A_64 : vector<1x128xf32> to vector<1600x128xf32>
    %add3A_66 = arith.addf %slice3A_61, %add3A_65 : vector<1600x128xf32>
    %add3A_67 = arith.addf %mul3A_60, %add3A_66 : vector<1600x128xf32>
    %swap3A_68 = arith.constant 3200 : index
    %swap3A_69 = arith.constant 0 : index
    %swap3A_70 = vector.load %arg7[%swap3A_68, %swap3A_69] : memref<12800x128xf32, #tpu.memory_space<vmem>>, vector<1600x128xf32>
    tpu.vector_store %arg7[%swap3A_68, %swap3A_69], %add3A_67 {strides = array<i32>} : memref<12800x128xf32, #tpu.memory_space<vmem>>, vector<1600x128xf32>,
    %slice3A_71 = vector.extract_strided_slice %dot_general3A_50 {offsets = [0, 128], sizes = [1600, 128], strides = [1, 1]} : vector<1600x512xf32> to vector<1600x128xf32>
    %add3A_72 = vector.broadcast %add3A_3 : vector<1x128xf32> to vector<1600x128xf32>
    %add3A_73 = arith.addf %slice3A_71, %add3A_72 : vector<1600x128xf32>
    %mul3A_74 = arith.mulf %add3A_73, %get3A_56 : vector<1600x128xf32>
    %slice3A_75 = vector.extract_strided_slice %dot_general3A_50 {offsets = [0, 384], sizes = [1600, 128], strides = [1, 1]} : vector<1600x512xf32> to vector<1600x128xf32>
    %get3A_76 = arith.constant 0 : index
    %get3A_77 = arith.constant 0 : index
    %get3A_78 = vector.load %arg5[%get3A_76, %get3A_77] : memref<1x128xf32, #tpu.memory_space<vmem>>, vector<1x128xf32>
    %add3A_79 = vector.broadcast %get3A_78 : vector<1x128xf32> to vector<1600x128xf32>
    %add3A_80 = arith.addf %slice3A_75, %add3A_79 : vector<1600x128xf32>
    %add3A_81 = arith.addf %mul3A_74, %add3A_80 : vector<1600x128xf32>
    %swap3A_82 = arith.constant 4800 : index
    %swap3A_83 = arith.constant 0 : index
    %swap3A_84 = vector.load %arg7[%swap3A_82, %swap3A_83] : memref<12800x128xf32, #tpu.memory_space<vmem>>, vector<1600x128xf32>
    tpu.vector_store %arg7[%swap3A_82, %swap3A_83], %add3A_81 {strides = array<i32>} : memref<12800x128xf32, #tpu.memory_space<vmem>>, vector<1600x128xf32>,
    %get3A_85 = arith.constant 3200 : index
    %get3A_86 = arith.constant 0 : index
    %get3A_87 = vector.load %arg1[%get3A_85, %get3A_86] : memref<6400x128xf32, #tpu.memory_space<vmem>>, vector<1600x128xf32>
    %convert_element_type3A_88 = arith.truncf %get3A_87 : vector<1600x128xf32> to vector<1600x128xbf16>
    %get3A_89 = arith.constant 0 : index
    %get3A_90 = arith.constant 0 : index
    %get3A_91 = vector.load %arg3[%get3A_89, %get3A_90] : memref<128x512xbf16, #tpu.memory_space<vmem>>, vector<128x512xbf16>
    %dot_general3A_92 = arith.constant dense<0.000000e+00> : vector<1600x512xf32>
    %dot_general3A_93 = tpu.matmul %convert_element_type3A_88, %get3A_91, %dot_general3A_92 {dimension_numbers = #tpu.dot_dimension_numbers<[1], [0], [0], [1], [0, 0, 1, 1], [], []>, transpose_lhs_hint = false} : vector<1600x128xbf16>, vector<128x512xbf16>, vector<1600x512xf32> -> vector<1600x512xf32>
    %get3A_94 = arith.constant 6400 : index
    %get3A_95 = arith.constant 0 : index
    %get3A_96 = vector.load %arg2[%get3A_94, %get3A_95] : memref<12800x128xf32, #tpu.memory_space<vmem>>, vector<1600x128xf32>
    %get3A_97 = arith.constant 8000 : index
    %get3A_98 = arith.constant 0 : index
    %get3A_99 = vector.load %arg2[%get3A_97, %get3A_98] : memref<12800x128xf32, #tpu.memory_space<vmem>>, vector<1600x128xf32>
    %slice3A_100 = vector.extract_strided_slice %dot_general3A_93 {offsets = [0, 0], sizes = [1600, 128], strides = [1, 1]} : vector<1600x512xf32> to vector<1600x128xf32>
    %add3A_101 = vector.broadcast %add3A_3 : vector<1x128xf32> to vector<1600x128xf32>
    %add3A_102 = arith.addf %slice3A_100, %add3A_101 : vector<1600x128xf32>
    %mul3A_103 = arith.mulf %add3A_102, %get3A_96 : vector<1600x128xf32>
    %slice3A_104 = vector.extract_strided_slice %dot_general3A_93 {offsets = [0, 256], sizes = [1600, 128], strides = [1, 1]} : vector<1600x512xf32> to vector<1600x128xf32>
    %get3A_105 = arith.constant 0 : index
    %get3A_106 = arith.constant 0 : index
    %get3A_107 = vector.load %arg5[%get3A_105, %get3A_106] : memref<1x128xf32, #tpu.memory_space<vmem>>, vector<1x128xf32>
    %add3A_108 = vector.broadcast %get3A_107 : vector<1x128xf32> to vector<1600x128xf32>
    %add3A_109 = arith.addf %slice3A_104, %add3A_108 : vector<1600x128xf32>
    %add3A_110 = arith.addf %mul3A_103, %add3A_109 : vector<1600x128xf32>
    %swap3A_111 = arith.constant 6400 : index
    %swap3A_112 = arith.constant 0 : index
    %swap3A_113 = vector.load %arg7[%swap3A_111, %swap3A_112] : memref<12800x128xf32, #tpu.memory_space<vmem>>, vector<1600x128xf32>
    tpu.vector_store %arg7[%swap3A_111, %swap3A_112], %add3A_110 {strides = array<i32>} : memref<12800x128xf32, #tpu.memory_space<vmem>>, vector<1600x128xf32>,
    %slice3A_114 = vector.extract_strided_slice %dot_general3A_93 {offsets = [0, 128], sizes = [1600, 128], strides = [1, 1]} : vector<1600x512xf32> to vector<1600x128xf32>
    %add3A_115 = vector.broadcast %add3A_3 : vector<1x128xf32> to vector<1600x128xf32>
    %add3A_116 = arith.addf %slice3A_114, %add3A_115 : vector<1600x128xf32>
    %mul3A_117 = arith.mulf %add3A_116, %get3A_99 : vector<1600x128xf32>
    %slice3A_118 = vector.extract_strided_slice %dot_general3A_93 {offsets = [0, 384], sizes = [1600, 128], strides = [1, 1]} : vector<1600x512xf32> to vector<1600x128xf32>
    %get3A_119 = arith.constant 0 : index
    %get3A_120 = arith.constant 0 : index
    %get3A_121 = vector.load %arg5[%get3A_119, %get3A_120] : memref<1x128xf32, #tpu.memory_space<vmem>>, vector<1x128xf32>
    %add3A_122 = vector.broadcast %get3A_121 : vector<1x128xf32> to vector<1600x128xf32>
    %add3A_123 = arith.addf %slice3A_118, %add3A_122 : vector<1600x128xf32>
    %add3A_124 = arith.addf %mul3A_117, %add3A_123 : vector<1600x128xf32>
    %swap3A_125 = arith.constant 8000 : index
    %swap3A_126 = arith.constant 0 : index
    %swap3A_127 = vector.load %arg7[%swap3A_125, %swap3A_126] : memref<12800x128xf32, #tpu.memory_space<vmem>>, vector<1600x128xf32>
    tpu.vector_store %arg7[%swap3A_125, %swap3A_126], %add3A_124 {strides = array<i32>} : memref<12800x128xf32, #tpu.memory_space<vmem>>, vector<1600x128xf32>,
    %get3A_128 = arith.constant 4800 : index
    %get3A_129 = arith.constant 0 : index
    %get3A_130 = vector.load %arg1[%get3A_128, %get3A_129] : memref<6400x128xf32, #tpu.memory_space<vmem>>, vector<1600x128xf32>
    %convert_element_type3A_131 = arith.truncf %get3A_130 : vector<1600x128xf32> to vector<1600x128xbf16>
    %get3A_132 = arith.constant 0 : index
    %get3A_133 = arith.constant 0 : index
    %get3A_134 = vector.load %arg3[%get3A_132, %get3A_133] : memref<128x512xbf16, #tpu.memory_space<vmem>>, vector<128x512xbf16>
    %dot_general3A_135 = arith.constant dense<0.000000e+00> : vector<1600x512xf32>
    %dot_general3A_136 = tpu.matmul %convert_element_type3A_131, %get3A_134, %dot_general3A_135 {dimension_numbers = #tpu.dot_dimension_numbers<[1], [0], [0], [1], [0, 0, 1, 1], [], []>, transpose_lhs_hint = false} : vector<1600x128xbf16>, vector<128x512xbf16>, vector<1600x512xf32> -> vector<1600x512xf32>
    %get3A_137 = arith.constant 9600 : index
    %get3A_138 = arith.constant 0 : index
    %get3A_139 = vector.load %arg2[%get3A_137, %get3A_138] : memref<12800x128xf32, #tpu.memory_space<vmem>>, vector<1600x128xf32>
    %get3A_140 = arith.constant 11200 : index
    %get3A_141 = arith.constant 0 : index
    %get3A_142 = vector.load %arg2[%get3A_140, %get3A_141] : memref<12800x128xf32, #tpu.memory_space<vmem>>, vector<1600x128xf32>
    %slice3A_143 = vector.extract_strided_slice %dot_general3A_136 {offsets = [0, 0], sizes = [1600, 128], strides = [1, 1]} : vector<1600x512xf32> to vector<1600x128xf32>
    %add3A_144 = vector.broadcast %add3A_3 : vector<1x128xf32> to vector<1600x128xf32>
    %add3A_145 = arith.addf %slice3A_143, %add3A_144 : vector<1600x128xf32>
    %mul3A_146 = arith.mulf %add3A_145, %get3A_139 : vector<1600x128xf32>
    %slice3A_147 = vector.extract_strided_slice %dot_general3A_136 {offsets = [0, 256], sizes = [1600, 128], strides = [1, 1]} : vector<1600x512xf32> to vector<1600x128xf32>
    %get3A_148 = arith.constant 0 : index
    %get3A_149 = arith.constant 0 : index
    %get3A_150 = vector.load %arg5[%get3A_148, %get3A_149] : memref<1x128xf32, #tpu.memory_space<vmem>>, vector<1x128xf32>
    %add3A_151 = vector.broadcast %get3A_150 : vector<1x128xf32> to vector<1600x128xf32>
    %add3A_152 = arith.addf %slice3A_147, %add3A_151 : vector<1600x128xf32>
    %add3A_153 = arith.addf %mul3A_146, %add3A_152 : vector<1600x128xf32>
    %swap3A_154 = arith.constant 9600 : index
    %swap3A_155 = arith.constant 0 : index
    %swap3A_156 = vector.load %arg7[%swap3A_154, %swap3A_155] : memref<12800x128xf32, #tpu.memory_space<vmem>>, vector<1600x128xf32>
    tpu.vector_store %arg7[%swap3A_154, %swap3A_155], %add3A_153 {strides = array<i32>} : memref<12800x128xf32, #tpu.memory_space<vmem>>, vector<1600x128xf32>,
    %slice3A_157 = vector.extract_strided_slice %dot_general3A_136 {offsets = [0, 128], sizes = [1600, 128], strides = [1, 1]} : vector<1600x512xf32> to vector<1600x128xf32>
    %add3A_158 = vector.broadcast %add3A_3 : vector<1x128xf32> to vector<1600x128xf32>
    %add3A_159 = arith.addf %slice3A_157, %add3A_158 : vector<1600x128xf32>
    %mul3A_160 = arith.mulf %add3A_159, %get3A_142 : vector<1600x128xf32>
    %slice3A_161 = vector.extract_strided_slice %dot_general3A_136 {offsets = [0, 384], sizes = [1600, 128], strides = [1, 1]} : vector<1600x512xf32> to vector<1600x128xf32>
    %get3A_162 = arith.constant 0 : index
    %get3A_163 = arith.constant 0 : index
    %get3A_164 = vector.load %arg5[%get3A_162, %get3A_163] : memref<1x128xf32, #tpu.memory_space<vmem>>, vector<1x128xf32>
    %add3A_165 = vector.broadcast %get3A_164 : vector<1x128xf32> to vector<1600x128xf32>
    %add3A_166 = arith.addf %slice3A_161, %add3A_165 : vector<1600x128xf32>
    %add3A_167 = arith.addf %mul3A_160, %add3A_166 : vector<1600x128xf32>
    %swap3A_168 = arith.constant 11200 : index
    %swap3A_169 = arith.constant 0 : index
    %swap3A_170 = vector.load %arg7[%swap3A_168, %swap3A_169] : memref<12800x128xf32, #tpu.memory_space<vmem>>, vector<1600x128xf32>
    tpu.vector_store %arg7[%swap3A_168, %swap3A_169], %add3A_167 {strides = array<i32>} : memref<12800x128xf32, #tpu.memory_space<vmem>>, vector<1600x128xf32>,
    return
  }
  func.func @transform_0(%arg0: i32) -> (i32, i32) {
    %c0_i32 = arith.constant 0 : i32
    %c0_i32_0 = arith.constant 0 : i32
    return %arg0, %c0_i32 : i32, i32
  }
  func.func @transform_1(%arg0: i32) -> (i32, i32) {
    %add3A = arith.constant 8 : i32
    %add3A_0 = arith.addi %arg0, %add3A : i32
    %c0_i32 = arith.constant 0 : i32
    %c0_i32_1 = arith.constant 0 : i32
    return %add3A_0, %c0_i32 : i32, i32
  }
  func.func @transform_2(%arg0: i32) -> (i32, i32) {
    %c0_i32 = arith.constant 0 : i32
    %c0_i32_0 = arith.constant 0 : i32
    %c0_i32_1 = arith.constant 0 : i32
    return %c0_i32, %c0_i32_0 : i32, i32
  }
  func.func @transform_3(%arg0: i32) -> (i32, i32) {
    %c0_i32 = arith.constant 0 : i32
    %c0_i32_0 = arith.constant 0 : i32
    %c0_i32_1 = arith.constant 0 : i32
    return %c0_i32, %c0_i32_0 : i32, i32
  }
  func.func @transform_4(%arg0: i32) -> (i32, i32) {
    %c0_i32 = arith.constant 0 : i32
    %c0_i32_0 = arith.constant 0 : i32
    %c0_i32_1 = arith.constant 0 : i32
    return %c0_i32, %c0_i32_0 : i32, i32
  }
  func.func @transform_6(%arg0: i32) -> (i32, i32) {
    %add3A = arith.constant 8 : i32
    %add3A_0 = arith.addi %arg0, %add3A : i32
    %c0_i32 = arith.constant 0 : i32
    %c0_i32_1 = arith.constant 0 : i32
    return %add3A_0, %c0_i32 : i32, i32
  }
}

</mosaic_0001>

<sc_bundles>
// kernel: kernel.6.cloned.1.call-start
scs
__scs_entry_jumppad:
0x0: {  	(pc) =	sbr.rel $0x88, $3  }
0x1: {  	(tag) =	ssettag $0x0;
	lr =	simm.s32 $0x1  }
0x2: {  	[smem:$0x3F9A] =	sst lr;
	_ =	strace $0xD0000000  }
0x3: {  	_ = 	snop  }
0x4: {  	_ = 	snop  }
0x5: {  	_ = 	snop  }
0x6: {  	_ = 	snop  }
0x7: {  	_ = 	snop  }
__scs_overlays_trampoline_lowered:
0x8: {  	[smem:$0x3FA9] =	sst s0  }
0x9: {  	[smem:$0x3FAA] =	sst s1  }
0xa: {  	[smem:$0x3FAB] =	sst s2  }
0xb: {  	[smem:$0x3FAC] =	sst s3  }
0xc: {  	[smem:$0x3FAD] =	sst s4  }
0xd: {  	[smem:$0x3FAE] =	sst s5  }
0xe: {  	[smem:$0x3FAF] =	sst s6  }
0xf: {  	[smem:$0x3FB0] =	sst s7  }
0x10: {  	[smem:$0x3FB1] =	sst s8  }
0x11: {  	[smem:$0x3FB2] =	sst s9;
	s0 =	simm.s32 @!p0 $0x0  }
0x12: {  	s1 =	sld [smem:$0x3F98];
	s0 =	simm.s32 @p0 $0x1  }
0x13: {  	[smem:$0x3FB3] =	sst s0;
	s0 =	simm.s32 @!p1 $0x0  }
0x14: {  	s2 =	sld [smem:$0x3F97];
	s0 =	simm.s32 @p1 $0x1  }
0x15: {  	[smem:$0x3FB4] =	sst s0;
	s0 =	simm.s32 @!p2 $0x0  }
0x16: {  	s3 =	sld [smem:$0x3FDB];
	s0 =	simm.s32 @p2 $0x1  }
0x17: {  	s4 =	simm.s32 $0x1BF5;
	[smem:$0x3FB6] =	sst s0  }
0x18: {  	s0 =	sld [smem:$0x3F99];
	_ =	swait.ge [sflag:s4], $0x0  }
0x19: {  	s7 =	sld [smem:$0x3F9A]  }
0x1a: {  	s8 =	sadd.s32 $0xFFFFE003, lr  }
0x1b: {  	s9 =	sadd.s32 $0xFFFFFEF7, lr;
	s5 =	simm.s32 $0xFFFFFFFF;
	p2 =	slt.u32 s8, $0xFFFFF086  }
0x1c: {  	p1 =	slt.u32 s9, $0xF7A;
	s5 =	simm.s32 @!p2 $0x0  }
0x1d: {  	s5 =	simm.s32 @p1 $0x1;
	p0 =	seq.s32 s7, s2  }
0x1e: {  	s7 =	smul.u32 @!p0 $0xF7A, s2;
	p2 =	seq.s32 @!p0 s5, $0x0  }
0x1f: {  	s9 =	smul.u32 $0xF7A, s1;
	s8 =	simm.s32 @!p0 $0x1BF5;
	p2 =	por !p2, p0  }
0x20: {  	[sflag:s8] =	ssyncset.s32 @!p0 $0xFFFFF086;
	s6 =	sadd.s32 @!p0 s3, s7;
	s7 =	simm.s32 @!p0 $0x108  }
0x21: {  	s3 =	sadd.s32 s3, s9;
	s6 =	sadd.s32 @!p0 $0x88, s6;
	s7 =	simm.s32 @p2 $0x1082  }
0x22: {  	[simem:s7], [sflag:s8] =	dma.local @!p0 [hbm:s6], $0xF7A  }
0x23: {  	s9 =	sor.u32 $0xD0000000, s2;
	s6 =	simm.s32 $0x108;
	_ =	swait.ge @!p0 [sflag:s8], $0x0  }
0x24: {  	s3 =	sadd.s32 $0x88, s3;
	s6 =	simm.s32 @!p1 $0x1082;
	[sflag:s4] =	ssyncset.s32 $0xFFFFF086  }
0x25: {  	[simem:s6], [sflag:s4] =	dma.local [hbm:s3], $0xF7A  }
0x26: {  	[smem:$0x3F9A] =	sst s1;
	(tag) =	ssettag s2;
	_ =	strace s9  }
0x27: {  	s1 =	sld [smem:$0x3FAA]  }
0x28: {  	s2 =	sld [smem:$0x3FAB]  }
0x29: {  	s4 =	sld [smem:$0x3FAD]  }
0x2a: {  	p0 =	seq.s32 s5, $0x0;
	s5 =	sld [smem:$0x3FAE]  }
0x2b: {  	s6 =	sld [smem:$0x3FAF]  }
0x2c: {  	s7 =	sld [smem:$0x3FB0]  }
0x2d: {  	s3 =	simm.s32 $0x108;
	s8 =	sld [smem:$0x3FB1]  }
0x2e: {  	s3 =	simm.s32 @!p0 $0x1082;
	s9 =	sld [smem:$0x3FB2]  }
0x2f: {  	lr =	sadd.s32 s0, s3;
	s0 =	sld [smem:$0x3FA9]  }
0x30: {  	s3 =	sld [smem:$0x3FAC]  }
0x31: {  	[smem:$0x3FB5] =	sst s10  }
0x32: {  	s10 =	sld [smem:$0x3FB3];
	_ =	sdelay $0x3  }
0x33: {  	p0 =	seq.s32 s10, $0x1;
	s10 =	sld [smem:$0x3FB5];
	_ =	sdelay $0x3  }
0x34: {  	[smem:$0x3FB5] =	sst s10  }
0x35: {  	s10 =	sld [smem:$0x3FB4];
	_ =	sdelay $0x3  }
0x36: {  	p1 =	seq.s32 s10, $0x1;
	s10 =	sld [smem:$0x3FB5];
	_ =	sdelay $0x3  }
0x37: {  	[smem:$0x3FB5] =	sst s10  }
0x38: {  	s10 =	sld [smem:$0x3FB6]  }
0x39: {  	_ = 	snop;
	(pc) =	sbr.ind lr, $3  }
0x3a: {  	_ = 	snop  }
0x3b: {  	_ = 	snop  }
0x3c: {  	p2 =	seq.s32 s10, $0x1;
	s10 =	sld [smem:$0x3FB5]  }
0x3d: {  	_ =	shalt  }
0x3e: {  	_ =	shalt  }
0x3f: {  	_ =	shalt  }
0x40: {  	_ =	shalt  }
0x41: {  	_ =	shalt  }
0x42: {  	_ =	shalt  }
0x43: {  	_ =	shalt  }
0x44: {  	_ =	shalt  }
0x45: {  	_ =	shalt  }
0x46: {  	_ =	shalt  }
0x47: {  	_ =	shalt  }
0x48: {  	_ =	shalt  }
0x49: {  	_ =	shalt  }
0x4a: {  	_ =	shalt  }
0x4b: {  	_ =	shalt  }
0x4c: {  	_ =	shalt  }
0x4d: {  	_ =	shalt  }
0x4e: {  	_ =	shalt  }
0x4f: {  	_ =	shalt  }
0x50: {  	_ =	shalt  }
0x51: {  	_ =	shalt  }
0x52: {  	_ =	shalt  }
0x53: {  	_ =	shalt  }
0x54: {  	_ =	shalt  }
0x55: {  	_ =	shalt  }
0x56: {  	_ =	shalt  }
0x57: {  	_ =	shalt  }
0x58: {  	_ =	shalt  }
0x59: {  	_ =	shalt  }
0x5a: {  	_ =	shalt  }
0x5b: {  	_ =	shalt  }
0x5c: {  	_ =	shalt  }
0x5d: {  	_ =	shalt  }
0x5e: {  	_ =	shalt  }
0x5f: {  	_ =	shalt  }
0x60: {  	_ =	shalt  }
0x61: {  	_ =	shalt  }
0x62: {  	_ =	shalt  }
0x63: {  	_ =	shalt  }
0x64: {  	_ =	shalt  }
0x65: {  	_ =	shalt  }
0x66: {  	_ =	shalt  }
0x67: {  	_ =	shalt  }
0x68: {  	_ =	shalt  }
0x69: {  	_ =	shalt  }
0x6a: {  	_ =	shalt  }
0x6b: {  	_ =	shalt  }
0x6c: {  	_ =	shalt  }
0x6d: {  	_ =	shalt  }
0x6e: {  	_ =	shalt  }
0x6f: {  	_ =	shalt  }
0x70: {  	_ =	shalt  }
0x71: {  	_ =	shalt  }
0x72: {  	_ =	shalt  }
0x73: {  	_ =	shalt  }
0x74: {  	_ =	shalt  }
0x75: {  	_ =	shalt  }
0x76: {  	_ =	shalt  }
0x77: {  	_ =	shalt  }
0x78: {  	_ =	shalt  }
0x79: {  	_ =	shalt  }
0x7a: {  	_ =	shalt  }
0x7b: {  	_ =	shalt  }
0x7c: {  	_ =	shalt  }
0x7d: {  	_ =	shalt  }
0x7e: {  	_ =	shalt  }
0x7f: {  	_ =	shalt  }
0x80: {  	_ =	shalt  }
0x81: {  	_ =	shalt  }
0x82: {  	_ =	shalt  }
0x83: {  	_ =	shalt  }
0x84: {  	_ =	shalt  }
0x85: {  	_ =	shalt  }
0x86: {  	_ =	shalt  }
0x87: {  	_ =	shalt  }
.Lfunc_end0:
.L_simem_size_0:
called_computation_lowered:
.L_overlay_start_0:
0x88: {  	s2 =	sld [smem:$0x3FD9]  }
0x89: {  	s3 =	sld [smem:$0x3FFE];
	_ =	sdelay $0x1  }
0x8a: {  	s1 =	srdreg.scid  }
0x8b: {  	s0 =	sand.u32 $0x1, s1  }
0x8c: {  	s16 =	sshll.u32 s0, $0xA;
	s2 =	sadd.s32 s3, s2  }
0x8d: {  	s2 =	sadd.s32 s2, s16  }
0x8e: {  	[smem:$0x3FC1] =	sst s2  }
0x8f: {  	_ = 	snop  }
0x90: {  	(tm) =	ssettm $0x1  }
0x91: {  	s17 =	sld [smem:$0x3FFB];
	_ =	sdelay $0x3  }
0x92: {  	_ =	strace s17  }
0x93: {  	s2 =	sld [smem:$0x3FFC];
	_ =	sdelay $0x3  }
0x94: {  	_ =	strace s2  }
0x95: {  	s2 =	sld [smem:$0x3FFD];
	_ =	sdelay $0x3  }
0x96: {  	_ =	strace s2  }
0x97: {  	_ =	strace $0x8FFFFFFF  }
0x98: {  	s18 =	sld [smem:$0x3FDB];
	_ =	sdelay $0x1  }
0x99: {  	s19 =	simm.s32 $_scs_section_size  }
0x9a: {  	s4 =	simm.s32 $_size__tile_overlayer_lowered;
	s5 =	simm.s32 $_tile_overlayer_lowered  }
0x9b: {  	s22 =	simm.s32 $0x1BFF;
	s21 =	sshll.u32 s5, $0x1;
	s2 =	sadd.s32 s19, s18  }
0x9c: {  	s6 =	simm.s32 $0x0;
	s20 =	sshll.u32 s4, $0x1;
	s4 =	sadd.s32 s21, s2  }
0x9d: {  	[timem:s6], [sflag:s22] =	dma.local [hbm:s4], s20  }
0x9e: {  	_ =	swait.ge [sflag:s22], s20  }
0x9f: {  	s3 =	ssub.s32 $0x0, s20;
	[sflag:s22] =	ssyncset.done $0x0  }
0xa0: {  	[sflag:s22] =	ssyncadd.s32 s3;
	_ =	sdelay $0x1  }
0xa1: {  	s23 =	simm.s32 $0x1B8B  }
0xa2: {  	_ =	swait.ge [sflag:s23], $0x1  }
0xa3: {  	[sflag:s23] =	ssyncset.done $0x0  }
0xa4: {  	s25 =	simm.s32 $0x1B8E;
	s24 =	sld [smem:$0x3FFE];
	[sflag:s23] =	ssyncadd.s32 $0xFFFFFFFF  }
0xa5: {  	s26 =	simm.s32 $execute0_lowered;
	[smem:$0x3FD2] =	sst s25  }
0xa6: {  	s4 =	sshll.u32 s26, $0x1;
	_ =	strace $0x80000046;
	[dreg:$0x1] =	wrdreg $0xFFFFFFFF  }
0xa7: {  	s28 =	simm.s32 $_size_execute0_lowered;
	s2 =	sadd.s32 s2, s4;
	[dreg:$0x0] =	wrdreg $0x0  }
0xa8: {  	s4 =	sshll.u32 s28, $0x1;
	[dreg:$0x2] =	wrdreg s2  }
0xa9: {  	[dreg:$0x3] =	wrdreg s4  }
0xaa: {  	[dreg:$0x4] =	wrdreg $0xC0  }
0xab: {  	_ =	task [dreg:s6], $0x5FFFF  }
0xac: {  	[dreg:$0x1] =	wrdreg $0xFFFFFFFF  }
0xad: {  	[dreg:$0x0] =	wrdreg $0x60  }
0xae: {  	[dreg:$0x2] =	wrdreg s24  }
0xaf: {  	[dreg:$0x3] =	wrdreg $0x9  }
0xb0: {  	_ =	task.clear_ibuf [dreg:s6], $0x4FFFF;
	_ =	strace $0x90000046  }
0xb1: {  	s29 =	simm.s32 $0x9;
	_ =	strace $0x80000048  }
0xb2: {  	_ =	swait.ge [sflag:s29], $0x1  }
0xb3: {  	[sflag:s29] =	ssyncadd.s32 $0xFFFFFFFF  }
0xb4: {  	_ =	strace $0x90000048  }
0xb5: {  	_ =	sfence  }
0xb6: {  	s30 =	sld [smem:$0x0];
	_ =	sdelay $0x2  }
0xb7: {  	s31 =	sshll.u32 s1, $0xD;
	s1 =	sshrl.u32 s1, $0x2  }
0xb8: {  	s3 =	sand.u32 $0x4000, s31;
	s1 =	sadd.s32 s1, s30  }
0xb9: {  	s0 =	sor.u32 s3, s0;
	s1 =	sshll.u32 s1, $0x11  }
0xba: {  	s0 =	sor.u32 s1, s0  }
0xbb: {  	s0 =	sadd.s32 $0x8F2B, s0  }
0xbc: {  	[sflag:s0] =	ssyncadd.remote.s32 $0x1  }
0xbd: {  	_ =	sfence.sel $0xFFFF  }
0xbe: {  	[dreg:$0x0] =	wrdreg $0xFFFFFFFF;
	(pc) =	sbr.abs _section_cstart, $3  }
0xbf: {  	[dreg:$0x1] =	wrdreg $0xFFFFFFFF  }
0xc0: {  	_ =	task.clear_ibuf [dreg:s6], $0x2FFFF;
	_ =	strace $0x9FFFFFFF  }
0xc1: {  	(tm) =	ssettm $0x7FFFFFFF  }
tec
execute0_lowered:
.L_overlay_start_1:
0x0: {  	(tag) =	ssettag $0x1  }
0x1: {  	s0 =	srdreg.scid  }
0x2: {  	s2 =	stileid.u32;
	s1 =	rddreg [dreg:$0x0]  }
0x3: {  	s11 =	simm.s32 $0x5;
	s12 =	simm.s32 $0xC80;
	s13 =	simm.s32 $0x80  }
0x4: {  	s14 =	simm.s32 $0x1900;
	s16 =	simm.s32 $0x3900;
	s18 =	simm.s32 $0x5900  }
0x5: {  	s20 =	simm.s32 $0x7900;
	s22 =	simm.s32 $0x9900;
	s23 =	simm.s32 $0x1  }
0x6: {  	s25 =	simm.s32 $0xB900;
	s28 =	simm.s32 $0xD900;
	s30 =	simm.s32 $0xF900  }
0x7: {  	s15 =	simm.s32 $0x13900;
	s17 =	simm.s32 $0x2;
	s19 =	simm.s32 $0x3  }
0x8: {  	s0 =	sand.u32 $0x1, s0;
	s3 =	sshll.u32 s2, $0x1;
	s2 =	simm.s32 $0x0  }
0x9: {  	s21 =	simm.s32 $0x0;
	s4 =	sor.u32 s0, s3;
	[smem:$0x7FF] =	sst s2  }
0xa: {  	s3 =	sadd.s32 $0x4600, s1;
	s0 =	ssub.s32 $0x2, s0;
	s5 =	smul.u32 $0x190, s4  }
0xb: {  	_ =	strace $0x80000047;
	s6 =	smul.u32 $0x32000, s4;
	s7 =	sshrl.u32 s0, $0x1  }
0xc: {  	v0 =	vlaneseq.u32;
	s8 =	smul.u32 $0x6400, s4;
	s0 =	ssub.s32 s0, s7;
	s5 =	sadd.s32 s5, s1  }
0xd: {  	v1 =	vand.u32 $0x3, v0;
	s1 =	sadd.s32 $0xC7C00, s1;
	s6 =	sshrl.u32 s6, $0x3;
	s4 =	sadd.s32 $0x1400, s5  }
0xe: {  	v0 =	vmul.u32 $0x2, v0;
	v1 =	vmul.u32 $0x2, v1;
	s31 =	sadd.s32 s1, s6;
	s6 =	smax.u32 s0, $0x1;
	s7 =	sadd.s32 s1, s8  }
0xf: {  	s1 =	simm.s32 $0x11900;
	s0 =	simm.s32 $0x4;
	s5 =	sadd.s32 $0x5000, s31  }
0x10: {  	v2 =	vor.u32 $0x1, v0;
	v1 =	vor.u32 $0xFFFFFFF8, v1;
	s8 =	sadd.s32 $0x1400, s7;
	s9 =	sadd.s32 $0x2800, s7;
	s10 =	sadd.s32 $0x3C00, s7  }
.LBB2_1:
0x11: {  	[tilespmem:s2], [sflag:$0x5] =	stream.linear.gather [hbm4b:s4+s2], $0xC80, $0x38;
	[tilespmem:$0x15900] =	vst v63  }
0x12: {  	_ =	swait.ge [sflag:s11], $0xC80  }
0x13: {  	[sflag:s11] =	ssyncset.done $0x0  }
0x14: {  	s24 =	simm.s32 $0x650;
	[sflag:s11] =	ssyncadd.s32 $0xFFFFF380  }
0x15: {  	s26 =	simm.s32 $0x0;
	v3 =	vld [tilespmem:s24+$0xFFFFF9B0]  }
0x16: {  	v5 =	vor.u32 s26, v0;
	v4 =	vld [tilespmem:s24+$0xFFFFFFF0]  }
0x17: {  	v5 =	vand.u32 v1, v5  }
0x18: {  	v6 =	vor.u32 s26, v2;
	_ =	sdelay $0x1  }
0x19: {  	vm0 =	vgt.s32 v3, $0x1  }
0x1a: {  	vm13 =	vgt.s32 v4, $0x1;
	v3 =	vnsel vm0, $0x1, v3  }
0x1b: {  	v4 =	vnsel vm13, $0x1, v4;
	[tilespmem:v5+s12+$0x0] =	vst.idx.msk $0xffff, v3  }
0x1c: {  	[tilespmem:v6+s12+$0x0] =	vst.idx.msk $0xffff, v4  }
0x1d: {  	v3 =	vld [tilespmem:s24+$0xFFFFF9C0];
	_ =	sdelay $0x2  }
0x1e: {  	s26 =	simm.s32 $0x20  }
0x1f: {  	v5 =	vor.u32 s26, v0;
	v4 =	vld [tilespmem:s24+$0x0]  }
0x20: {  	v5 =	vand.u32 v1, v5;
	vm14 =	vgt.s32 v3, $0x1  }
0x21: {  	v6 =	vnsel vm14, $0x1, v3;
	v3 =	vor.u32 s26, v2;
	_ =	sdelay $0x2  }
0x22: {  	vm15 =	vgt.s32 v4, $0x1  }
0x23: {  	s29 =	simm.s32 $0x0;
	v4 =	vnsel vm15, $0x1, v4;
	[tilespmem:v5+s12+$0x0] =	vst.idx.msk $0xffff, v6  }
.LBB2_2:
0x24: {  	s29 =	sadd.s32 $0x2, s29;
	[tilespmem:v3+s12+$0x0] =	vst.idx.msk $0xffff, v4;
	s24 =	sadd.s32 $0x20, s24;
	s26 =	sadd.s32 $0x40, s26  }
0x25: {  	v3 =	vld [tilespmem:s24+$0xFFFFF9B0];
	s31 =	sadd.s32 $0xFFFFFFE0, s26;
	p0 =	slt.u32 s29, $0x62  }
0x26: {  	v4 =	vld [tilespmem:s24+$0xFFFFFFF0];
	v5 =	vor.u32 s31, v0  }
0x27: {  	v5 =	vand.u32 v1, v5  }
0x28: {  	v6 =	vor.u32 s31, v2;
	_ =	sdelay $0x1  }
0x29: {  	vm0 =	vgt.s32 v3, $0x1  }
0x2a: {  	v3 =	vnsel vm0, $0x1, v3;
	vm0 =	vgt.s32 v4, $0x1  }
0x2b: {  	v4 =	vnsel vm0, $0x1, v4;
	[tilespmem:v5+s12+$0x0] =	vst.idx.msk $0xffff, v3  }
0x2c: {  	[tilespmem:v6+s12+$0x0] =	vst.idx.msk $0xffff, v4  }
0x2d: {  	v4 =	vld [tilespmem:s24+$0xFFFFF9C0]  }
0x2e: {  	v3 =	vor.u32 s26, v0;
	v5 =	vld [tilespmem:s24+$0x0]  }
0x2f: {  	v6 =	vand.u32 v1, v3  }
.Ltmp0:
0x30: {  	v3 =	vor.u32 s26, v2;
	(pc) =	sbr.rel @p0 .LBB2_2-.Ltmp0, $4  }
0x31: {  	_ = 	snop  }
0x32: {  	vm0 =	vgt.s32 v4, $0x1  }
0x33: {  	v7 =	vnsel vm0, $0x1, v4;
	vm0 =	vgt.s32 v5, $0x1  }
0x34: {  	v4 =	vnsel vm0, $0x1, v5;
	[tilespmem:v6+s12+$0x0] =	vst.idx.msk $0xffff, v7  }
0x35: {  	_ =	sdelay $0x3  }
0x36: {  	[tilespmem:v3+s12+$0x0] =	vst.idx.msk $0xffff, v4  }
0x37: {  	[tilespmem:s14], [sflag:$0x1] =	stream.indirect.gather [hbm4b:s3+s13], $0x40, s12, s13, $0xb8;
	[tilespmem:$0x15900] =	vst v63  }
0x38: {  	s24 =	simm.s32 $0xD00  }
0x39: {  	[tilespmem:s16], [sflag:$0x1] =	stream.indirect.gather [hbm4b:s3+s13], $0x40, s24, s13, $0xb8;
	[tilespmem:$0x15900] =	vst v63  }
0x3a: {  	s29 =	simm.s32 $0xD80  }
0x3b: {  	[tilespmem:s18], [sflag:$0x1] =	stream.indirect.gather [hbm4b:s3+s13], $0x40, s29, s13, $0xb8;
	[tilespmem:$0x15900] =	vst v63  }
0x3c: {  	s31 =	simm.s32 $0xE00  }
0x3d: {  	[tilespmem:s20], [sflag:$0x1] =	stream.indirect.gather [hbm4b:s3+s13], $0x40, s31, s13, $0xb8;
	[tilespmem:$0x15900] =	vst v63  }
0x3e: {  	s26 =	simm.s32 $0xE80  }
0x3f: {  	[tilespmem:s22], [sflag:$0x1] =	stream.indirect.gather [hbm4b:s3+s13], $0x40, s26, s13, $0xb8;
	[tilespmem:$0x15900] =	vst v63  }
0x40: {  	_ =	swait.ge [sflag:s23], $0x2000  }
0x41: {  	[sflag:s23] =	ssyncset.done $0x0  }
0x42: {  	[sflag:s23] =	ssyncadd.s32 $0xFFFFE000  }
0x43: {  	_ =	swait.ge [sflag:s23], $0x2000  }
0x44: {  	[sflag:s23] =	ssyncset.done $0x0  }
0x45: {  	[sflag:s23] =	ssyncadd.s32 $0xFFFFE000  }
0x46: {  	_ =	swait.ge [sflag:s23], $0x2000  }
0x47: {  	[sflag:s23] =	ssyncset.done $0x0  }
0x48: {  	[sflag:s23] =	ssyncadd.s32 $0xFFFFE000  }
0x49: {  	_ =	swait.ge [sflag:s23], $0x2000  }
0x4a: {  	[sflag:s23] =	ssyncset.done $0x0  }
0x4b: {  	[sflag:s23] =	ssyncadd.s32 $0xFFFFE000  }
0x4c: {  	_ =	swait.ge [sflag:s23], $0x2000  }
0x4d: {  	[sflag:s23] =	ssyncset.done $0x0  }
0x4e: {  	[sflag:s23] =	ssyncadd.s32 $0xFFFFE000  }
0x4f: {  	[hbm4b:s7+s2] =	stream.linear.scatter [tilespmem:s14], [sflag:$0x3], $0xA000, $0x38;
	[tilespmem:$0x15900] =	vst v63  }
0x50: {  	s29 =	simm.s32 $0xF00  }
0x51: {  	[tilespmem:s25], [sflag:$0x2] =	stream.indirect.gather [hbm4b:s3+s13], $0x40, s29, s13, $0xb8;
	[tilespmem:$0x15900] =	vst v63  }
0x52: {  	s31 =	simm.s32 $0xF80  }
0x53: {  	[tilespmem:s28], [sflag:$0x2] =	stream.indirect.gather [hbm4b:s3+s13], $0x40, s31, s13, $0xb8;
	[tilespmem:$0x15900] =	vst v63  }
0x54: {  	s26 =	simm.s32 $0x1000  }
0x55: {  	[tilespmem:s30], [sflag:$0x2] =	stream.indirect.gather [hbm4b:s3+s13], $0x40, s26, s13, $0xb8;
	[tilespmem:$0x15900] =	vst v63  }
0x56: {  	s29 =	simm.s32 $0x1080  }
0x57: {  	[tilespmem:s1], [sflag:$0x2] =	stream.indirect.gather [hbm4b:s3+s13], $0x40, s29, s13, $0xb8;
	[tilespmem:$0x15900] =	vst v63  }
0x58: {  	s31 =	simm.s32 $0x1100  }
0x59: {  	[tilespmem:s15], [sflag:$0x2] =	stream.indirect.gather [hbm4b:s3+s13], $0x40, s31, s13, $0xb8;
	[tilespmem:$0x15900] =	vst v63  }
0x5a: {  	_ =	swait.ge [sflag:s17], $0x2000  }
0x5b: {  	[sflag:s17] =	ssyncset.done $0x0  }
0x5c: {  	[sflag:s17] =	ssyncadd.s32 $0xFFFFE000  }
0x5d: {  	_ =	swait.ge [sflag:s17], $0x2000  }
0x5e: {  	[sflag:s17] =	ssyncset.done $0x0  }
0x5f: {  	[sflag:s17] =	ssyncadd.s32 $0xFFFFE000  }
0x60: {  	_ =	swait.ge [sflag:s17], $0x2000  }
0x61: {  	[sflag:s17] =	ssyncset.done $0x0  }
0x62: {  	[sflag:s17] =	ssyncadd.s32 $0xFFFFE000  }
0x63: {  	_ =	swait.ge [sflag:s17], $0x2000  }
0x64: {  	[sflag:s17] =	ssyncset.done $0x0  }
0x65: {  	[sflag:s17] =	ssyncadd.s32 $0xFFFFE000  }
0x66: {  	_ =	swait.ge [sflag:s17], $0x2000  }
0x67: {  	[sflag:s17] =	ssyncset.done $0x0  }
0x68: {  	[sflag:s17] =	ssyncadd.s32 $0xFFFFE000  }
0x69: {  	[hbm4b:s8+s2] =	stream.linear.scatter [tilespmem:s25], [sflag:$0x4], $0xA000, $0x38;
	[tilespmem:$0x15900] =	vst v63  }
0x6a: {  	_ =	swait.ge [sflag:s19], $0xA000  }
0x6b: {  	[sflag:s19] =	ssyncset.done $0x0  }
0x6c: {  	s26 =	simm.s32 $0x1180;
	[sflag:s19] =	ssyncadd.s32 $0xFFFF6000  }
0x6d: {  	[tilespmem:s14], [sflag:$0x1] =	stream.indirect.gather [hbm4b:s3+s13], $0x40, s26, s13, $0xb8;
	[tilespmem:$0x15900] =	vst v63  }
0x6e: {  	s29 =	simm.s32 $0x1200  }
0x6f: {  	[tilespmem:s16], [sflag:$0x1] =	stream.indirect.gather [hbm4b:s3+s13], $0x40, s29, s13, $0xb8;
	[tilespmem:$0x15900] =	vst v63  }
0x70: {  	s31 =	simm.s32 $0x1280  }
0x71: {  	[tilespmem:s18], [sflag:$0x1] =	stream.indirect.gather [hbm4b:s3+s13], $0x40, s31, s13, $0xb8;
	[tilespmem:$0x15900] =	vst v63  }
0x72: {  	s26 =	simm.s32 $0x1300  }
0x73: {  	[tilespmem:s20], [sflag:$0x1] =	stream.indirect.gather [hbm4b:s3+s13], $0x40, s26, s13, $0xb8;
	[tilespmem:$0x15900] =	vst v63  }
0x74: {  	s29 =	simm.s32 $0x1380  }
0x75: {  	[tilespmem:s22], [sflag:$0x1] =	stream.indirect.gather [hbm4b:s3+s13], $0x40, s29, s13, $0xb8;
	[tilespmem:$0x15900] =	vst v63  }
0x76: {  	_ =	swait.ge [sflag:s23], $0x2000  }
0x77: {  	[sflag:s23] =	ssyncset.done $0x0  }
0x78: {  	[sflag:s23] =	ssyncadd.s32 $0xFFFFE000  }
0x79: {  	_ =	swait.ge [sflag:s23], $0x2000  }
0x7a: {  	[sflag:s23] =	ssyncset.done $0x0  }
0x7b: {  	[sflag:s23] =	ssyncadd.s32 $0xFFFFE000  }
0x7c: {  	_ =	swait.ge [sflag:s23], $0x2000  }
0x7d: {  	[sflag:s23] =	ssyncset.done $0x0  }
0x7e: {  	[sflag:s23] =	ssyncadd.s32 $0xFFFFE000  }
0x7f: {  	_ =	swait.ge [sflag:s23], $0x2000  }
0x80: {  	[sflag:s23] =	ssyncset.done $0x0  }
0x81: {  	[sflag:s23] =	ssyncadd.s32 $0xFFFFE000  }
0x82: {  	_ =	swait.ge [sflag:s23], $0x2000  }
0x83: {  	[sflag:s23] =	ssyncset.done $0x0  }
0x84: {  	[sflag:s23] =	ssyncadd.s32 $0xFFFFE000  }
0x85: {  	[hbm4b:s9+s2] =	stream.linear.scatter [tilespmem:s14], [sflag:$0x3], $0xA000, $0x38;
	[tilespmem:$0x15900] =	vst v63  }
0x86: {  	_ =	swait.ge [sflag:s0], $0xA000  }
0x87: {  	[sflag:s0] =	ssyncset.done $0x0  }
0x88: {  	s31 =	simm.s32 $0x1400;
	[sflag:s0] =	ssyncadd.s32 $0xFFFF6000  }
0x89: {  	[tilespmem:s25], [sflag:$0x2] =	stream.indirect.gather [hbm4b:s3+s13], $0x40, s31, s13, $0xb8;
	[tilespmem:$0x15900] =	vst v63  }
0x8a: {  	s26 =	simm.s32 $0x1480  }
0x8b: {  	[tilespmem:s28], [sflag:$0x2] =	stream.indirect.gather [hbm4b:s3+s13], $0x40, s26, s13, $0xb8;
	[tilespmem:$0x15900] =	vst v63  }
0x8c: {  	s29 =	simm.s32 $0x1500  }
0x8d: {  	[tilespmem:s30], [sflag:$0x2] =	stream.indirect.gather [hbm4b:s3+s13], $0x40, s29, s13, $0xb8;
	[tilespmem:$0x15900] =	vst v63  }
0x8e: {  	s31 =	simm.s32 $0x1580  }
0x8f: {  	[tilespmem:s1], [sflag:$0x2] =	stream.indirect.gather [hbm4b:s3+s13], $0x40, s31, s13, $0xb8;
	[tilespmem:$0x15900] =	vst v63  }
0x90: {  	s26 =	simm.s32 $0x1600  }
0x91: {  	[tilespmem:s15], [sflag:$0x2] =	stream.indirect.gather [hbm4b:s3+s13], $0x40, s26, s13, $0xb8;
	[tilespmem:$0x15900] =	vst v63  }
0x92: {  	_ =	swait.ge [sflag:s17], $0x2000  }
0x93: {  	[sflag:s17] =	ssyncset.done $0x0  }
0x94: {  	[sflag:s17] =	ssyncadd.s32 $0xFFFFE000  }
0x95: {  	_ =	swait.ge [sflag:s17], $0x2000  }
0x96: {  	[sflag:s17] =	ssyncset.done $0x0  }
0x97: {  	[sflag:s17] =	ssyncadd.s32 $0xFFFFE000  }
0x98: {  	_ =	swait.ge [sflag:s17], $0x2000  }
0x99: {  	[sflag:s17] =	ssyncset.done $0x0  }
0x9a: {  	[sflag:s17] =	ssyncadd.s32 $0xFFFFE000  }
0x9b: {  	_ =	swait.ge [sflag:s17], $0x2000  }
0x9c: {  	[sflag:s17] =	ssyncset.done $0x0  }
0x9d: {  	[sflag:s17] =	ssyncadd.s32 $0xFFFFE000  }
0x9e: {  	_ =	swait.ge [sflag:s17], $0x2000  }
0x9f: {  	[sflag:s17] =	ssyncset.done $0x0  }
0xa0: {  	[sflag:s17] =	ssyncadd.s32 $0xFFFFE000  }
0xa1: {  	[hbm4b:s10+s2] =	stream.linear.scatter [tilespmem:s25], [sflag:$0x4], $0xA000, $0x38;
	[tilespmem:$0x15900] =	vst v63  }
0xa2: {  	_ =	swait.ge [sflag:s19], $0xA000  }
0xa3: {  	[sflag:s19] =	ssyncset.done $0x0  }
0xa4: {  	s29 =	simm.s32 $0x1680;
	[sflag:s19] =	ssyncadd.s32 $0xFFFF6000  }
0xa5: {  	[tilespmem:s14], [sflag:$0x1] =	stream.indirect.gather [hbm4b:s3+s13], $0x40, s29, s13, $0xb8;
	[tilespmem:$0x15900] =	vst v63  }
0xa6: {  	s31 =	simm.s32 $0x1700  }
0xa7: {  	[tilespmem:s16], [sflag:$0x1] =	stream.indirect.gather [hbm4b:s3+s13], $0x40, s31, s13, $0xb8;
	[tilespmem:$0x15900] =	vst v63  }
0xa8: {  	s26 =	simm.s32 $0x1780  }
0xa9: {  	[tilespmem:s18], [sflag:$0x1] =	stream.indirect.gather [hbm4b:s3+s13], $0x40, s26, s13, $0xb8;
	[tilespmem:$0x15900] =	vst v63  }
0xaa: {  	s29 =	simm.s32 $0x1800  }
0xab: {  	[tilespmem:s20], [sflag:$0x1] =	stream.indirect.gather [hbm4b:s3+s13], $0x40, s29, s13, $0xb8;
	[tilespmem:$0x15900] =	vst v63  }
0xac: {  	s31 =	simm.s32 $0x1880  }
0xad: {  	[tilespmem:s22], [sflag:$0x1] =	stream.indirect.gather [hbm4b:s3+s13], $0x40, s31, s13, $0xb8;
	[tilespmem:$0x15900] =	vst v63  }
0xae: {  	_ =	swait.ge [sflag:s23], $0x2000  }
0xaf: {  	[sflag:s23] =	ssyncset.done $0x0  }
0xb0: {  	[sflag:s23] =	ssyncadd.s32 $0xFFFFE000  }
0xb1: {  	_ =	swait.ge [sflag:s23], $0x2000  }
0xb2: {  	[sflag:s23] =	ssyncset.done $0x0  }
0xb3: {  	[sflag:s23] =	ssyncadd.s32 $0xFFFFE000  }
0xb4: {  	_ =	swait.ge [sflag:s23], $0x2000  }
0xb5: {  	[sflag:s23] =	ssyncset.done $0x0  }
0xb6: {  	[sflag:s23] =	ssyncadd.s32 $0xFFFFE000  }
0xb7: {  	_ =	swait.ge [sflag:s23], $0x2000  }
0xb8: {  	[sflag:s23] =	ssyncset.done $0x0  }
0xb9: {  	[sflag:s23] =	ssyncadd.s32 $0xFFFFE000  }
0xba: {  	_ =	swait.ge [sflag:s23], $0x2000  }
0xbb: {  	[sflag:s23] =	ssyncset.done $0x0  }
0xbc: {  	s21 =	sadd.s32 $0x1, s21;
	[sflag:s23] =	ssyncadd.s32 $0xFFFFE000  }
0xbd: {  	[hbm4b:s5+s2] =	stream.linear.scatter [tilespmem:s14], [sflag:$0x3], $0xA000, $0x38;
	[tilespmem:$0x15900] =	vst v63  }
0xbe: {  	p0 =	sne.s32 s21, s6;
	_ =	swait.ge [sflag:s19], $0xA000  }
.Ltmp1:
0xbf: {  	[sflag:s19] =	ssyncset.done $0x0;
	(pc) =	sbr.rel @p0 .LBB2_1-.Ltmp1, $4  }
0xc0: {  	[sflag:s19] =	ssyncadd.s32 $0xFFFF6000  }
0xc1: {  	_ =	swait.ge [sflag:s0], $0xA000  }
0xc2: {  	[sflag:s0] =	ssyncset.done $0x0  }
0xc3: {  	[sflag:s0] =	ssyncadd.s32 $0xFFFF6000  }
0xc4: {  	_ =	sfence.sel $0x180000  }
0xc5: {  	[bflag:$0x0] =	sbarrier.arrive $0xFFFF  }
0xc6: {  	_ =	strace $0x90000047  }
0xc7: {  	s0 =	stileid.u32;
	[bflag:$0x2] =	sbarrier.arrive $0xFFFF  }
0xc8: {  	p0 =	sne.s32 s0, $0x0;
	s0 =	rddreg [dreg:$0x1]  }
0xc9: {  	s0 =	sadd.s32 @!p0 $0x100000, s0  }
0xca: {  	[sflag:s0] =	ssyncadd.tile.s32 @!p0 $0x1;
	_ =	shalt  }
.Lfunc_end2:
_tile_overlayer_lowered:
.L_overlay_start_2:
0xcb: {  	(tag) =	ssettag $0x2  }
0xcc: {  	s0 =	rddreg [dreg:$0x0];
	s2 =	stileid.u32  }
0xcd: {  	s1 =	rddreg [dreg:$0x1];
	p0 =	sne.s32 s2, $0x0  }
0xce: {  	s3 =	rddreg [dreg:$0x2];
	[bflag:$0x3] =	sbarrier.arrive $0xFFFF;
	s2 =	simm.s32 @!p0 $0x1C05  }
0xcf: {  	[timem:s3], [sflag:s2] =	dma.local @!p0 [hbm:s0], s1  }
0xd0: {  	s0 =	simm.s32 @!p0 $0x5  }
0xd1: {  	_ =	swait.ge @!p0 [sflag:s0], s1  }
0xd2: {  	s1 =	ssub.s32 @!p0 $0x0, s1;
	[sflag:s0] =	ssyncset.done @!p0 $0x0  }
0xd3: {  	[sflag:s0] =	ssyncadd.s32 @!p0 s1  }
0xd4: {  	[bflag:$0x3] =	sbarrier.arrive $0xFFFF  }
0xd5: {  	_ =	shalt  }

// kernel: kernel.9.cloned.1.call-start
scs
__scs_entry_jumppad:
0x0: {  	(pc) =	sbr.rel $0x88, $3  }
0x1: {  	(tag) =	ssettag $0x0;
	lr =	simm.s32 $0x1  }
0x2: {  	[smem:$0x3F9A] =	sst lr;
	_ =	strace $0xD0000000  }
0x3: {  	_ = 	snop  }
0x4: {  	_ = 	snop  }
0x5: {  	_ = 	snop  }
0x6: {  	_ = 	snop  }
0x7: {  	_ = 	snop  }
__scs_overlays_trampoline_lowered:
0x8: {  	[smem:$0x3FA9] =	sst s0  }
0x9: {  	[smem:$0x3FAA] =	sst s1  }
0xa: {  	[smem:$0x3FAB] =	sst s2  }
0xb: {  	[smem:$0x3FAC] =	sst s3  }
0xc: {  	[smem:$0x3FAD] =	sst s4  }
0xd: {  	[smem:$0x3FAE] =	sst s5  }
0xe: {  	[smem:$0x3FAF] =	sst s6  }
0xf: {  	[smem:$0x3FB0] =	sst s7  }
0x10: {  	[smem:$0x3FB1] =	sst s8  }
0x11: {  	[smem:$0x3FB2] =	sst s9;
	s0 =	simm.s32 @!p0 $0x0  }
0x12: {  	s1 =	sld [smem:$0x3F98];
	s0 =	simm.s32 @p0 $0x1  }
0x13: {  	[smem:$0x3FB3] =	sst s0;
	s0 =	simm.s32 @!p1 $0x0  }
0x14: {  	s2 =	sld [smem:$0x3F97];
	s0 =	simm.s32 @p1 $0x1  }
0x15: {  	[smem:$0x3FB4] =	sst s0;
	s0 =	simm.s32 @!p2 $0x0  }
0x16: {  	s3 =	sld [smem:$0x3FDB];
	s0 =	simm.s32 @p2 $0x1  }
0x17: {  	s4 =	simm.s32 $0x1BF5;
	[smem:$0x3FB6] =	sst s0  }
0x18: {  	s0 =	sld [smem:$0x3F99];
	_ =	swait.ge [sflag:s4], $0x0  }
0x19: {  	s7 =	sld [smem:$0x3F9A]  }
0x1a: {  	s8 =	sadd.s32 $0xFFFFE003, lr  }
0x1b: {  	s9 =	sadd.s32 $0xFFFFFEF7, lr;
	s5 =	simm.s32 $0xFFFFFFFF;
	p2 =	slt.u32 s8, $0xFFFFF086  }
0x1c: {  	p1 =	slt.u32 s9, $0xF7A;
	s5 =	simm.s32 @!p2 $0x0  }
0x1d: {  	s5 =	simm.s32 @p1 $0x1;
	p0 =	seq.s32 s7, s2  }
0x1e: {  	s7 =	smul.u32 @!p0 $0xF7A, s2;
	p2 =	seq.s32 @!p0 s5, $0x0  }
0x1f: {  	s9 =	smul.u32 $0xF7A, s1;
	s8 =	simm.s32 @!p0 $0x1BF5;
	p2 =	por !p2, p0  }
0x20: {  	[sflag:s8] =	ssyncset.s32 @!p0 $0xFFFFF086;
	s6 =	sadd.s32 @!p0 s3, s7;
	s7 =	simm.s32 @!p0 $0x108  }
0x21: {  	s3 =	sadd.s32 s3, s9;
	s6 =	sadd.s32 @!p0 $0x88, s6;
	s7 =	simm.s32 @p2 $0x1082  }
0x22: {  	[simem:s7], [sflag:s8] =	dma.local @!p0 [hbm:s6], $0xF7A  }
0x23: {  	s9 =	sor.u32 $0xD0000000, s2;
	s6 =	simm.s32 $0x108;
	_ =	swait.ge @!p0 [sflag:s8], $0x0  }
0x24: {  	s3 =	sadd.s32 $0x88, s3;
	s6 =	simm.s32 @!p1 $0x1082;
	[sflag:s4] =	ssyncset.s32 $0xFFFFF086  }
0x25: {  	[simem:s6], [sflag:s4] =	dma.local [hbm:s3], $0xF7A  }
0x26: {  	[smem:$0x3F9A] =	sst s1;
	(tag) =	ssettag s2;
	_ =	strace s9  }
0x27: {  	s1 =	sld [smem:$0x3FAA]  }
0x28: {  	s2 =	sld [smem:$0x3FAB]  }
0x29: {  	s4 =	sld [smem:$0x3FAD]  }
0x2a: {  	p0 =	seq.s32 s5, $0x0;
	s5 =	sld [smem:$0x3FAE]  }
0x2b: {  	s6 =	sld [smem:$0x3FAF]  }
0x2c: {  	s7 =	sld [smem:$0x3FB0]  }
0x2d: {  	s3 =	simm.s32 $0x108;
	s8 =	sld [smem:$0x3FB1]  }
0x2e: {  	s3 =	simm.s32 @!p0 $0x1082;
	s9 =	sld [smem:$0x3FB2]  }
0x2f: {  	lr =	sadd.s32 s0, s3;
	s0 =	sld [smem:$0x3FA9]  }
0x30: {  	s3 =	sld [smem:$0x3FAC]  }
0x31: {  	[smem:$0x3FB5] =	sst s10  }
0x32: {  	s10 =	sld [smem:$0x3FB3];
	_ =	sdelay $0x3  }
0x33: {  	p0 =	seq.s32 s10, $0x1;
	s10 =	sld [smem:$0x3FB5];
	_ =	sdelay $0x3  }
0x34: {  	[smem:$0x3FB5] =	sst s10  }
0x35: {  	s10 =	sld [smem:$0x3FB4];
	_ =	sdelay $0x3  }
0x36: {  	p1 =	seq.s32 s10, $0x1;
	s10 =	sld [smem:$0x3FB5];
	_ =	sdelay $0x3  }
0x37: {  	[smem:$0x3FB5] =	sst s10  }
0x38: {  	s10 =	sld [smem:$0x3FB6]  }
0x39: {  	_ = 	snop;
	(pc) =	sbr.ind lr, $3  }
0x3a: {  	_ = 	snop  }
0x3b: {  	_ = 	snop  }
0x3c: {  	p2 =	seq.s32 s10, $0x1;
	s10 =	sld [smem:$0x3FB5]  }
0x3d: {  	_ =	shalt  }
0x3e: {  	_ =	shalt  }
0x3f: {  	_ =	shalt  }
0x40: {  	_ =	shalt  }
0x41: {  	_ =	shalt  }
0x42: {  	_ =	shalt  }
0x43: {  	_ =	shalt  }
0x44: {  	_ =	shalt  }
0x45: {  	_ =	shalt  }
0x46: {  	_ =	shalt  }
0x47: {  	_ =	shalt  }
0x48: {  	_ =	shalt  }
0x49: {  	_ =	shalt  }
0x4a: {  	_ =	shalt  }
0x4b: {  	_ =	shalt  }
0x4c: {  	_ =	shalt  }
0x4d: {  	_ =	shalt  }
0x4e: {  	_ =	shalt  }
0x4f: {  	_ =	shalt  }
0x50: {  	_ =	shalt  }
0x51: {  	_ =	shalt  }
0x52: {  	_ =	shalt  }
0x53: {  	_ =	shalt  }
0x54: {  	_ =	shalt  }
0x55: {  	_ =	shalt  }
0x56: {  	_ =	shalt  }
0x57: {  	_ =	shalt  }
0x58: {  	_ =	shalt  }
0x59: {  	_ =	shalt  }
0x5a: {  	_ =	shalt  }
0x5b: {  	_ =	shalt  }
0x5c: {  	_ =	shalt  }
0x5d: {  	_ =	shalt  }
0x5e: {  	_ =	shalt  }
0x5f: {  	_ =	shalt  }
0x60: {  	_ =	shalt  }
0x61: {  	_ =	shalt  }
0x62: {  	_ =	shalt  }
0x63: {  	_ =	shalt  }
0x64: {  	_ =	shalt  }
0x65: {  	_ =	shalt  }
0x66: {  	_ =	shalt  }
0x67: {  	_ =	shalt  }
0x68: {  	_ =	shalt  }
0x69: {  	_ =	shalt  }
0x6a: {  	_ =	shalt  }
0x6b: {  	_ =	shalt  }
0x6c: {  	_ =	shalt  }
0x6d: {  	_ =	shalt  }
0x6e: {  	_ =	shalt  }
0x6f: {  	_ =	shalt  }
0x70: {  	_ =	shalt  }
0x71: {  	_ =	shalt  }
0x72: {  	_ =	shalt  }
0x73: {  	_ =	shalt  }
0x74: {  	_ =	shalt  }
0x75: {  	_ =	shalt  }
0x76: {  	_ =	shalt  }
0x77: {  	_ =	shalt  }
0x78: {  	_ =	shalt  }
0x79: {  	_ =	shalt  }
0x7a: {  	_ =	shalt  }
0x7b: {  	_ =	shalt  }
0x7c: {  	_ =	shalt  }
0x7d: {  	_ =	shalt  }
0x7e: {  	_ =	shalt  }
0x7f: {  	_ =	shalt  }
0x80: {  	_ =	shalt  }
0x81: {  	_ =	shalt  }
0x82: {  	_ =	shalt  }
0x83: {  	_ =	shalt  }
0x84: {  	_ =	shalt  }
0x85: {  	_ =	shalt  }
0x86: {  	_ =	shalt  }
0x87: {  	_ =	shalt  }
.Lfunc_end0:
.L_simem_size_0:
called_computation.1_lowered:
.L_overlay_start_0:
0x88: {  	s2 =	sld [smem:$0x3FD9]  }
0x89: {  	s3 =	sld [smem:$0x3FFE];
	_ =	sdelay $0x1  }
0x8a: {  	s1 =	srdreg.scid  }
0x8b: {  	s0 =	sand.u32 $0x1, s1  }
0x8c: {  	s17 =	sshll.u32 s0, $0xA;
	s2 =	sadd.s32 s3, s2  }
0x8d: {  	s2 =	sadd.s32 s2, s17  }
0x8e: {  	[smem:$0x3FC1] =	sst s2  }
0x8f: {  	_ = 	snop  }
0x90: {  	(tm) =	ssettm $0x1  }
0x91: {  	s18 =	sld [smem:$0x3FFB];
	_ =	sdelay $0x3  }
0x92: {  	_ =	strace s18  }
0x93: {  	s2 =	sld [smem:$0x3FFC];
	_ =	sdelay $0x3  }
0x94: {  	_ =	strace s2  }
0x95: {  	s2 =	sld [smem:$0x3FFD];
	_ =	sdelay $0x3  }
0x96: {  	_ =	strace s2  }
0x97: {  	_ =	strace $0x8FFFFFFF  }
0x98: {  	s19 =	sld [smem:$0x3FDB];
	_ =	sdelay $0x1  }
0x99: {  	s20 =	simm.s32 $_scs_section_size  }
0x9a: {  	s4 =	simm.s32 $_size__tile_overlayer_lowered;
	s5 =	simm.s32 $_tile_overlayer_lowered  }
0x9b: {  	s6 =	simm.s32 $0x1BFF;
	s21 =	sshll.u32 s5, $0x1;
	s3 =	sadd.s32 s20, s19  }
0x9c: {  	s22 =	simm.s32 $0x0;
	s4 =	sshll.u32 s4, $0x1;
	s5 =	sadd.s32 s21, s3  }
0x9d: {  	[timem:s22], [sflag:s6] =	dma.local [hbm:s5], s4  }
0x9e: {  	_ =	swait.ge [sflag:s6], s4  }
0x9f: {  	s4 =	ssub.s32 $0x0, s4;
	[sflag:s6] =	ssyncset.done $0x0  }
0xa0: {  	[sflag:s6] =	ssyncadd.s32 s4;
	_ =	sdelay $0x1  }
0xa1: {  	s23 =	simm.s32 $0x1B8B  }
0xa2: {  	_ =	swait.ge [sflag:s23], $0x1  }
0xa3: {  	[sflag:s23] =	ssyncset.done $0x0  }
0xa4: {  	[sflag:s23] =	ssyncadd.s32 $0xFFFFFFFF  }
0xa5: {  	s4 =	sld [smem:$0x0]  }
0xa6: {  	s5 =	sand.u32 $0xFFFFFFFE, s1  }
0xa7: {  	p0 =	sne.s32 s1, s5  }
0xa8: {  	s5 =	sshll.u32 @p0 s5, $0xE  }
0xa9: {  	s5 =	sadd.s32 @p0 $0x11B8D, s5;
	s6 =	sshll.u32 @p0 s4, $0x11  }
0xaa: {  	s5 =	sor.u32 @p0 s6, s5  }
0xab: {  	[sflag:s5] =	ssyncadd.remote.s32 @p0 $0x1;
	_ =	sdelay $0x1  }
0xac: {  	s5 =	simm.s32 @p0 $0x1B8D  }
0xad: {  	_ =	swait.eq @p0 [sflag:s5], $0x1  }
0xae: {  	[sflag:s5] =	ssyncadd.s32 @p0 $0xFFFFFFFF  }
0xaf: {  	s6 =	sshll.u32 @!p0 s1, $0xE  }
0xb0: {  	s6 =	sor.u32 @!p0 $0x4000, s6;
	s5 =	simm.s32 @!p0 $0x1B8D  }
0xb1: {  	s4 =	sshll.u32 @!p0 s4, $0x11;
	s6 =	sadd.s32 @!p0 $0x11B8D, s6;
	_ =	swait.eq @!p0 [sflag:s5], $0x1  }
0xb2: {  	s4 =	sor.u32 @!p0 s4, s6;
	[sflag:s5] =	ssyncadd.s32 @!p0 $0xFFFFFFFF  }
0xb3: {  	s25 =	simm.s32 $0x1B8E;
	s24 =	sld [smem:$0x3FFE];
	[sflag:s4] =	ssyncadd.remote.s32 @!p0 $0x1  }
0xb4: {  	s26 =	simm.s32 $execute0_lowered;
	[smem:$0x3FD2] =	sst s25  }
0xb5: {  	s5 =	sshll.u32 s26, $0x1;
	_ =	strace $0x80000049;
	[dreg:$0x1] =	wrdreg $0xFFFFFFFF  }
0xb6: {  	s28 =	simm.s32 $_size_execute0_lowered;
	s3 =	sadd.s32 s3, s5;
	[dreg:$0x0] =	wrdreg $0x0  }
0xb7: {  	s5 =	sshll.u32 s28, $0x1;
	[dreg:$0x2] =	wrdreg s3  }
0xb8: {  	[dreg:$0x3] =	wrdreg s5  }
0xb9: {  	[dreg:$0x4] =	wrdreg $0xC0  }
0xba: {  	_ =	task [dreg:s22], $0x5FFFF  }
0xbb: {  	[dreg:$0x1] =	wrdreg $0xFFFFFFFF  }
0xbc: {  	[dreg:$0x0] =	wrdreg $0x60  }
0xbd: {  	[dreg:$0x2] =	wrdreg s24  }
0xbe: {  	[dreg:$0x3] =	wrdreg $0xA  }
0xbf: {  	_ =	task.clear_ibuf [dreg:s22], $0x4FFFF;
	_ =	strace $0x90000049  }
0xc0: {  	s29 =	simm.s32 $0xA;
	_ =	strace $0x8000004B  }
0xc1: {  	_ =	swait.ge [sflag:s29], $0x1  }
0xc2: {  	[sflag:s29] =	ssyncadd.s32 $0xFFFFFFFF  }
0xc3: {  	_ =	strace $0x9000004B  }
0xc4: {  	_ =	sfence  }
0xc5: {  	s30 =	sld [smem:$0x0];
	_ =	sdelay $0x2  }
0xc6: {  	s31 =	sshll.u32 s1, $0xD;
	s1 =	sshrl.u32 s1, $0x2  }
0xc7: {  	s4 =	sand.u32 $0x4000, s31;
	s1 =	sadd.s32 s1, s30  }
0xc8: {  	s0 =	sor.u32 s4, s0;
	s1 =	sshll.u32 s1, $0x11  }
0xc9: {  	s0 =	sor.u32 s1, s0  }
0xca: {  	s0 =	sadd.s32 $0x8F2B, s0  }
0xcb: {  	[sflag:s0] =	ssyncadd.remote.s32 $0x1  }
0xcc: {  	_ =	sfence.sel $0xFFFF  }
0xcd: {  	[dreg:$0x0] =	wrdreg $0xFFFFFFFF;
	(pc) =	sbr.abs _section_cstart, $3  }
0xce: {  	[dreg:$0x1] =	wrdreg $0xFFFFFFFF  }
0xcf: {  	_ =	task.clear_ibuf [dreg:s22], $0x2FFFF;
	_ =	strace $0x9FFFFFFF  }
0xd0: {  	(tm) =	ssettm $0x7FFFFFFF  }
0xd1: {  	_ =	shalt  }
tec
execute0_lowered:
.L_overlay_start_1:
0x0: {  	(tag) =	ssettag $0x1  }
0x1: {  	s0 =	srdreg.scid  }
0x2: {  	s2 =	stileid.u32;
	s1 =	rddreg [dreg:$0x0]  }
0x3: {  	s11 =	simm.s32 $0x5;
	s12 =	simm.s32 $0xC80;
	s13 =	simm.s32 $0x80  }
0x4: {  	s14 =	simm.s32 $0x1900;
	s16 =	simm.s32 $0x3900;
	s18 =	simm.s32 $0x5900  }
0x5: {  	s20 =	simm.s32 $0x7900;
	s22 =	simm.s32 $0x9900;
	s23 =	simm.s32 $0x1  }
0x6: {  	s25 =	simm.s32 $0xB900;
	s28 =	simm.s32 $0xD900;
	s30 =	simm.s32 $0xF900  }
0x7: {  	s15 =	simm.s32 $0x13900;
	s17 =	simm.s32 $0x2;
	s19 =	simm.s32 $0x3  }
0x8: {  	s0 =	sand.u32 $0x1, s0;
	s3 =	sshll.u32 s2, $0x1;
	s2 =	simm.s32 $0x0  }
0x9: {  	s21 =	simm.s32 $0x0;
	s4 =	sor.u32 s0, s3;
	[smem:$0x7FF] =	sst s2  }
0xa: {  	s3 =	sadd.s32 $0x4600, s1;
	s0 =	ssub.s32 $0x2, s0;
	s5 =	smul.u32 $0x190, s4  }
0xb: {  	_ =	strace $0x8000004A;
	s6 =	smul.u32 $0x32000, s4;
	s7 =	sshrl.u32 s0, $0x1  }
0xc: {  	v0 =	vlaneseq.u32;
	s8 =	smul.u32 $0x6400, s4;
	s0 =	ssub.s32 s0, s7;
	s5 =	sadd.s32 s5, s1  }
0xd: {  	v1 =	vand.u32 $0x3, v0;
	s1 =	sadd.s32 $0x192E00, s1;
	s6 =	sshrl.u32 s6, $0x3;
	s4 =	sadd.s32 $0x18FC00, s5  }
0xe: {  	v0 =	vmul.u32 $0x2, v0;
	v1 =	vmul.u32 $0x2, v1;
	s31 =	sadd.s32 s1, s6;
	s6 =	smax.u32 s0, $0x1;
	s7 =	sadd.s32 s1, s8  }
0xf: {  	s1 =	simm.s32 $0x11900;
	s0 =	simm.s32 $0x4;
	s5 =	sadd.s32 $0x5000, s31  }
0x10: {  	v2 =	vor.u32 $0x1, v0;
	v1 =	vor.u32 $0xFFFFFFF8, v1;
	s8 =	sadd.s32 $0x1400, s7;
	s9 =	sadd.s32 $0x2800, s7;
	s10 =	sadd.s32 $0x3C00, s7  }
.LBB2_1:
0x11: {  	[tilespmem:s2], [sflag:$0x5] =	stream.linear.gather [hbm4b:s4+s2], $0xC80, $0x38;
	[tilespmem:$0x15900] =	vst v63  }
0x12: {  	_ =	swait.ge [sflag:s11], $0xC80  }
0x13: {  	[sflag:s11] =	ssyncset.done $0x0  }
0x14: {  	s24 =	simm.s32 $0x650;
	[sflag:s11] =	ssyncadd.s32 $0xFFFFF380  }
0x15: {  	s26 =	simm.s32 $0x0;
	v3 =	vld [tilespmem:s24+$0xFFFFF9B0]  }
0x16: {  	v5 =	vor.u32 s26, v0;
	v4 =	vld [tilespmem:s24+$0xFFFFFFF0]  }
0x17: {  	v5 =	vand.u32 v1, v5  }
0x18: {  	v6 =	vor.u32 s26, v2;
	_ =	sdelay $0x1  }
0x19: {  	vm0 =	vgt.s32 v3, $0x1  }
0x1a: {  	vm13 =	vgt.s32 v4, $0x1;
	v3 =	vnsel vm0, $0x1, v3  }
0x1b: {  	v4 =	vnsel vm13, $0x1, v4;
	[tilespmem:v5+s12+$0x0] =	vst.idx.msk $0xffff, v3  }
0x1c: {  	[tilespmem:v6+s12+$0x0] =	vst.idx.msk $0xffff, v4  }
0x1d: {  	v3 =	vld [tilespmem:s24+$0xFFFFF9C0];
	_ =	sdelay $0x2  }
0x1e: {  	s26 =	simm.s32 $0x20  }
0x1f: {  	v5 =	vor.u32 s26, v0;
	v4 =	vld [tilespmem:s24+$0x0]  }
0x20: {  	v5 =	vand.u32 v1, v5;
	vm14 =	vgt.s32 v3, $0x1  }
0x21: {  	v6 =	vnsel vm14, $0x1, v3;
	v3 =	vor.u32 s26, v2;
	_ =	sdelay $0x2  }
0x22: {  	vm15 =	vgt.s32 v4, $0x1  }
0x23: {  	s29 =	simm.s32 $0x0;
	v4 =	vnsel vm15, $0x1, v4;
	[tilespmem:v5+s12+$0x0] =	vst.idx.msk $0xffff, v6  }
.LBB2_2:
0x24: {  	s29 =	sadd.s32 $0x2, s29;
	[tilespmem:v3+s12+$0x0] =	vst.idx.msk $0xffff, v4;
	s24 =	sadd.s32 $0x20, s24;
	s26 =	sadd.s32 $0x40, s26  }
0x25: {  	v3 =	vld [tilespmem:s24+$0xFFFFF9B0];
	s31 =	sadd.s32 $0xFFFFFFE0, s26;
	p0 =	slt.u32 s29, $0x62  }
0x26: {  	v4 =	vld [tilespmem:s24+$0xFFFFFFF0];
	v5 =	vor.u32 s31, v0  }
0x27: {  	v5 =	vand.u32 v1, v5  }
0x28: {  	v6 =	vor.u32 s31, v2;
	_ =	sdelay $0x1  }
0x29: {  	vm0 =	vgt.s32 v3, $0x1  }
0x2a: {  	v3 =	vnsel vm0, $0x1, v3;
	vm0 =	vgt.s32 v4, $0x1  }
0x2b: {  	v4 =	vnsel vm0, $0x1, v4;
	[tilespmem:v5+s12+$0x0] =	vst.idx.msk $0xffff, v3  }
0x2c: {  	[tilespmem:v6+s12+$0x0] =	vst.idx.msk $0xffff, v4  }
0x2d: {  	v4 =	vld [tilespmem:s24+$0xFFFFF9C0]  }
0x2e: {  	v3 =	vor.u32 s26, v0;
	v5 =	vld [tilespmem:s24+$0x0]  }
0x2f: {  	v6 =	vand.u32 v1, v3  }
.Ltmp0:
0x30: {  	v3 =	vor.u32 s26, v2;
	(pc) =	sbr.rel @p0 .LBB2_2-.Ltmp0, $4  }
0x31: {  	_ = 	snop  }
0x32: {  	vm0 =	vgt.s32 v4, $0x1  }
0x33: {  	v7 =	vnsel vm0, $0x1, v4;
	vm0 =	vgt.s32 v5, $0x1  }
0x34: {  	v4 =	vnsel vm0, $0x1, v5;
	[tilespmem:v6+s12+$0x0] =	vst.idx.msk $0xffff, v7  }
0x35: {  	_ =	sdelay $0x3  }
0x36: {  	[tilespmem:v3+s12+$0x0] =	vst.idx.msk $0xffff, v4  }
0x37: {  	[tilespmem:s14], [sflag:$0x1] =	stream.indirect.gather [hbm4b:s3+s13], $0x40, s12, s13, $0xb8;
	[tilespmem:$0x15900] =	vst v63  }
0x38: {  	s24 =	simm.s32 $0xD00  }
0x39: {  	[tilespmem:s16], [sflag:$0x1] =	stream.indirect.gather [hbm4b:s3+s13], $0x40, s24, s13, $0xb8;
	[tilespmem:$0x15900] =	vst v63  }
0x3a: {  	s29 =	simm.s32 $0xD80  }
0x3b: {  	[tilespmem:s18], [sflag:$0x1] =	stream.indirect.gather [hbm4b:s3+s13], $0x40, s29, s13, $0xb8;
	[tilespmem:$0x15900] =	vst v63  }
0x3c: {  	s31 =	simm.s32 $0xE00  }
0x3d: {  	[tilespmem:s20], [sflag:$0x1] =	stream.indirect.gather [hbm4b:s3+s13], $0x40, s31, s13, $0xb8;
	[tilespmem:$0x15900] =	vst v63  }
0x3e: {  	s26 =	simm.s32 $0xE80  }
0x3f: {  	[tilespmem:s22], [sflag:$0x1] =	stream.indirect.gather [hbm4b:s3+s13], $0x40, s26, s13, $0xb8;
	[tilespmem:$0x15900] =	vst v63  }
0x40: {  	_ =	swait.ge [sflag:s23], $0x2000  }
0x41: {  	[sflag:s23] =	ssyncset.done $0x0  }
0x42: {  	[sflag:s23] =	ssyncadd.s32 $0xFFFFE000  }
0x43: {  	_ =	swait.ge [sflag:s23], $0x2000  }
0x44: {  	[sflag:s23] =	ssyncset.done $0x0  }
0x45: {  	[sflag:s23] =	ssyncadd.s32 $0xFFFFE000  }
0x46: {  	_ =	swait.ge [sflag:s23], $0x2000  }
0x47: {  	[sflag:s23] =	ssyncset.done $0x0  }
0x48: {  	[sflag:s23] =	ssyncadd.s32 $0xFFFFE000  }
0x49: {  	_ =	swait.ge [sflag:s23], $0x2000  }
0x4a: {  	[sflag:s23] =	ssyncset.done $0x0  }
0x4b: {  	[sflag:s23] =	ssyncadd.s32 $0xFFFFE000  }
0x4c: {  	_ =	swait.ge [sflag:s23], $0x2000  }
0x4d: {  	[sflag:s23] =	ssyncset.done $0x0  }
0x4e: {  	[sflag:s23] =	ssyncadd.s32 $0xFFFFE000  }
0x4f: {  	[hbm4b:s7+s2] =	stream.linear.scatter [tilespmem:s14], [sflag:$0x3], $0xA000, $0x38;
	[tilespmem:$0x15900] =	vst v63  }
0x50: {  	s29 =	simm.s32 $0xF00  }
0x51: {  	[tilespmem:s25], [sflag:$0x2] =	stream.indirect.gather [hbm4b:s3+s13], $0x40, s29, s13, $0xb8;
	[tilespmem:$0x15900] =	vst v63  }
0x52: {  	s31 =	simm.s32 $0xF80  }
0x53: {  	[tilespmem:s28], [sflag:$0x2] =	stream.indirect.gather [hbm4b:s3+s13], $0x40, s31, s13, $0xb8;
	[tilespmem:$0x15900] =	vst v63  }
0x54: {  	s26 =	simm.s32 $0x1000  }
0x55: {  	[tilespmem:s30], [sflag:$0x2] =	stream.indirect.gather [hbm4b:s3+s13], $0x40, s26, s13, $0xb8;
	[tilespmem:$0x15900] =	vst v63  }
0x56: {  	s29 =	simm.s32 $0x1080  }
0x57: {  	[tilespmem:s1], [sflag:$0x2] =	stream.indirect.gather [hbm4b:s3+s13], $0x40, s29, s13, $0xb8;
	[tilespmem:$0x15900] =	vst v63  }
0x58: {  	s31 =	simm.s32 $0x1100  }
0x59: {  	[tilespmem:s15], [sflag:$0x2] =	stream.indirect.gather [hbm4b:s3+s13], $0x40, s31, s13, $0xb8;
	[tilespmem:$0x15900] =	vst v63  }
0x5a: {  	_ =	swait.ge [sflag:s17], $0x2000  }
0x5b: {  	[sflag:s17] =	ssyncset.done $0x0  }
0x5c: {  	[sflag:s17] =	ssyncadd.s32 $0xFFFFE000  }
0x5d: {  	_ =	swait.ge [sflag:s17], $0x2000  }
0x5e: {  	[sflag:s17] =	ssyncset.done $0x0  }
0x5f: {  	[sflag:s17] =	ssyncadd.s32 $0xFFFFE000  }
0x60: {  	_ =	swait.ge [sflag:s17], $0x2000  }
0x61: {  	[sflag:s17] =	ssyncset.done $0x0  }
0x62: {  	[sflag:s17] =	ssyncadd.s32 $0xFFFFE000  }
0x63: {  	_ =	swait.ge [sflag:s17], $0x2000  }
0x64: {  	[sflag:s17] =	ssyncset.done $0x0  }
0x65: {  	[sflag:s17] =	ssyncadd.s32 $0xFFFFE000  }
0x66: {  	_ =	swait.ge [sflag:s17], $0x2000  }
0x67: {  	[sflag:s17] =	ssyncset.done $0x0  }
0x68: {  	[sflag:s17] =	ssyncadd.s32 $0xFFFFE000  }
0x69: {  	[hbm4b:s8+s2] =	stream.linear.scatter [tilespmem:s25], [sflag:$0x4], $0xA000, $0x38;
	[tilespmem:$0x15900] =	vst v63  }
0x6a: {  	_ =	swait.ge [sflag:s19], $0xA000  }
0x6b: {  	[sflag:s19] =	ssyncset.done $0x0  }
0x6c: {  	s26 =	simm.s32 $0x1180;
	[sflag:s19] =	ssyncadd.s32 $0xFFFF6000  }
0x6d: {  	[tilespmem:s14], [sflag:$0x1] =	stream.indirect.gather [hbm4b:s3+s13], $0x40, s26, s13, $0xb8;
	[tilespmem:$0x15900] =	vst v63  }
0x6e: {  	s29 =	simm.s32 $0x1200  }
0x6f: {  	[tilespmem:s16], [sflag:$0x1] =	stream.indirect.gather [hbm4b:s3+s13], $0x40, s29, s13, $0xb8;
	[tilespmem:$0x15900] =	vst v63  }
0x70: {  	s31 =	simm.s32 $0x1280  }
0x71: {  	[tilespmem:s18], [sflag:$0x1] =	stream.indirect.gather [hbm4b:s3+s13], $0x40, s31, s13, $0xb8;
	[tilespmem:$0x15900] =	vst v63  }
0x72: {  	s26 =	simm.s32 $0x1300  }
0x73: {  	[tilespmem:s20], [sflag:$0x1] =	stream.indirect.gather [hbm4b:s3+s13], $0x40, s26, s13, $0xb8;
	[tilespmem:$0x15900] =	vst v63  }
0x74: {  	s29 =	simm.s32 $0x1380  }
0x75: {  	[tilespmem:s22], [sflag:$0x1] =	stream.indirect.gather [hbm4b:s3+s13], $0x40, s29, s13, $0xb8;
	[tilespmem:$0x15900] =	vst v63  }
0x76: {  	_ =	swait.ge [sflag:s23], $0x2000  }
0x77: {  	[sflag:s23] =	ssyncset.done $0x0  }
0x78: {  	[sflag:s23] =	ssyncadd.s32 $0xFFFFE000  }
0x79: {  	_ =	swait.ge [sflag:s23], $0x2000  }
0x7a: {  	[sflag:s23] =	ssyncset.done $0x0  }
0x7b: {  	[sflag:s23] =	ssyncadd.s32 $0xFFFFE000  }
0x7c: {  	_ =	swait.ge [sflag:s23], $0x2000  }
0x7d: {  	[sflag:s23] =	ssyncset.done $0x0  }
0x7e: {  	[sflag:s23] =	ssyncadd.s32 $0xFFFFE000  }
0x7f: {  	_ =	swait.ge [sflag:s23], $0x2000  }
0x80: {  	[sflag:s23] =	ssyncset.done $0x0  }
0x81: {  	[sflag:s23] =	ssyncadd.s32 $0xFFFFE000  }
0x82: {  	_ =	swait.ge [sflag:s23], $0x2000  }
0x83: {  	[sflag:s23] =	ssyncset.done $0x0  }
0x84: {  	[sflag:s23] =	ssyncadd.s32 $0xFFFFE000  }
0x85: {  	[hbm4b:s9+s2] =	stream.linear.scatter [tilespmem:s14], [sflag:$0x3], $0xA000, $0x38;
	[tilespmem:$0x15900] =	vst v63  }
0x86: {  	_ =	swait.ge [sflag:s0], $0xA000  }
0x87: {  	[sflag:s0] =	ssyncset.done $0x0  }
0x88: {  	s31 =	simm.s32 $0x1400;
	[sflag:s0] =	ssyncadd.s32 $0xFFFF6000  }
0x89: {  	[tilespmem:s25], [sflag:$0x2] =	stream.indirect.gather [hbm4b:s3+s13], $0x40, s31, s13, $0xb8;
	[tilespmem:$0x15900] =	vst v63  }
0x8a: {  	s26 =	simm.s32 $0x1480  }
0x8b: {  	[tilespmem:s28], [sflag:$0x2] =	stream.indirect.gather [hbm4b:s3+s13], $0x40, s26, s13, $0xb8;
	[tilespmem:$0x15900] =	vst v63  }
0x8c: {  	s29 =	simm.s32 $0x1500  }
0x8d: {  	[tilespmem:s30], [sflag:$0x2] =	stream.indirect.gather [hbm4b:s3+s13], $0x40, s29, s13, $0xb8;
	[tilespmem:$0x15900] =	vst v63  }
0x8e: {  	s31 =	simm.s32 $0x1580  }
0x8f: {  	[tilespmem:s1], [sflag:$0x2] =	stream.indirect.gather [hbm4b:s3+s13], $0x40, s31, s13, $0xb8;
	[tilespmem:$0x15900] =	vst v63  }
0x90: {  	s26 =	simm.s32 $0x1600  }
0x91: {  	[tilespmem:s15], [sflag:$0x2] =	stream.indirect.gather [hbm4b:s3+s13], $0x40, s26, s13, $0xb8;
	[tilespmem:$0x15900] =	vst v63  }
0x92: {  	_ =	swait.ge [sflag:s17], $0x2000  }
0x93: {  	[sflag:s17] =	ssyncset.done $0x0  }
0x94: {  	[sflag:s17] =	ssyncadd.s32 $0xFFFFE000  }
0x95: {  	_ =	swait.ge [sflag:s17], $0x2000  }
0x96: {  	[sflag:s17] =	ssyncset.done $0x0  }
0x97: {  	[sflag:s17] =	ssyncadd.s32 $0xFFFFE000  }
0x98: {  	_ =	swait.ge [sflag:s17], $0x2000  }
0x99: {  	[sflag:s17] =	ssyncset.done $0x0  }
0x9a: {  	[sflag:s17] =	ssyncadd.s32 $0xFFFFE000  }
0x9b: {  	_ =	swait.ge [sflag:s17], $0x2000  }
0x9c: {  	[sflag:s17] =	ssyncset.done $0x0  }
0x9d: {  	[sflag:s17] =	ssyncadd.s32 $0xFFFFE000  }
0x9e: {  	_ =	swait.ge [sflag:s17], $0x2000  }
0x9f: {  	[sflag:s17] =	ssyncset.done $0x0  }
0xa0: {  	[sflag:s17] =	ssyncadd.s32 $0xFFFFE000  }
0xa1: {  	[hbm4b:s10+s2] =	stream.linear.scatter [tilespmem:s25], [sflag:$0x4], $0xA000, $0x38;
	[tilespmem:$0x15900] =	vst v63  }
0xa2: {  	_ =	swait.ge [sflag:s19], $0xA000  }
0xa3: {  	[sflag:s19] =	ssyncset.done $0x0  }
0xa4: {  	s29 =	simm.s32 $0x1680;
	[sflag:s19] =	ssyncadd.s32 $0xFFFF6000  }
0xa5: {  	[tilespmem:s14], [sflag:$0x1] =	stream.indirect.gather [hbm4b:s3+s13], $0x40, s29, s13, $0xb8;
	[tilespmem:$0x15900] =	vst v63  }
0xa6: {  	s31 =	simm.s32 $0x1700  }
0xa7: {  	[tilespmem:s16], [sflag:$0x1] =	stream.indirect.gather [hbm4b:s3+s13], $0x40, s31, s13, $0xb8;
	[tilespmem:$0x15900] =	vst v63  }
0xa8: {  	s26 =	simm.s32 $0x1780  }
0xa9: {  	[tilespmem:s18], [sflag:$0x1] =	stream.indirect.gather [hbm4b:s3+s13], $0x40, s26, s13, $0xb8;
	[tilespmem:$0x15900] =	vst v63  }
0xaa: {  	s29 =	simm.s32 $0x1800  }
0xab: {  	[tilespmem:s20], [sflag:$0x1] =	stream.indirect.gather [hbm4b:s3+s13], $0x40, s29, s13, $0xb8;
	[tilespmem:$0x15900] =	vst v63  }
0xac: {  	s31 =	simm.s32 $0x1880  }
0xad: {  	[tilespmem:s22], [sflag:$0x1] =	stream.indirect.gather [hbm4b:s3+s13], $0x40, s31, s13, $0xb8;
	[tilespmem:$0x15900] =	vst v63  }
0xae: {  	_ =	swait.ge [sflag:s23], $0x2000  }
0xaf: {  	[sflag:s23] =	ssyncset.done $0x0  }
0xb0: {  	[sflag:s23] =	ssyncadd.s32 $0xFFFFE000  }
0xb1: {  	_ =	swait.ge [sflag:s23], $0x2000  }
0xb2: {  	[sflag:s23] =	ssyncset.done $0x0  }
0xb3: {  	[sflag:s23] =	ssyncadd.s32 $0xFFFFE000  }
0xb4: {  	_ =	swait.ge [sflag:s23], $0x2000  }
0xb5: {  	[sflag:s23] =	ssyncset.done $0x0  }
0xb6: {  	[sflag:s23] =	ssyncadd.s32 $0xFFFFE000  }
0xb7: {  	_ =	swait.ge [sflag:s23], $0x2000  }
0xb8: {  	[sflag:s23] =	ssyncset.done $0x0  }
0xb9: {  	[sflag:s23] =	ssyncadd.s32 $0xFFFFE000  }
0xba: {  	_ =	swait.ge [sflag:s23], $0x2000  }
0xbb: {  	[sflag:s23] =	ssyncset.done $0x0  }
0xbc: {  	s21 =	sadd.s32 $0x1, s21;
	[sflag:s23] =	ssyncadd.s32 $0xFFFFE000  }
0xbd: {  	[hbm4b:s5+s2] =	stream.linear.scatter [tilespmem:s14], [sflag:$0x3], $0xA000, $0x38;
	[tilespmem:$0x15900] =	vst v63  }
0xbe: {  	p0 =	sne.s32 s21, s6;
	_ =	swait.ge [sflag:s19], $0xA000  }
.Ltmp1:
0xbf: {  	[sflag:s19] =	ssyncset.done $0x0;
	(pc) =	sbr.rel @p0 .LBB2_1-.Ltmp1, $4  }
0xc0: {  	[sflag:s19] =	ssyncadd.s32 $0xFFFF6000  }
0xc1: {  	_ =	swait.ge [sflag:s0], $0xA000  }
0xc2: {  	[sflag:s0] =	ssyncset.done $0x0  }
0xc3: {  	[sflag:s0] =	ssyncadd.s32 $0xFFFF6000  }
0xc4: {  	_ =	sfence.sel $0x180000  }
0xc5: {  	[bflag:$0x0] =	sbarrier.arrive $0xFFFF  }
0xc6: {  	_ =	strace $0x9000004A  }
0xc7: {  	s0 =	stileid.u32;
	[bflag:$0x2] =	sbarrier.arrive $0xFFFF  }
0xc8: {  	p0 =	sne.s32 s0, $0x0;
	s0 =	rddreg [dreg:$0x1]  }
0xc9: {  	s0 =	sadd.s32 @!p0 $0x100000, s0  }
0xca: {  	[sflag:s0] =	ssyncadd.tile.s32 @!p0 $0x1;
	_ =	shalt  }
.Lfunc_end2:
_tile_overlayer_lowered:
.L_overlay_start_2:
0xcb: {  	(tag) =	ssettag $0x2  }
0xcc: {  	s0 =	rddreg [dreg:$0x0];
	s2 =	stileid.u32  }
0xcd: {  	s1 =	rddreg [dreg:$0x1];
	p0 =	sne.s32 s2, $0x0  }
0xce: {  	s3 =	rddreg [dreg:$0x2];
	[bflag:$0x3] =	sbarrier.arrive $0xFFFF;
	s2 =	simm.s32 @!p0 $0x1C05  }
0xcf: {  	[timem:s3], [sflag:s2] =	dma.local @!p0 [hbm:s0], s1  }
0xd0: {  	s0 =	simm.s32 @!p0 $0x5  }
0xd1: {  	_ =	swait.ge @!p0 [sflag:s0], s1  }
0xd2: {  	s1 =	ssub.s32 @!p0 $0x0, s1;
	[sflag:s0] =	ssyncset.done @!p0 $0x0  }
0xd3: {  	[sflag:s0] =	ssyncadd.s32 @!p0 s1  }
0xd4: {  	[bflag:$0x3] =	sbarrier.arrive $0xFFFF  }
0xd5: {  	_ =	shalt  }

</sc_bundles>
